<compile_context>
chip_gen: v7x
topology: tpu7x:2x2x1
jax: 0.10.2.dev20260603
libtpu: 0.0.44.dev20260713+nightly
codegen_flags: <defaults>
</compile_context>

<pallas_src>
import functools
import jax
import jax.numpy as jnp
from jax import lax
from jax.experimental import pallas as pl
from jax.experimental.pallas import tpu as pltpu
from jax.experimental.pallas import tpu_sc as plsc

N_NODES = 10000
N_PAD = 10112
E_EDGES = 160000
E_PAD = 163840
B_LBL_N = 20000
B_PAD = 20480
NC, NS = 2, 16
NW = NC * NS
CHUNK = 128
W128 = 128
F32 = jnp.float32


def _mesh():
    return plsc.VectorSubcoreMesh(core_axis_name="c", subcore_axis_name="s")


def _make_gather4(ep):
    n_chunks = ep // NW // CHUNK

    @functools.partial(
        pl.kernel,
        mesh=_mesh(),
        out_type=[jax.ShapeDtypeStruct((ep, W128), F32) for _ in range(4)],
        scratch_types=[
            pltpu.VMEM((CHUNK,), jnp.int32),
            pltpu.VMEM((CHUNK, W128), F32),
            pltpu.SemaphoreType.DMA,
        ],
    )
    def k(tab, src0, dst0, src1, dst1, gs0, gd0, gs1, gd1, idx_v, rows_v, sem):
        wid = lax.axis_index("s") * NC + lax.axis_index("c")

        def body(j, carry):
            base = wid * (n_chunks * CHUNK) + j * CHUNK
            for idx, go in ((src0, gs0), (dst0, gd0), (src1, gs1), (dst1, gd1)):
                pltpu.sync_copy(idx.at[pl.ds(base, CHUNK)], idx_v)
                pltpu.async_copy(tab.at[idx_v], rows_v, sem).wait()
                pltpu.sync_copy(rows_v, go.at[pl.ds(base, CHUNK)])
            return carry

        lax.fori_loop(0, n_chunks, body, 0)

    return k


def _make_gather_pair(bp):
    n_chunks = bp // NW // CHUNK

    @functools.partial(
        pl.kernel,
        mesh=_mesh(),
        out_type=[jax.ShapeDtypeStruct((bp, W128), F32) for _ in range(2)],
        scratch_types=[
            pltpu.VMEM((CHUNK,), jnp.int32),
            pltpu.VMEM((CHUNK, W128), F32),
            pltpu.SemaphoreType.DMA,
        ],
    )
    def k(tab, i0, i1, f0, f1, idx_v, rows_v, sem):
        wid = lax.axis_index("s") * NC + lax.axis_index("c")

        def body(j, carry):
            base = wid * (n_chunks * CHUNK) + j * CHUNK
            for idx, go in ((i0, f0), (i1, f1)):
                pltpu.sync_copy(idx.at[pl.ds(base, CHUNK)], idx_v)
                pltpu.async_copy(tab.at[idx_v], rows_v, sem).wait()
                pltpu.sync_copy(rows_v, go.at[pl.ds(base, CHUNK)])
            return carry

        lax.fori_loop(0, n_chunks, body, 0)

    return k


def _make_scatter(ep):
    n_chunks = ep // NW // CHUNK
    rows_per_sub = N_PAD // NS

    @functools.partial(
        pl.kernel,
        mesh=_mesh(),
        out_type=jax.ShapeDtypeStruct((NC, N_PAD, W128), F32),
        scratch_types=[
            pltpu.VMEM((CHUNK,), jnp.int32),
            pltpu.VMEM((CHUNK, W128), F32),
            pltpu.VMEM_SHARED((N_PAD, W128), F32),
            pltpu.SemaphoreType.DMA,
        ],
    )
    def k(zeros_hbm, dst, wv, out, idx_v, val_v, acc, sem):
        cid = lax.axis_index("c")
        sid = lax.axis_index("s")
        wid = sid * NC + cid
        rbase = sid * rows_per_sub
        pltpu.sync_copy(zeros_hbm.at[pl.ds(rbase, rows_per_sub)],
                        acc.at[pl.ds(rbase, rows_per_sub)])
        plsc.subcore_barrier()

        def body(j, carry):
            base = wid * (n_chunks * CHUNK) + j * CHUNK
            pltpu.sync_copy(dst.at[pl.ds(base, CHUNK)], idx_v)
            pltpu.sync_copy(wv.at[pl.ds(base, CHUNK)], val_v)
            pltpu.sync_copy(val_v, acc.at[idx_v], add=True)
            return carry

        lax.fori_loop(0, n_chunks, body, 0)
        plsc.subcore_barrier()
        pltpu.sync_copy(acc.at[pl.ds(rbase, rows_per_sub)],
                        out.at[cid, pl.ds(rbase, rows_per_sub)])

    return k


def _proj1_kernel(x_ref, w_ref, b_ref, as0_ref, ad0_ref, as1_ref, ad1_ref,
                  tab_ref):
    h = jnp.dot(x_ref[...], w_ref[...], preferred_element_type=F32, precision=lax.Precision.HIGHEST) + b_ref[...][None, :]
    tab_ref[:, :64] = h
    tab_ref[:, 64:65] = jnp.sum(h * as0_ref[...][None, :], axis=1, keepdims=True)
    tab_ref[:, 65:66] = jnp.sum(h * as1_ref[...][None, :], axis=1, keepdims=True)
    tab_ref[:, 66:67] = jnp.sum(h * ad0_ref[...][None, :], axis=1, keepdims=True)
    tab_ref[:, 67:68] = jnp.sum(h * ad1_ref[...][None, :], axis=1, keepdims=True)
    tab_ref[:, 68:] = jnp.zeros_like(tab_ref[:, 68:])


def _edge_kernel(gs_ref, gd_ref, out_ref, *, d, rel, blk, e_real):
    pid = pl.program_id(0)
    s = gs_ref[:, d + rel:d + rel + 1]
    dv = gd_ref[:, d + 2 + rel:d + 3 + rel]
    a = s + dv
    a = jnp.where(a >= 0, a, 0.2 * a)
    ex = jnp.exp(a)
    eid = pid * blk + lax.broadcasted_iota(jnp.int32, (blk, 1), 0)
    ex = jnp.where(eid < e_real, ex, 0.0)
    out_ref[:, :d] = gs_ref[:, :d] * ex
    out_ref[:, d:d + 1] = ex
    out_ref[:, d + 1:] = jnp.zeros_like(out_ref[:, d + 1:])


def _norm_kernel(acc_ref, o_ref, *, d):
    num = acc_ref[0, :, :d] + acc_ref[1, :, :d]
    den = acc_ref[0, :, d:d + 1] + acc_ref[1, :, d:d + 1]
    o_ref[...] = jax.nn.relu(num / (den + 1e-16))


def _semantic(o0, o1, kw, kb, q, d):
    rmask = (lax.broadcasted_iota(jnp.int32, (N_PAD, 1), 0) < N_NODES).astype(F32)
    t0 = jnp.tanh(jnp.dot(o0, kw, preferred_element_type=F32) + kb[None, :]) * rmask
    t1 = jnp.tanh(jnp.dot(o1, kw, preferred_element_type=F32) + kb[None, :]) * rmask
    k0 = jnp.sum(t0, axis=0, keepdims=True) / N_NODES
    k1 = jnp.sum(t1, axis=0, keepdims=True) / N_NODES
    s0 = jnp.sum(k0 * q[None, :])
    s1 = jnp.sum(k1 * q[None, :])
    m = jnp.maximum(s0, s1)
    e0 = jnp.exp(s0 - m)
    e1 = jnp.exp(s1 - m)
    a0 = e0 / (e0 + e1)
    a1 = e1 / (e0 + e1)
    return jax.nn.relu(a0 * o0 + a1 * o1)


def _combine1_kernel(o0_ref, o1_ref, kw_ref, kb_ref, q_ref,
                     w2_ref, b2_ref, as0_ref, ad0_ref, as1_ref, ad1_ref,
                     tab_ref):
    hr = _semantic(o0_ref[...], o1_ref[...], kw_ref[...], kb_ref[...],
                   q_ref[...], 64)
    h2 = jnp.dot(hr, w2_ref[...], preferred_element_type=F32, precision=lax.Precision.HIGHEST) + b2_ref[...][None, :]
    tab_ref[:, :32] = h2
    tab_ref[:, 32:33] = jnp.sum(h2 * as0_ref[...][None, :], axis=1, keepdims=True)
    tab_ref[:, 33:34] = jnp.sum(h2 * as1_ref[...][None, :], axis=1, keepdims=True)
    tab_ref[:, 34:35] = jnp.sum(h2 * ad0_ref[...][None, :], axis=1, keepdims=True)
    tab_ref[:, 35:36] = jnp.sum(h2 * ad1_ref[...][None, :], axis=1, keepdims=True)
    tab_ref[:, 36:] = jnp.zeros_like(tab_ref[:, 36:])


def _combine2_kernel(o0_ref, o1_ref, kw_ref, kb_ref, q_ref, tab_ref):
    tab_ref[:, :32] = _semantic(o0_ref[...], o1_ref[...], kw_ref[...],
                                kb_ref[...], q_ref[...], 32)
    tab_ref[:, 32:] = jnp.zeros_like(tab_ref[:, 32:])


def _final_kernel(f0_ref, f1_ref, wp_ref, bp_ref, out_ref):
    w = jnp.sum(wp_ref[...], axis=1)
    hh = f0_ref[:, :32] * f1_ref[:, :32]
    out_ref[...] = (jnp.sum(hh * w[None, :], axis=1, keepdims=True)
                    + jnp.sum(bp_ref[...]))


def _pad_idx(a, n):
    return jnp.concatenate([a, jnp.zeros((n - a.shape[0],), jnp.int32)])


def kernel(x_node, edge_index_rel0, edge_index_rel1, edge_label_index,
           W_proj1, b_proj1, att_src1_r0, att_dst1_r0, att_src1_r1, att_dst1_r1,
           kW1, kb1, q1,
           W_proj2, b_proj2, att_src2_r0, att_dst2_r0, att_src2_r1, att_dst2_r1,
           kW2, kb2, q2, W_post, b_post):
    x_pad = jnp.concatenate(
        [x_node, jnp.zeros((N_PAD - N_NODES, x_node.shape[1]), F32)])
    src0 = _pad_idx(edge_index_rel0[0], E_PAD)
    dst0 = _pad_idx(edge_index_rel0[1], E_PAD)
    src1 = _pad_idx(edge_index_rel1[0], E_PAD)
    dst1 = _pad_idx(edge_index_rel1[1], E_PAD)
    eli0 = _pad_idx(edge_label_index[0], B_PAD)
    eli1 = _pad_idx(edge_label_index[1], B_PAD)
    zeros = jnp.zeros((N_PAD, W128), F32)

    nblk = N_PAD // 8
    vec64 = pl.BlockSpec((64,), lambda i: (0,))
    tab1 = pl.pallas_call(
        _proj1_kernel,
        grid=(8,),
        in_specs=[pl.BlockSpec((nblk, 128), lambda i: (i, 0)),
                  pl.BlockSpec((128, 64), lambda i: (0, 0)),
                  vec64, vec64, vec64, vec64, vec64],
        out_specs=pl.BlockSpec((nblk, W128), lambda i: (i, 0)),
        out_shape=jax.ShapeDtypeStruct((N_PAD, W128), F32),
    )(x_pad, W_proj1, b_proj1, att_src1_r0, att_dst1_r0, att_src1_r1,
      att_dst1_r1)

    def run_layer(tab, d):
        gs0, gd0, gs1, gd1 = _make_gather4(E_PAD)(tab, src0, dst0, src1, dst1)
        blk = 4096
        grid = E_PAD // blk

        def edge(gs, gd, rel):
            return pl.pallas_call(
                functools.partial(_edge_kernel, d=d, rel=rel, blk=blk,
                                  e_real=E_EDGES),
                grid=(grid,),
                in_specs=[pl.BlockSpec((blk, W128), lambda i: (i, 0)),
                          pl.BlockSpec((blk, W128), lambda i: (i, 0))],
                out_specs=pl.BlockSpec((blk, W128), lambda i: (i, 0)),
                out_shape=jax.ShapeDtypeStruct((E_PAD, W128), F32),
            )(gs, gd)

        wr0 = edge(gs0, gd0, 0)
        wr1 = edge(gs1, gd1, 1)
        scat = _make_scatter(E_PAD)
        acc0 = scat(zeros, dst0, wr0)
        acc1 = scat(zeros, dst1, wr1)
        norm = pl.pallas_call(
            functools.partial(_norm_kernel, d=d),
            out_shape=jax.ShapeDtypeStruct((N_PAD, d), F32),
        )
        return norm(acc0), norm(acc1)

    o0, o1 = run_layer(tab1, 64)
    tab2 = pl.pallas_call(
        _combine1_kernel,
        out_shape=jax.ShapeDtypeStruct((N_PAD, W128), F32),
    )(o0, o1, kW1, kb1, q1, W_proj2, b_proj2,
      att_src2_r0, att_dst2_r0, att_src2_r1, att_dst2_r1)

    o0b, o1b = run_layer(tab2, 32)
    ftab = pl.pallas_call(
        _combine2_kernel,
        out_shape=jax.ShapeDtypeStruct((N_PAD, W128), F32),
    )(o0b, o1b, kW2, kb2, q2)

    f0, f1 = _make_gather_pair(B_PAD)(ftab, eli0, eli1)
    fblk = B_PAD // 5
    out = pl.pallas_call(
        _final_kernel,
        grid=(5,),
        in_specs=[pl.BlockSpec((fblk, W128), lambda i: (i, 0)),
                  pl.BlockSpec((fblk, W128), lambda i: (i, 0)),
                  pl.BlockSpec((32, 2), lambda i: (0, 0)),
                  pl.BlockSpec((2,), lambda i: (0,))],
        out_specs=pl.BlockSpec((fblk, 1), lambda i: (i, 0)),
        out_shape=jax.ShapeDtypeStruct((B_PAD, 1), F32),
    )(f0, f1, W_post, b_post)
    return out[:B_LBL_N, 0]

# --- scband reference (transcript-rebuilt; emitter-appended) ---
"""Pipeline reference for scband-icewshan-45646912422132 (READ-ONLY COPY).

The authoritative reference and input builder live on the scoring server;
editing this copy changes nothing except your own understanding.
"""

import jax, jax.numpy as jnp
import numpy as np

N = 10000
E = 160000
B_LBL = 20000
D_IN, D1, D2 = 128, 64, 32


def _seg_softmax_agg(h, src, dst, a_s, a_d):
    alpha = (h * a_s[None, :]).sum(-1)[src] + (h * a_d[None, :]).sum(-1)[dst]
    alpha = jax.nn.leaky_relu(alpha, negative_slope=0.2)
    amax = jax.ops.segment_max(alpha, dst, num_segments=N)
    amax = jax.lax.stop_gradient(jnp.where(jnp.isfinite(amax), amax, 0.0))
    ex = jnp.exp(alpha - amax[dst])
    den = jax.ops.segment_sum(ex, dst, num_segments=N)
    coef = ex / (den[dst] + 1e-16)
    out = jax.ops.segment_sum(h[src] * coef[:, None], dst, num_segments=N)
    return jax.nn.relu(out)


def _han_conv(x, W, b, ei0, ei1, as0, ad0, as1, ad1, kW, kb, q):
    h = x @ W + b
    o0 = _seg_softmax_agg(h, ei0[0], ei0[1], as0, ad0)
    o1 = _seg_softmax_agg(h, ei1[0], ei1[1], as1, ad1)
    stacked = jnp.stack([o0, o1])
    kmean = jnp.tanh(stacked @ kW + kb[None, None, :]).mean(axis=1)
    score = (kmean * q[None, :]).sum(-1)
    attn = jax.nn.softmax(score, axis=0)
    return (attn[:, None, None] * stacked).sum(axis=0)


def setup_inputs(seed: int = 0):
    key = jax.random.key(seed)
    ks = jax.random.split(key, 32)

    def gl(k, shape, fan_in):
        return (jax.random.normal(k, shape, dtype=jnp.float32) / np.sqrt(fan_in)).astype(jnp.float32)

    inp = {
        "x_node": jax.random.normal(ks[0], (N, D_IN), dtype=jnp.float32),
        "edge_index_rel0": jax.random.randint(ks[1], (2, E), 0, N, dtype=jnp.int32),
        "edge_index_rel1": jax.random.randint(ks[2], (2, E), 0, N, dtype=jnp.int32),
        "edge_label_index": jax.random.randint(ks[3], (2, B_LBL), 0, N, dtype=jnp.int32),
        "W_proj1": gl(ks[4], (D_IN, D1), D_IN),
        "b_proj1": jnp.zeros((D1,), jnp.float32),
        "att_src1_r0": gl(ks[5], (D1,), D1),
        "att_dst1_r0": gl(ks[6], (D1,), D1),
        "att_src1_r1": gl(ks[7], (D1,), D1),
        "att_dst1_r1": gl(ks[8], (D1,), D1),
        "kW1": gl(ks[9], (D1, D1), D1),
        "kb1": jnp.zeros((D1,), jnp.float32),
        "q1": gl(ks[10], (D1,), D1),
        "W_proj2": gl(ks[11], (D1, D2), D1),
        "b_proj2": jnp.zeros((D2,), jnp.float32),
        "att_src2_r0": gl(ks[12], (D2,), D2),
        "att_dst2_r0": gl(ks[13], (D2,), D2),
        "att_src2_r1": gl(ks[14], (D2,), D2),
        "att_dst2_r1": gl(ks[15], (D2,), D2),
        "kW2": gl(ks[16], (D2, D2), D2),
        "kb2": jnp.zeros((D2,), jnp.float32),
        "q2": gl(ks[17], (D2,), D2),
        "W_post": gl(ks[18], (D2, 2), D2),
        "b_post": jnp.zeros((2,), jnp.float32),
    }
    return inp


def reference(x_node, edge_index_rel0, edge_index_rel1, edge_label_index,
              W_proj1, b_proj1, att_src1_r0, att_dst1_r0, att_src1_r1, att_dst1_r1, kW1, kb1, q1,
              W_proj2, b_proj2, att_src2_r0, att_dst2_r0, att_src2_r1, att_dst2_r1, kW2, kb2, q2,
              W_post, b_post):
    h = _han_conv(x_node, W_proj1, b_proj1, edge_index_rel0, edge_index_rel1,
                  att_src1_r0, att_dst1_r0, att_src1_r1, att_dst1_r1, kW1, kb1, q1)
    h = jax.nn.relu(h)
    h = _han_conv(h, W_proj2, b_proj2, edge_index_rel0, edge_index_rel1,
                  att_src2_r0, att_dst2_r0, att_src2_r1, att_dst2_r1, kW2, kb2, q2)
    h = jax.nn.relu(h)
    h_src = h[edge_label_index[0]]
    h_dst = h[edge_label_index[1]]
    hh = h_src * h_dst
    out = hh @ W_post + b_post
    return jnp.sum(out, axis=-1)

if __name__ == "__main__":
    import jax
    _d = setup_inputs()
    print(jax.jit(kernel)(*tuple(_d.values())))

</pallas_src>

<mosaic_0001>
#map = affine_map<(d0, d1) -> (0, 0)>
#map1 = affine_map<(d0, d1) -> (0)>
#map2 = affine_map<(d0, d1) -> (0, 0, 0)>
module attributes {stable_mosaic.version = 14 : i64} {
  func.func @k(%arg0: i32, %arg1: i32, %arg2: memref<10112x128xf32, #tpu.memory_space<hbm>>, %arg3: memref<163840xi32, #tpu.memory_space<hbm>>, %arg4: memref<163840x128xf32, #tpu.memory_space<hbm>>, %arg5: memref<2x10112x128xf32, #tpu.memory_space<hbm>>, %arg6: memref<128xi32, #tpu.memory_space<vmem>>, %arg7: memref<128x128xf32, #tpu.memory_space<vmem>>, %arg8: memref<10112x128xf32, #tpu.memory_space<vmem_shared>>, %arg9: memref<!tpu.dma_semaphore, #tpu.memory_space<semaphore_mem>>) attributes {dimension_semantics = [#tpu.dimension_semantics<core_parallel>, #tpu.dimension_semantics<subcore_parallel>], iteration_bounds = array<i64: 2, 16>, scalar_prefetch = 0 : i64, scratch_operands = 4 : i64, tpu.core_type = #tpu.core_type<sc_vector_subcore>, window_params = [{transform_indices = #map}, {transform_indices = #map1}, {transform_indices = #map}, {transform_indices = #map2}]} {
    %mul3A = arith.constant 2 : i32
    %mul3A_0 = arith.muli %arg1, %mul3A : i32
    %add3A = arith.addi %mul3A_0, %arg0 : i32
    %mul3A_1 = arith.constant 632 : i32
    %mul3A_2 = arith.muli %arg1, %mul3A_1 : i32
    "tpu.region"() ({
      %run_scoped3A = tpu.sem_alloc : memref<!tpu.dma_semaphore, #tpu.memory_space<semaphore_mem>>
      %dma_start3A = arith.constant 0 : i32
      %dma_start3A_9 = tpu.memref_slice %arg8[%mul3A_2, %dma_start3A] : memref<10112x128xf32, #tpu.memory_space<vmem_shared>> -> memref<632x128xf32, #tpu.memory_space<vmem_shared>>
      %dma_start3A_10 = arith.constant 0 : i32
      %dma_start3A_11 = tpu.memref_slice %arg2[%mul3A_2, %dma_start3A_10] : memref<10112x128xf32, #tpu.memory_space<hbm>> -> memref<632x128xf32, #tpu.memory_space<hbm>>
      tpu.enqueue_dma source(%dma_start3A_11 : memref<632x128xf32, #tpu.memory_space<hbm>>) target(%dma_start3A_9 : memref<632x128xf32, #tpu.memory_space<vmem_shared>>) target_semaphore(%run_scoped3A : memref<!tpu.dma_semaphore, #tpu.memory_space<semaphore_mem>>)
      %dma_wait3A = arith.constant 0 : i32
      %dma_wait3A_12 = tpu.memref_slice %arg8[%mul3A_2, %dma_wait3A] : memref<10112x128xf32, #tpu.memory_space<vmem_shared>> -> memref<632x128xf32, #tpu.memory_space<vmem_shared>>
      %dma_wait3A_13 = arith.constant 0 : i32
      %dma_wait3A_14 = tpu.memref_slice %arg2[%mul3A_2, %dma_wait3A_13] : memref<10112x128xf32, #tpu.memory_space<hbm>> -> memref<632x128xf32, #tpu.memory_space<hbm>>
      tpu.wait_dma2 semaphore(%run_scoped3A : memref<!tpu.dma_semaphore, #tpu.memory_space<semaphore_mem>>) src(%dma_wait3A_14 : memref<632x128xf32, #tpu.memory_space<hbm>>) dst(%dma_wait3A_12 : memref<632x128xf32, #tpu.memory_space<vmem_shared>>)
      tpu.yield
    }) : () -> ()
    %barrier3A = arith.constant 0 : index
    tpu.barrier barrier_id(%barrier3A)
    %scan3A = arith.constant 0 : i32
    %scan3A_3 = arith.constant 0 : i32
    %scan3A_4 = arith.constant 40 : i32
    %scan3A_5 = arith.addi %scan3A_3, %scan3A_4 : i32
    %scan3A_6 = arith.constant 1 : i32
    scf.for %scan3A_9 = %scan3A_3 to %scan3A_5 step %scan3A_6  : i32 {
      %mul3A_10 = arith.constant 5120 : i32
      %mul3A_11 = arith.muli %add3A, %mul3A_10 : i32
      %mul3A_12 = arith.constant 128 : i32
      %mul3A_13 = arith.muli %scan3A_9, %mul3A_12 : i32
      %add3A_14 = arith.addi %mul3A_11, %mul3A_13 : i32
      "tpu.region"() ({
        %run_scoped3A = tpu.sem_alloc : memref<!tpu.dma_semaphore, #tpu.memory_space<semaphore_mem>>
        %dma_start3A = tpu.memref_slice %arg3[%add3A_14] : memref<163840xi32, #tpu.memory_space<hbm>> -> memref<128xi32, #tpu.memory_space<hbm>>
        %dma_start3A_15 = tpu.memref_slice %arg3[%add3A_14] : memref<163840xi32, #tpu.memory_space<hbm>> -> memref<128xi32, #tpu.memory_space<hbm>>
        tpu.enqueue_dma source(%dma_start3A_15 : memref<128xi32, #tpu.memory_space<hbm>>) target(%arg6 : memref<128xi32, #tpu.memory_space<vmem>>) target_semaphore(%run_scoped3A : memref<!tpu.dma_semaphore, #tpu.memory_space<semaphore_mem>>)
        %dma_wait3A = tpu.memref_slice %arg3[%add3A_14] : memref<163840xi32, #tpu.memory_space<hbm>> -> memref<128xi32, #tpu.memory_space<hbm>>
        %dma_wait3A_16 = tpu.memref_slice %arg3[%add3A_14] : memref<163840xi32, #tpu.memory_space<hbm>> -> memref<128xi32, #tpu.memory_space<hbm>>
        tpu.wait_dma2 semaphore(%run_scoped3A : memref<!tpu.dma_semaphore, #tpu.memory_space<semaphore_mem>>) src(%dma_wait3A_16 : memref<128xi32, #tpu.memory_space<hbm>>) dst(%arg6 : memref<128xi32, #tpu.memory_space<vmem>>)
        tpu.yield
      }) : () -> ()
      "tpu.region"() ({
        %run_scoped3A = tpu.sem_alloc : memref<!tpu.dma_semaphore, #tpu.memory_space<semaphore_mem>>
        %dma_start3A = arith.constant 0 : i32
        %dma_start3A_15 = tpu.memref_slice %arg4[%add3A_14, %dma_start3A] : memref<163840x128xf32, #tpu.memory_space<hbm>> -> memref<128x128xf32, #tpu.memory_space<hbm>>
        %dma_start3A_16 = arith.constant 0 : i32
        %dma_start3A_17 = tpu.memref_slice %arg4[%add3A_14, %dma_start3A_16] : memref<163840x128xf32, #tpu.memory_space<hbm>> -> memref<128x128xf32, #tpu.memory_space<hbm>>
        tpu.enqueue_dma source(%dma_start3A_17 : memref<128x128xf32, #tpu.memory_space<hbm>>) target(%arg7 : memref<128x128xf32, #tpu.memory_space<vmem>>) target_semaphore(%run_scoped3A : memref<!tpu.dma_semaphore, #tpu.memory_space<semaphore_mem>>)
        %dma_wait3A = arith.constant 0 : i32
        %dma_wait3A_18 = tpu.memref_slice %arg4[%add3A_14, %dma_wait3A] : memref<163840x128xf32, #tpu.memory_space<hbm>> -> memref<128x128xf32, #tpu.memory_space<hbm>>
        %dma_wait3A_19 = arith.constant 0 : i32
        %dma_wait3A_20 = tpu.memref_slice %arg4[%add3A_14, %dma_wait3A_19] : memref<163840x128xf32, #tpu.memory_space<hbm>> -> memref<128x128xf32, #tpu.memory_space<hbm>>
        tpu.wait_dma2 semaphore(%run_scoped3A : memref<!tpu.dma_semaphore, #tpu.memory_space<semaphore_mem>>) src(%dma_wait3A_20 : memref<128x128xf32, #tpu.memory_space<hbm>>) dst(%arg7 : memref<128x128xf32, #tpu.memory_space<vmem>>)
        tpu.yield
      }) : () -> ()
      "tpu.region"() ({
        %run_scoped3A = tpu.sem_alloc : memref<!tpu.dma_semaphore, #tpu.memory_space<semaphore_mem>>
        %dma_start3A = arith.constant 0 : i32
        %dma_start3A_15 = arith.constant 0 : i32
        %dma_start3A_16 = tpu.memref_slice %arg8[%dma_start3A, %dma_start3A_15] : memref<10112x128xf32, #tpu.memory_space<vmem_shared>> -> memref<10112x128xf32, #tpu.memory_space<vmem_shared>>
        tpu.enqueue_indirect_dma source(%arg7 : memref<128x128xf32, #tpu.memory_space<vmem>>) target(%dma_start3A_16 : memref<10112x128xf32, #tpu.memory_space<vmem_shared>>) offsets(%arg6 : memref<128xi32, #tpu.memory_space<vmem>>) semaphore(%run_scoped3A : memref<!tpu.dma_semaphore, #tpu.memory_space<semaphore_mem>>) {add = true}
        %dma_wait3A = arith.constant 0 : i32
        %dma_wait3A_17 = arith.constant 0 : i32
        %dma_wait3A_18 = tpu.memref_slice %arg8[%dma_wait3A, %dma_wait3A_17] : memref<10112x128xf32, #tpu.memory_space<vmem_shared>> -> memref<10112x128xf32, #tpu.memory_space<vmem_shared>>
        tpu.wait_indirect_dma semaphore(%run_scoped3A : memref<!tpu.dma_semaphore, #tpu.memory_space<semaphore_mem>>) src(%arg7 : memref<128x128xf32, #tpu.memory_space<vmem>>) dst(%dma_wait3A_18 : memref<10112x128xf32, #tpu.memory_space<vmem_shared>>)
        tpu.yield
      }) : () -> ()
    }
    %scan3A_7 = arith.constant 40 : i32
    %barrier3A_8 = arith.constant 0 : index
    tpu.barrier barrier_id(%barrier3A_8)
    "tpu.region"() ({
      %run_scoped3A = tpu.sem_alloc : memref<!tpu.dma_semaphore, #tpu.memory_space<semaphore_mem>>
      %dma_start3A = arith.constant 0 : i32
      %dma_start3A_9 = tpu.memref_slice %arg5[%arg0, %mul3A_2, %dma_start3A] : memref<2x10112x128xf32, #tpu.memory_space<hbm>> -> memref<1x632x128xf32, #tpu.memory_space<hbm>>
      %dma_start3A_10 = tpu.memref_squeeze %dma_start3A_9 : memref<1x632x128xf32, #tpu.memory_space<hbm>> -> memref<632x128xf32, #tpu.memory_space<hbm>>
      %dma_start3A_11 = arith.constant 0 : i32
      %dma_start3A_12 = tpu.memref_slice %arg8[%mul3A_2, %dma_start3A_11] : memref<10112x128xf32, #tpu.memory_space<vmem_shared>> -> memref<632x128xf32, #tpu.memory_space<vmem_shared>>
      tpu.enqueue_dma source(%dma_start3A_12 : memref<632x128xf32, #tpu.memory_space<vmem_shared>>) target(%dma_start3A_10 : memref<632x128xf32, #tpu.memory_space<hbm>>) target_semaphore(%run_scoped3A : memref<!tpu.dma_semaphore, #tpu.memory_space<semaphore_mem>>)
      %dma_wait3A = arith.constant 0 : i32
      %dma_wait3A_13 = tpu.memref_slice %arg5[%arg0, %mul3A_2, %dma_wait3A] : memref<2x10112x128xf32, #tpu.memory_space<hbm>> -> memref<1x632x128xf32, #tpu.memory_space<hbm>>
      %dma_wait3A_14 = tpu.memref_squeeze %dma_wait3A_13 : memref<1x632x128xf32, #tpu.memory_space<hbm>> -> memref<632x128xf32, #tpu.memory_space<hbm>>
      %dma_wait3A_15 = arith.constant 0 : i32
      %dma_wait3A_16 = tpu.memref_slice %arg8[%mul3A_2, %dma_wait3A_15] : memref<10112x128xf32, #tpu.memory_space<vmem_shared>> -> memref<632x128xf32, #tpu.memory_space<vmem_shared>>
      tpu.wait_dma2 semaphore(%run_scoped3A : memref<!tpu.dma_semaphore, #tpu.memory_space<semaphore_mem>>) src(%dma_wait3A_16 : memref<632x128xf32, #tpu.memory_space<vmem_shared>>) dst(%dma_wait3A_14 : memref<632x128xf32, #tpu.memory_space<hbm>>)
      tpu.yield
    }) : () -> ()
    return
  }
}

#map = affine_map<(d0, d1) -> (0, 0)>
#map1 = affine_map<(d0, d1) -> (0)>
#map2 = affine_map<(d0, d1) -> (0, 0, 0)>
module attributes {stable_mosaic.version = 14 : i64} {
  func.func @k(%arg0: i32, %arg1: i32, %arg2: memref<10112x128xf32, #tpu.memory_space<hbm>>, %arg3: memref<163840xi32, #tpu.memory_space<hbm>>, %arg4: memref<163840x128xf32, #tpu.memory_space<hbm>>, %arg5: memref<2x10112x128xf32, #tpu.memory_space<hbm>>, %arg6: memref<128xi32, #tpu.memory_space<vmem>>, %arg7: memref<128x128xf32, #tpu.memory_space<vmem>>, %arg8: memref<10112x128xf32, #tpu.memory_space<vmem_shared>>, %arg9: memref<!tpu.dma_semaphore, #tpu.memory_space<semaphore_mem>>) attributes {dimension_semantics = [#tpu.dimension_semantics<core_parallel>, #tpu.dimension_semantics<subcore_parallel>], iteration_bounds = array<i64: 2, 16>, scalar_prefetch = 0 : i64, scratch_operands = 4 : i64, tpu.core_type = #tpu.core_type<sc_vector_subcore>, window_params = [{transform_indices = #map}, {transform_indices = #map1}, {transform_indices = #map}, {transform_indices = #map2}]} {
    %mul3A = arith.constant 2 : i32
    %mul3A_0 = arith.muli %arg1, %mul3A : i32
    %add3A = arith.addi %mul3A_0, %arg0 : i32
    %mul3A_1 = arith.constant 632 : i32
    %mul3A_2 = arith.muli %arg1, %mul3A_1 : i32
    "tpu.region"() ({
      %run_scoped3A = tpu.sem_alloc : memref<!tpu.dma_semaphore, #tpu.memory_space<semaphore_mem>>
      %dma_start3A = arith.constant 0 : i32
      %dma_start3A_9 = tpu.memref_slice %arg8[%mul3A_2, %dma_start3A] : memref<10112x128xf32, #tpu.memory_space<vmem_shared>> -> memref<632x128xf32, #tpu.memory_space<vmem_shared>>
      %dma_start3A_10 = arith.constant 0 : i32
      %dma_start3A_11 = tpu.memref_slice %arg2[%mul3A_2, %dma_start3A_10] : memref<10112x128xf32, #tpu.memory_space<hbm>> -> memref<632x128xf32, #tpu.memory_space<hbm>>
      tpu.enqueue_dma source(%dma_start3A_11 : memref<632x128xf32, #tpu.memory_space<hbm>>) target(%dma_start3A_9 : memref<632x128xf32, #tpu.memory_space<vmem_shared>>) target_semaphore(%run_scoped3A : memref<!tpu.dma_semaphore, #tpu.memory_space<semaphore_mem>>)
      %dma_wait3A = arith.constant 0 : i32
      %dma_wait3A_12 = tpu.memref_slice %arg8[%mul3A_2, %dma_wait3A] : memref<10112x128xf32, #tpu.memory_space<vmem_shared>> -> memref<632x128xf32, #tpu.memory_space<vmem_shared>>
      %dma_wait3A_13 = arith.constant 0 : i32
      %dma_wait3A_14 = tpu.memref_slice %arg2[%mul3A_2, %dma_wait3A_13] : memref<10112x128xf32, #tpu.memory_space<hbm>> -> memref<632x128xf32, #tpu.memory_space<hbm>>
      tpu.wait_dma2 semaphore(%run_scoped3A : memref<!tpu.dma_semaphore, #tpu.memory_space<semaphore_mem>>) src(%dma_wait3A_14 : memref<632x128xf32, #tpu.memory_space<hbm>>) dst(%dma_wait3A_12 : memref<632x128xf32, #tpu.memory_space<vmem_shared>>)
      tpu.yield
    }) : () -> ()
    %barrier3A = arith.constant 0 : index
    tpu.barrier barrier_id(%barrier3A)
    %scan3A = arith.constant 0 : i32
    %scan3A_3 = arith.constant 0 : i32
    %scan3A_4 = arith.constant 40 : i32
    %scan3A_5 = arith.addi %scan3A_3, %scan3A_4 : i32
    %scan3A_6 = arith.constant 1 : i32
    scf.for %scan3A_9 = %scan3A_3 to %scan3A_5 step %scan3A_6  : i32 {
      %mul3A_10 = arith.constant 5120 : i32
      %mul3A_11 = arith.muli %add3A, %mul3A_10 : i32
      %mul3A_12 = arith.constant 128 : i32
      %mul3A_13 = arith.muli %scan3A_9, %mul3A_12 : i32
      %add3A_14 = arith.addi %mul3A_11, %mul3A_13 : i32
      "tpu.region"() ({
        %run_scoped3A = tpu.sem_alloc : memref<!tpu.dma_semaphore, #tpu.memory_space<semaphore_mem>>
        %dma_start3A = tpu.memref_slice %arg3[%add3A_14] : memref<163840xi32, #tpu.memory_space<hbm>> -> memref<128xi32, #tpu.memory_space<hbm>>
        %dma_start3A_15 = tpu.memref_slice %arg3[%add3A_14] : memref<163840xi32, #tpu.memory_space<hbm>> -> memref<128xi32, #tpu.memory_space<hbm>>
        tpu.enqueue_dma source(%dma_start3A_15 : memref<128xi32, #tpu.memory_space<hbm>>) target(%arg6 : memref<128xi32, #tpu.memory_space<vmem>>) target_semaphore(%run_scoped3A : memref<!tpu.dma_semaphore, #tpu.memory_space<semaphore_mem>>)
        %dma_wait3A = tpu.memref_slice %arg3[%add3A_14] : memref<163840xi32, #tpu.memory_space<hbm>> -> memref<128xi32, #tpu.memory_space<hbm>>
        %dma_wait3A_16 = tpu.memref_slice %arg3[%add3A_14] : memref<163840xi32, #tpu.memory_space<hbm>> -> memref<128xi32, #tpu.memory_space<hbm>>
        tpu.wait_dma2 semaphore(%run_scoped3A : memref<!tpu.dma_semaphore, #tpu.memory_space<semaphore_mem>>) src(%dma_wait3A_16 : memref<128xi32, #tpu.memory_space<hbm>>) dst(%arg6 : memref<128xi32, #tpu.memory_space<vmem>>)
        tpu.yield
      }) : () -> ()
      "tpu.region"() ({
        %run_scoped3A = tpu.sem_alloc : memref<!tpu.dma_semaphore, #tpu.memory_space<semaphore_mem>>
        %dma_start3A = arith.constant 0 : i32
        %dma_start3A_15 = tpu.memref_slice %arg4[%add3A_14, %dma_start3A] : memref<163840x128xf32, #tpu.memory_space<hbm>> -> memref<128x128xf32, #tpu.memory_space<hbm>>
        %dma_start3A_16 = arith.constant 0 : i32
        %dma_start3A_17 = tpu.memref_slice %arg4[%add3A_14, %dma_start3A_16] : memref<163840x128xf32, #tpu.memory_space<hbm>> -> memref<128x128xf32, #tpu.memory_space<hbm>>
        tpu.enqueue_dma source(%dma_start3A_17 : memref<128x128xf32, #tpu.memory_space<hbm>>) target(%arg7 : memref<128x128xf32, #tpu.memory_space<vmem>>) target_semaphore(%run_scoped3A : memref<!tpu.dma_semaphore, #tpu.memory_space<semaphore_mem>>)
        %dma_wait3A = arith.constant 0 : i32
        %dma_wait3A_18 = tpu.memref_slice %arg4[%add3A_14, %dma_wait3A] : memref<163840x128xf32, #tpu.memory_space<hbm>> -> memref<128x128xf32, #tpu.memory_space<hbm>>
        %dma_wait3A_19 = arith.constant 0 : i32
        %dma_wait3A_20 = tpu.memref_slice %arg4[%add3A_14, %dma_wait3A_19] : memref<163840x128xf32, #tpu.memory_space<hbm>> -> memref<128x128xf32, #tpu.memory_space<hbm>>
        tpu.wait_dma2 semaphore(%run_scoped3A : memref<!tpu.dma_semaphore, #tpu.memory_space<semaphore_mem>>) src(%dma_wait3A_20 : memref<128x128xf32, #tpu.memory_space<hbm>>) dst(%arg7 : memref<128x128xf32, #tpu.memory_space<vmem>>)
        tpu.yield
      }) : () -> ()
      "tpu.region"() ({
        %run_scoped3A = tpu.sem_alloc : memref<!tpu.dma_semaphore, #tpu.memory_space<semaphore_mem>>
        %dma_start3A = arith.constant 0 : i32
        %dma_start3A_15 = arith.constant 0 : i32
        %dma_start3A_16 = tpu.memref_slice %arg8[%dma_start3A, %dma_start3A_15] : memref<10112x128xf32, #tpu.memory_space<vmem_shared>> -> memref<10112x128xf32, #tpu.memory_space<vmem_shared>>
        tpu.enqueue_indirect_dma source(%arg7 : memref<128x128xf32, #tpu.memory_space<vmem>>) target(%dma_start3A_16 : memref<10112x128xf32, #tpu.memory_space<vmem_shared>>) offsets(%arg6 : memref<128xi32, #tpu.memory_space<vmem>>) semaphore(%run_scoped3A : memref<!tpu.dma_semaphore, #tpu.memory_space<semaphore_mem>>) {add = true}
        %dma_wait3A = arith.constant 0 : i32
        %dma_wait3A_17 = arith.constant 0 : i32
        %dma_wait3A_18 = tpu.memref_slice %arg8[%dma_wait3A, %dma_wait3A_17] : memref<10112x128xf32, #tpu.memory_space<vmem_shared>> -> memref<10112x128xf32, #tpu.memory_space<vmem_shared>>
        tpu.wait_indirect_dma semaphore(%run_scoped3A : memref<!tpu.dma_semaphore, #tpu.memory_space<semaphore_mem>>) src(%arg7 : memref<128x128xf32, #tpu.memory_space<vmem>>) dst(%dma_wait3A_18 : memref<10112x128xf32, #tpu.memory_space<vmem_shared>>)
        tpu.yield
      }) : () -> ()
    }
    %scan3A_7 = arith.constant 40 : i32
    %barrier3A_8 = arith.constant 0 : index
    tpu.barrier barrier_id(%barrier3A_8)
    "tpu.region"() ({
      %run_scoped3A = tpu.sem_alloc : memref<!tpu.dma_semaphore, #tpu.memory_space<semaphore_mem>>
      %dma_start3A = arith.constant 0 : i32
      %dma_start3A_9 = tpu.memref_slice %arg5[%arg0, %mul3A_2, %dma_start3A] : memref<2x10112x128xf32, #tpu.memory_space<hbm>> -> memref<1x632x128xf32, #tpu.memory_space<hbm>>
      %dma_start3A_10 = tpu.memref_squeeze %dma_start3A_9 : memref<1x632x128xf32, #tpu.memory_space<hbm>> -> memref<632x128xf32, #tpu.memory_space<hbm>>
      %dma_start3A_11 = arith.constant 0 : i32
      %dma_start3A_12 = tpu.memref_slice %arg8[%mul3A_2, %dma_start3A_11] : memref<10112x128xf32, #tpu.memory_space<vmem_shared>> -> memref<632x128xf32, #tpu.memory_space<vmem_shared>>
      tpu.enqueue_dma source(%dma_start3A_12 : memref<632x128xf32, #tpu.memory_space<vmem_shared>>) target(%dma_start3A_10 : memref<632x128xf32, #tpu.memory_space<hbm>>) target_semaphore(%run_scoped3A : memref<!tpu.dma_semaphore, #tpu.memory_space<semaphore_mem>>)
      %dma_wait3A = arith.constant 0 : i32
      %dma_wait3A_13 = tpu.memref_slice %arg5[%arg0, %mul3A_2, %dma_wait3A] : memref<2x10112x128xf32, #tpu.memory_space<hbm>> -> memref<1x632x128xf32, #tpu.memory_space<hbm>>
      %dma_wait3A_14 = tpu.memref_squeeze %dma_wait3A_13 : memref<1x632x128xf32, #tpu.memory_space<hbm>> -> memref<632x128xf32, #tpu.memory_space<hbm>>
      %dma_wait3A_15 = arith.constant 0 : i32
      %dma_wait3A_16 = tpu.memref_slice %arg8[%mul3A_2, %dma_wait3A_15] : memref<10112x128xf32, #tpu.memory_space<vmem_shared>> -> memref<632x128xf32, #tpu.memory_space<vmem_shared>>
      tpu.wait_dma2 semaphore(%run_scoped3A : memref<!tpu.dma_semaphore, #tpu.memory_space<semaphore_mem>>) src(%dma_wait3A_16 : memref<632x128xf32, #tpu.memory_space<vmem_shared>>) dst(%dma_wait3A_14 : memref<632x128xf32, #tpu.memory_space<hbm>>)
      tpu.yield
    }) : () -> ()
    return
  }
}

#map = affine_map<(d0, d1) -> (0, 0)>
#map1 = affine_map<(d0, d1) -> (0)>
module attributes {stable_mosaic.version = 14 : i64} {
  func.func @k(%arg0: i32, %arg1: i32, %arg2: memref<10112x128xf32, #tpu.memory_space<hbm>>, %arg3: memref<163840xi32, #tpu.memory_space<hbm>>, %arg4: memref<163840xi32, #tpu.memory_space<hbm>>, %arg5: memref<163840xi32, #tpu.memory_space<hbm>>, %arg6: memref<163840xi32, #tpu.memory_space<hbm>>, %arg7: memref<163840x128xf32, #tpu.memory_space<hbm>>, %arg8: memref<163840x128xf32, #tpu.memory_space<hbm>>, %arg9: memref<163840x128xf32, #tpu.memory_space<hbm>>, %arg10: memref<163840x128xf32, #tpu.memory_space<hbm>>, %arg11: memref<128xi32, #tpu.memory_space<vmem>>, %arg12: memref<128x128xf32, #tpu.memory_space<vmem>>, %arg13: memref<!tpu.dma_semaphore, #tpu.memory_space<semaphore_mem>>) attributes {dimension_semantics = [#tpu.dimension_semantics<core_parallel>, #tpu.dimension_semantics<subcore_parallel>], iteration_bounds = array<i64: 2, 16>, scalar_prefetch = 0 : i64, scratch_operands = 3 : i64, tpu.core_type = #tpu.core_type<sc_vector_subcore>, window_params = [{transform_indices = #map}, {transform_indices = #map1}, {transform_indices = #map1}, {transform_indices = #map1}, {transform_indices = #map1}, {transform_indices = #map}, {transform_indices = #map}, {transform_indices = #map}, {transform_indices = #map}]} {
    %mul3A = arith.constant 2 : i32
    %mul3A_0 = arith.muli %arg1, %mul3A : i32
    %add3A = arith.addi %mul3A_0, %arg0 : i32
    %scan3A = arith.constant 0 : i32
    %scan3A_1 = arith.constant 0 : i32
    %scan3A_2 = arith.constant 40 : i32
    %scan3A_3 = arith.addi %scan3A_1, %scan3A_2 : i32
    %scan3A_4 = arith.constant 1 : i32
    scf.for %scan3A_6 = %scan3A_1 to %scan3A_3 step %scan3A_4  : i32 {
      %mul3A_7 = arith.constant 5120 : i32
      %mul3A_8 = arith.muli %add3A, %mul3A_7 : i32
      %mul3A_9 = arith.constant 128 : i32
      %mul3A_10 = arith.muli %scan3A_6, %mul3A_9 : i32
      %add3A_11 = arith.addi %mul3A_8, %mul3A_10 : i32
      "tpu.region"() ({
        %run_scoped3A = tpu.sem_alloc : memref<!tpu.dma_semaphore, #tpu.memory_space<semaphore_mem>>
        %dma_start3A_34 = tpu.memref_slice %arg3[%add3A_11] : memref<163840xi32, #tpu.memory_space<hbm>> -> memref<128xi32, #tpu.memory_space<hbm>>
        %dma_start3A_35 = tpu.memref_slice %arg3[%add3A_11] : memref<163840xi32, #tpu.memory_space<hbm>> -> memref<128xi32, #tpu.memory_space<hbm>>
        tpu.enqueue_dma source(%dma_start3A_35 : memref<128xi32, #tpu.memory_space<hbm>>) target(%arg11 : memref<128xi32, #tpu.memory_space<vmem>>) target_semaphore(%run_scoped3A : memref<!tpu.dma_semaphore, #tpu.memory_space<semaphore_mem>>)
        %dma_wait3A_36 = tpu.memref_slice %arg3[%add3A_11] : memref<163840xi32, #tpu.memory_space<hbm>> -> memref<128xi32, #tpu.memory_space<hbm>>
        %dma_wait3A_37 = tpu.memref_slice %arg3[%add3A_11] : memref<163840xi32, #tpu.memory_space<hbm>> -> memref<128xi32, #tpu.memory_space<hbm>>
        tpu.wait_dma2 semaphore(%run_scoped3A : memref<!tpu.dma_semaphore, #tpu.memory_space<semaphore_mem>>) src(%dma_wait3A_37 : memref<128xi32, #tpu.memory_space<hbm>>) dst(%arg11 : memref<128xi32, #tpu.memory_space<vmem>>)
        tpu.yield
      }) : () -> ()
      %dma_start3A = arith.constant 0 : i32
      %dma_start3A_12 = arith.constant 0 : i32
      %dma_start3A_13 = tpu.memref_slice %arg2[%dma_start3A, %dma_start3A_12] : memref<10112x128xf32, #tpu.memory_space<hbm>> -> memref<10112x128xf32, #tpu.memory_space<hbm>>
      tpu.enqueue_indirect_dma source(%dma_start3A_13 : memref<10112x128xf32, #tpu.memory_space<hbm>>) target(%arg12 : memref<128x128xf32, #tpu.memory_space<vmem>>) offsets(%arg11 : memref<128xi32, #tpu.memory_space<vmem>>) semaphore(%arg13 : memref<!tpu.dma_semaphore, #tpu.memory_space<semaphore_mem>>)
      %dma_wait3A = arith.constant 0 : i32
      %dma_wait3A_14 = arith.constant 0 : i32
      %dma_wait3A_15 = tpu.memref_slice %arg2[%dma_wait3A, %dma_wait3A_14] : memref<10112x128xf32, #tpu.memory_space<hbm>> -> memref<10112x128xf32, #tpu.memory_space<hbm>>
      tpu.wait_indirect_dma semaphore(%arg13 : memref<!tpu.dma_semaphore, #tpu.memory_space<semaphore_mem>>) src(%dma_wait3A_15 : memref<10112x128xf32, #tpu.memory_space<hbm>>) dst(%arg12 : memref<128x128xf32, #tpu.memory_space<vmem>>)
      "tpu.region"() ({
        %run_scoped3A = tpu.sem_alloc : memref<!tpu.dma_semaphore, #tpu.memory_space<semaphore_mem>>
        %dma_start3A_34 = arith.constant 0 : i32
        %dma_start3A_35 = tpu.memref_slice %arg7[%add3A_11, %dma_start3A_34] : memref<163840x128xf32, #tpu.memory_space<hbm>> -> memref<128x128xf32, #tpu.memory_space<hbm>>
        %dma_start3A_36 = arith.constant 0 : i32
        %dma_start3A_37 = tpu.memref_slice %arg7[%add3A_11, %dma_start3A_36] : memref<163840x128xf32, #tpu.memory_space<hbm>> -> memref<128x128xf32, #tpu.memory_space<hbm>>
        tpu.enqueue_dma source(%arg12 : memref<128x128xf32, #tpu.memory_space<vmem>>) target(%dma_start3A_37 : memref<128x128xf32, #tpu.memory_space<hbm>>) target_semaphore(%run_scoped3A : memref<!tpu.dma_semaphore, #tpu.memory_space<semaphore_mem>>)
        %dma_wait3A_38 = arith.constant 0 : i32
        %dma_wait3A_39 = tpu.memref_slice %arg7[%add3A_11, %dma_wait3A_38] : memref<163840x128xf32, #tpu.memory_space<hbm>> -> memref<128x128xf32, #tpu.memory_space<hbm>>
        %dma_wait3A_40 = arith.constant 0 : i32
        %dma_wait3A_41 = tpu.memref_slice %arg7[%add3A_11, %dma_wait3A_40] : memref<163840x128xf32, #tpu.memory_space<hbm>> -> memref<128x128xf32, #tpu.memory_space<hbm>>
        tpu.wait_dma2 semaphore(%run_scoped3A : memref<!tpu.dma_semaphore, #tpu.memory_space<semaphore_mem>>) src(%arg12 : memref<128x128xf32, #tpu.memory_space<vmem>>) dst(%dma_wait3A_41 : memref<128x128xf32, #tpu.memory_space<hbm>>)
        tpu.yield
      }) : () -> ()
      "tpu.region"() ({
        %run_scoped3A = tpu.sem_alloc : memref<!tpu.dma_semaphore, #tpu.memory_space<semaphore_mem>>
        %dma_start3A_34 = tpu.memref_slice %arg4[%add3A_11] : memref<163840xi32, #tpu.memory_space<hbm>> -> memref<128xi32, #tpu.memory_space<hbm>>
        %dma_start3A_35 = tpu.memref_slice %arg4[%add3A_11] : memref<163840xi32, #tpu.memory_space<hbm>> -> memref<128xi32, #tpu.memory_space<hbm>>
        tpu.enqueue_dma source(%dma_start3A_35 : memref<128xi32, #tpu.memory_space<hbm>>) target(%arg11 : memref<128xi32, #tpu.memory_space<vmem>>) target_semaphore(%run_scoped3A : memref<!tpu.dma_semaphore, #tpu.memory_space<semaphore_mem>>)
        %dma_wait3A_36 = tpu.memref_slice %arg4[%add3A_11] : memref<163840xi32, #tpu.memory_space<hbm>> -> memref<128xi32, #tpu.memory_space<hbm>>
        %dma_wait3A_37 = tpu.memref_slice %arg4[%add3A_11] : memref<163840xi32, #tpu.memory_space<hbm>> -> memref<128xi32, #tpu.memory_space<hbm>>
        tpu.wait_dma2 semaphore(%run_scoped3A : memref<!tpu.dma_semaphore, #tpu.memory_space<semaphore_mem>>) src(%dma_wait3A_37 : memref<128xi32, #tpu.memory_space<hbm>>) dst(%arg11 : memref<128xi32, #tpu.memory_space<vmem>>)
        tpu.yield
      }) : () -> ()
      %dma_start3A_16 = arith.constant 0 : i32
      %dma_start3A_17 = arith.constant 0 : i32
      %dma_start3A_18 = tpu.memref_slice %arg2[%dma_start3A_16, %dma_start3A_17] : memref<10112x128xf32, #tpu.memory_space<hbm>> -> memref<10112x128xf32, #tpu.memory_space<hbm>>
      tpu.enqueue_indirect_dma source(%dma_start3A_18 : memref<10112x128xf32, #tpu.memory_space<hbm>>) target(%arg12 : memref<128x128xf32, #tpu.memory_space<vmem>>) offsets(%arg11 : memref<128xi32, #tpu.memory_space<vmem>>) semaphore(%arg13 : memref<!tpu.dma_semaphore, #tpu.memory_space<semaphore_mem>>)
      %dma_wait3A_19 = arith.constant 0 : i32
      %dma_wait3A_20 = arith.constant 0 : i32
      %dma_wait3A_21 = tpu.memref_slice %arg2[%dma_wait3A_19, %dma_wait3A_20] : memref<10112x128xf32, #tpu.memory_space<hbm>> -> memref<10112x128xf32, #tpu.memory_space<hbm>>
      tpu.wait_indirect_dma semaphore(%arg13 : memref<!tpu.dma_semaphore, #tpu.memory_space<semaphore_mem>>) src(%dma_wait3A_21 : memref<10112x128xf32, #tpu.memory_space<hbm>>) dst(%arg12 : memref<128x128xf32, #tpu.memory_space<vmem>>)
      "tpu.region"() ({
        %run_scoped3A = tpu.sem_alloc : memref<!tpu.dma_semaphore, #tpu.memory_space<semaphore_mem>>
        %dma_start3A_34 = arith.constant 0 : i32
        %dma_start3A_35 = tpu.memref_slice %arg8[%add3A_11, %dma_start3A_34] : memref<163840x128xf32, #tpu.memory_space<hbm>> -> memref<128x128xf32, #tpu.memory_space<hbm>>
        %dma_start3A_36 = arith.constant 0 : i32
        %dma_start3A_37 = tpu.memref_slice %arg8[%add3A_11, %dma_start3A_36] : memref<163840x128xf32, #tpu.memory_space<hbm>> -> memref<128x128xf32, #tpu.memory_space<hbm>>
        tpu.enqueue_dma source(%arg12 : memref<128x128xf32, #tpu.memory_space<vmem>>) target(%dma_start3A_37 : memref<128x128xf32, #tpu.memory_space<hbm>>) target_semaphore(%run_scoped3A : memref<!tpu.dma_semaphore, #tpu.memory_space<semaphore_mem>>)
        %dma_wait3A_38 = arith.constant 0 : i32
        %dma_wait3A_39 = tpu.memref_slice %arg8[%add3A_11, %dma_wait3A_38] : memref<163840x128xf32, #tpu.memory_space<hbm>> -> memref<128x128xf32, #tpu.memory_space<hbm>>
        %dma_wait3A_40 = arith.constant 0 : i32
        %dma_wait3A_41 = tpu.memref_slice %arg8[%add3A_11, %dma_wait3A_40] : memref<163840x128xf32, #tpu.memory_space<hbm>> -> memref<128x128xf32, #tpu.memory_space<hbm>>
        tpu.wait_dma2 semaphore(%run_scoped3A : memref<!tpu.dma_semaphore, #tpu.memory_space<semaphore_mem>>) src(%arg12 : memref<128x128xf32, #tpu.memory_space<vmem>>) dst(%dma_wait3A_41 : memref<128x128xf32, #tpu.memory_space<hbm>>)
        tpu.yield
      }) : () -> ()
      "tpu.region"() ({
        %run_scoped3A = tpu.sem_alloc : memref<!tpu.dma_semaphore, #tpu.memory_space<semaphore_mem>>
        %dma_start3A_34 = tpu.memref_slice %arg5[%add3A_11] : memref<163840xi32, #tpu.memory_space<hbm>> -> memref<128xi32, #tpu.memory_space<hbm>>
        %dma_start3A_35 = tpu.memref_slice %arg5[%add3A_11] : memref<163840xi32, #tpu.memory_space<hbm>> -> memref<128xi32, #tpu.memory_space<hbm>>
        tpu.enqueue_dma source(%dma_start3A_35 : memref<128xi32, #tpu.memory_space<hbm>>) target(%arg11 : memref<128xi32, #tpu.memory_space<vmem>>) target_semaphore(%run_scoped3A : memref<!tpu.dma_semaphore, #tpu.memory_space<semaphore_mem>>)
        %dma_wait3A_36 = tpu.memref_slice %arg5[%add3A_11] : memref<163840xi32, #tpu.memory_space<hbm>> -> memref<128xi32, #tpu.memory_space<hbm>>
        %dma_wait3A_37 = tpu.memref_slice %arg5[%add3A_11] : memref<163840xi32, #tpu.memory_space<hbm>> -> memref<128xi32, #tpu.memory_space<hbm>>
        tpu.wait_dma2 semaphore(%run_scoped3A : memref<!tpu.dma_semaphore, #tpu.memory_space<semaphore_mem>>) src(%dma_wait3A_37 : memref<128xi32, #tpu.memory_space<hbm>>) dst(%arg11 : memref<128xi32, #tpu.memory_space<vmem>>)
        tpu.yield
      }) : () -> ()
      %dma_start3A_22 = arith.constant 0 : i32
      %dma_start3A_23 = arith.constant 0 : i32
      %dma_start3A_24 = tpu.memref_slice %arg2[%dma_start3A_22, %dma_start3A_23] : memref<10112x128xf32, #tpu.memory_space<hbm>> -> memref<10112x128xf32, #tpu.memory_space<hbm>>
      tpu.enqueue_indirect_dma source(%dma_start3A_24 : memref<10112x128xf32, #tpu.memory_space<hbm>>) target(%arg12 : memref<128x128xf32, #tpu.memory_space<vmem>>) offsets(%arg11 : memref<128xi32, #tpu.memory_space<vmem>>) semaphore(%arg13 : memref<!tpu.dma_semaphore, #tpu.memory_space<semaphore_mem>>)
      %dma_wait3A_25 = arith.constant 0 : i32
      %dma_wait3A_26 = arith.constant 0 : i32
      %dma_wait3A_27 = tpu.memref_slice %arg2[%dma_wait3A_25, %dma_wait3A_26] : memref<10112x128xf32, #tpu.memory_space<hbm>> -> memref<10112x128xf32, #tpu.memory_space<hbm>>
      tpu.wait_indirect_dma semaphore(%arg13 : memref<!tpu.dma_semaphore, #tpu.memory_space<semaphore_mem>>) src(%dma_wait3A_27 : memref<10112x128xf32, #tpu.memory_space<hbm>>) dst(%arg12 : memref<128x128xf32, #tpu.memory_space<vmem>>)
      "tpu.region"() ({
        %run_scoped3A = tpu.sem_alloc : memref<!tpu.dma_semaphore, #tpu.memory_space<semaphore_mem>>
        %dma_start3A_34 = arith.constant 0 : i32
        %dma_start3A_35 = tpu.memref_slice %arg9[%add3A_11, %dma_start3A_34] : memref<163840x128xf32, #tpu.memory_space<hbm>> -> memref<128x128xf32, #tpu.memory_space<hbm>>
        %dma_start3A_36 = arith.constant 0 : i32
        %dma_start3A_37 = tpu.memref_slice %arg9[%add3A_11, %dma_start3A_36] : memref<163840x128xf32, #tpu.memory_space<hbm>> -> memref<128x128xf32, #tpu.memory_space<hbm>>
        tpu.enqueue_dma source(%arg12 : memref<128x128xf32, #tpu.memory_space<vmem>>) target(%dma_start3A_37 : memref<128x128xf32, #tpu.memory_space<hbm>>) target_semaphore(%run_scoped3A : memref<!tpu.dma_semaphore, #tpu.memory_space<semaphore_mem>>)
        %dma_wait3A_38 = arith.constant 0 : i32
        %dma_wait3A_39 = tpu.memref_slice %arg9[%add3A_11, %dma_wait3A_38] : memref<163840x128xf32, #tpu.memory_space<hbm>> -> memref<128x128xf32, #tpu.memory_space<hbm>>
        %dma_wait3A_40 = arith.constant 0 : i32
        %dma_wait3A_41 = tpu.memref_slice %arg9[%add3A_11, %dma_wait3A_40] : memref<163840x128xf32, #tpu.memory_space<hbm>> -> memref<128x128xf32, #tpu.memory_space<hbm>>
        tpu.wait_dma2 semaphore(%run_scoped3A : memref<!tpu.dma_semaphore, #tpu.memory_space<semaphore_mem>>) src(%arg12 : memref<128x128xf32, #tpu.memory_space<vmem>>) dst(%dma_wait3A_41 : memref<128x128xf32, #tpu.memory_space<hbm>>)
        tpu.yield
      }) : () -> ()
      "tpu.region"() ({
        %run_scoped3A = tpu.sem_alloc : memref<!tpu.dma_semaphore, #tpu.memory_space<semaphore_mem>>
        %dma_start3A_34 = tpu.memref_slice %arg6[%add3A_11] : memref<163840xi32, #tpu.memory_space<hbm>> -> memref<128xi32, #tpu.memory_space<hbm>>
        %dma_start3A_35 = tpu.memref_slice %arg6[%add3A_11] : memref<163840xi32, #tpu.memory_space<hbm>> -> memref<128xi32, #tpu.memory_space<hbm>>
        tpu.enqueue_dma source(%dma_start3A_35 : memref<128xi32, #tpu.memory_space<hbm>>) target(%arg11 : memref<128xi32, #tpu.memory_space<vmem>>) target_semaphore(%run_scoped3A : memref<!tpu.dma_semaphore, #tpu.memory_space<semaphore_mem>>)
        %dma_wait3A_36 = tpu.memref_slice %arg6[%add3A_11] : memref<163840xi32, #tpu.memory_space<hbm>> -> memref<128xi32, #tpu.memory_space<hbm>>
        %dma_wait3A_37 = tpu.memref_slice %arg6[%add3A_11] : memref<163840xi32, #tpu.memory_space<hbm>> -> memref<128xi32, #tpu.memory_space<hbm>>
        tpu.wait_dma2 semaphore(%run_scoped3A : memref<!tpu.dma_semaphore, #tpu.memory_space<semaphore_mem>>) src(%dma_wait3A_37 : memref<128xi32, #tpu.memory_space<hbm>>) dst(%arg11 : memref<128xi32, #tpu.memory_space<vmem>>)
        tpu.yield
      }) : () -> ()
      %dma_start3A_28 = arith.constant 0 : i32
      %dma_start3A_29 = arith.constant 0 : i32
      %dma_start3A_30 = tpu.memref_slice %arg2[%dma_start3A_28, %dma_start3A_29] : memref<10112x128xf32, #tpu.memory_space<hbm>> -> memref<10112x128xf32, #tpu.memory_space<hbm>>
      tpu.enqueue_indirect_dma source(%dma_start3A_30 : memref<10112x128xf32, #tpu.memory_space<hbm>>) target(%arg12 : memref<128x128xf32, #tpu.memory_space<vmem>>) offsets(%arg11 : memref<128xi32, #tpu.memory_space<vmem>>) semaphore(%arg13 : memref<!tpu.dma_semaphore, #tpu.memory_space<semaphore_mem>>)
      %dma_wait3A_31 = arith.constant 0 : i32
      %dma_wait3A_32 = arith.constant 0 : i32
      %dma_wait3A_33 = tpu.memref_slice %arg2[%dma_wait3A_31, %dma_wait3A_32] : memref<10112x128xf32, #tpu.memory_space<hbm>> -> memref<10112x128xf32, #tpu.memory_space<hbm>>
      tpu.wait_indirect_dma semaphore(%arg13 : memref<!tpu.dma_semaphore, #tpu.memory_space<semaphore_mem>>) src(%dma_wait3A_33 : memref<10112x128xf32, #tpu.memory_space<hbm>>) dst(%arg12 : memref<128x128xf32, #tpu.memory_space<vmem>>)
      "tpu.region"() ({
        %run_scoped3A = tpu.sem_alloc : memref<!tpu.dma_semaphore, #tpu.memory_space<semaphore_mem>>
        %dma_start3A_34 = arith.constant 0 : i32
        %dma_start3A_35 = tpu.memref_slice %arg10[%add3A_11, %dma_start3A_34] : memref<163840x128xf32, #tpu.memory_space<hbm>> -> memref<128x128xf32, #tpu.memory_space<hbm>>
        %dma_start3A_36 = arith.constant 0 : i32
        %dma_start3A_37 = tpu.memref_slice %arg10[%add3A_11, %dma_start3A_36] : memref<163840x128xf32, #tpu.memory_space<hbm>> -> memref<128x128xf32, #tpu.memory_space<hbm>>
        tpu.enqueue_dma source(%arg12 : memref<128x128xf32, #tpu.memory_space<vmem>>) target(%dma_start3A_37 : memref<128x128xf32, #tpu.memory_space<hbm>>) target_semaphore(%run_scoped3A : memref<!tpu.dma_semaphore, #tpu.memory_space<semaphore_mem>>)
        %dma_wait3A_38 = arith.constant 0 : i32
        %dma_wait3A_39 = tpu.memref_slice %arg10[%add3A_11, %dma_wait3A_38] : memref<163840x128xf32, #tpu.memory_space<hbm>> -> memref<128x128xf32, #tpu.memory_space<hbm>>
        %dma_wait3A_40 = arith.constant 0 : i32
        %dma_wait3A_41 = tpu.memref_slice %arg10[%add3A_11, %dma_wait3A_40] : memref<163840x128xf32, #tpu.memory_space<hbm>> -> memref<128x128xf32, #tpu.memory_space<hbm>>
        tpu.wait_dma2 semaphore(%run_scoped3A : memref<!tpu.dma_semaphore, #tpu.memory_space<semaphore_mem>>) src(%arg12 : memref<128x128xf32, #tpu.memory_space<vmem>>) dst(%dma_wait3A_41 : memref<128x128xf32, #tpu.memory_space<hbm>>)
        tpu.yield
      }) : () -> ()
    }
    %scan3A_5 = arith.constant 40 : i32
    return
  }
}

#map = affine_map<(d0, d1) -> (0, 0)>
#map1 = affine_map<(d0, d1) -> (0)>
module attributes {stable_mosaic.version = 14 : i64} {
  func.func @k(%arg0: i32, %arg1: i32, %arg2: memref<10112x128xf32, #tpu.memory_space<hbm>>, %arg3: memref<163840xi32, #tpu.memory_space<hbm>>, %arg4: memref<163840xi32, #tpu.memory_space<hbm>>, %arg5: memref<163840xi32, #tpu.memory_space<hbm>>, %arg6: memref<163840xi32, #tpu.memory_space<hbm>>, %arg7: memref<163840x128xf32, #tpu.memory_space<hbm>>, %arg8: memref<163840x128xf32, #tpu.memory_space<hbm>>, %arg9: memref<163840x128xf32, #tpu.memory_space<hbm>>, %arg10: memref<163840x128xf32, #tpu.memory_space<hbm>>, %arg11: memref<128xi32, #tpu.memory_space<vmem>>, %arg12: memref<128x128xf32, #tpu.memory_space<vmem>>, %arg13: memref<!tpu.dma_semaphore, #tpu.memory_space<semaphore_mem>>) attributes {dimension_semantics = [#tpu.dimension_semantics<core_parallel>, #tpu.dimension_semantics<subcore_parallel>], iteration_bounds = array<i64: 2, 16>, scalar_prefetch = 0 : i64, scratch_operands = 3 : i64, tpu.core_type = #tpu.core_type<sc_vector_subcore>, window_params = [{transform_indices = #map}, {transform_indices = #map1}, {transform_indices = #map1}, {transform_indices = #map1}, {transform_indices = #map1}, {transform_indices = #map}, {transform_indices = #map}, {transform_indices = #map}, {transform_indices = #map}]} {
    %mul3A = arith.constant 2 : i32
    %mul3A_0 = arith.muli %arg1, %mul3A : i32
    %add3A = arith.addi %mul3A_0, %arg0 : i32
    %scan3A = arith.constant 0 : i32
    %scan3A_1 = arith.constant 0 : i32
    %scan3A_2 = arith.constant 40 : i32
    %scan3A_3 = arith.addi %scan3A_1, %scan3A_2 : i32
    %scan3A_4 = arith.constant 1 : i32
    scf.for %scan3A_6 = %scan3A_1 to %scan3A_3 step %scan3A_4  : i32 {
      %mul3A_7 = arith.constant 5120 : i32
      %mul3A_8 = arith.muli %add3A, %mul3A_7 : i32
      %mul3A_9 = arith.constant 128 : i32
      %mul3A_10 = arith.muli %scan3A_6, %mul3A_9 : i32
      %add3A_11 = arith.addi %mul3A_8, %mul3A_10 : i32
      "tpu.region"() ({
        %run_scoped3A = tpu.sem_alloc : memref<!tpu.dma_semaphore, #tpu.memory_space<semaphore_mem>>
        %dma_start3A_34 = tpu.memref_slice %arg3[%add3A_11] : memref<163840xi32, #tpu.memory_space<hbm>> -> memref<128xi32, #tpu.memory_space<hbm>>
        %dma_start3A_35 = tpu.memref_slice %arg3[%add3A_11] : memref<163840xi32, #tpu.memory_space<hbm>> -> memref<128xi32, #tpu.memory_space<hbm>>
        tpu.enqueue_dma source(%dma_start3A_35 : memref<128xi32, #tpu.memory_space<hbm>>) target(%arg11 : memref<128xi32, #tpu.memory_space<vmem>>) target_semaphore(%run_scoped3A : memref<!tpu.dma_semaphore, #tpu.memory_space<semaphore_mem>>)
        %dma_wait3A_36 = tpu.memref_slice %arg3[%add3A_11] : memref<163840xi32, #tpu.memory_space<hbm>> -> memref<128xi32, #tpu.memory_space<hbm>>
        %dma_wait3A_37 = tpu.memref_slice %arg3[%add3A_11] : memref<163840xi32, #tpu.memory_space<hbm>> -> memref<128xi32, #tpu.memory_space<hbm>>
        tpu.wait_dma2 semaphore(%run_scoped3A : memref<!tpu.dma_semaphore, #tpu.memory_space<semaphore_mem>>) src(%dma_wait3A_37 : memref<128xi32, #tpu.memory_space<hbm>>) dst(%arg11 : memref<128xi32, #tpu.memory_space<vmem>>)
        tpu.yield
      }) : () -> ()
      %dma_start3A = arith.constant 0 : i32
      %dma_start3A_12 = arith.constant 0 : i32
      %dma_start3A_13 = tpu.memref_slice %arg2[%dma_start3A, %dma_start3A_12] : memref<10112x128xf32, #tpu.memory_space<hbm>> -> memref<10112x128xf32, #tpu.memory_space<hbm>>
      tpu.enqueue_indirect_dma source(%dma_start3A_13 : memref<10112x128xf32, #tpu.memory_space<hbm>>) target(%arg12 : memref<128x128xf32, #tpu.memory_space<vmem>>) offsets(%arg11 : memref<128xi32, #tpu.memory_space<vmem>>) semaphore(%arg13 : memref<!tpu.dma_semaphore, #tpu.memory_space<semaphore_mem>>)
      %dma_wait3A = arith.constant 0 : i32
      %dma_wait3A_14 = arith.constant 0 : i32
      %dma_wait3A_15 = tpu.memref_slice %arg2[%dma_wait3A, %dma_wait3A_14] : memref<10112x128xf32, #tpu.memory_space<hbm>> -> memref<10112x128xf32, #tpu.memory_space<hbm>>
      tpu.wait_indirect_dma semaphore(%arg13 : memref<!tpu.dma_semaphore, #tpu.memory_space<semaphore_mem>>) src(%dma_wait3A_15 : memref<10112x128xf32, #tpu.memory_space<hbm>>) dst(%arg12 : memref<128x128xf32, #tpu.memory_space<vmem>>)
      "tpu.region"() ({
        %run_scoped3A = tpu.sem_alloc : memref<!tpu.dma_semaphore, #tpu.memory_space<semaphore_mem>>
        %dma_start3A_34 = arith.constant 0 : i32
        %dma_start3A_35 = tpu.memref_slice %arg7[%add3A_11, %dma_start3A_34] : memref<163840x128xf32, #tpu.memory_space<hbm>> -> memref<128x128xf32, #tpu.memory_space<hbm>>
        %dma_start3A_36 = arith.constant 0 : i32
        %dma_start3A_37 = tpu.memref_slice %arg7[%add3A_11, %dma_start3A_36] : memref<163840x128xf32, #tpu.memory_space<hbm>> -> memref<128x128xf32, #tpu.memory_space<hbm>>
        tpu.enqueue_dma source(%arg12 : memref<128x128xf32, #tpu.memory_space<vmem>>) target(%dma_start3A_37 : memref<128x128xf32, #tpu.memory_space<hbm>>) target_semaphore(%run_scoped3A : memref<!tpu.dma_semaphore, #tpu.memory_space<semaphore_mem>>)
        %dma_wait3A_38 = arith.constant 0 : i32
        %dma_wait3A_39 = tpu.memref_slice %arg7[%add3A_11, %dma_wait3A_38] : memref<163840x128xf32, #tpu.memory_space<hbm>> -> memref<128x128xf32, #tpu.memory_space<hbm>>
        %dma_wait3A_40 = arith.constant 0 : i32
        %dma_wait3A_41 = tpu.memref_slice %arg7[%add3A_11, %dma_wait3A_40] : memref<163840x128xf32, #tpu.memory_space<hbm>> -> memref<128x128xf32, #tpu.memory_space<hbm>>
        tpu.wait_dma2 semaphore(%run_scoped3A : memref<!tpu.dma_semaphore, #tpu.memory_space<semaphore_mem>>) src(%arg12 : memref<128x128xf32, #tpu.memory_space<vmem>>) dst(%dma_wait3A_41 : memref<128x128xf32, #tpu.memory_space<hbm>>)
        tpu.yield
      }) : () -> ()
      "tpu.region"() ({
        %run_scoped3A = tpu.sem_alloc : memref<!tpu.dma_semaphore, #tpu.memory_space<semaphore_mem>>
        %dma_start3A_34 = tpu.memref_slice %arg4[%add3A_11] : memref<163840xi32, #tpu.memory_space<hbm>> -> memref<128xi32, #tpu.memory_space<hbm>>
        %dma_start3A_35 = tpu.memref_slice %arg4[%add3A_11] : memref<163840xi32, #tpu.memory_space<hbm>> -> memref<128xi32, #tpu.memory_space<hbm>>
        tpu.enqueue_dma source(%dma_start3A_35 : memref<128xi32, #tpu.memory_space<hbm>>) target(%arg11 : memref<128xi32, #tpu.memory_space<vmem>>) target_semaphore(%run_scoped3A : memref<!tpu.dma_semaphore, #tpu.memory_space<semaphore_mem>>)
        %dma_wait3A_36 = tpu.memref_slice %arg4[%add3A_11] : memref<163840xi32, #tpu.memory_space<hbm>> -> memref<128xi32, #tpu.memory_space<hbm>>
        %dma_wait3A_37 = tpu.memref_slice %arg4[%add3A_11] : memref<163840xi32, #tpu.memory_space<hbm>> -> memref<128xi32, #tpu.memory_space<hbm>>
        tpu.wait_dma2 semaphore(%run_scoped3A : memref<!tpu.dma_semaphore, #tpu.memory_space<semaphore_mem>>) src(%dma_wait3A_37 : memref<128xi32, #tpu.memory_space<hbm>>) dst(%arg11 : memref<128xi32, #tpu.memory_space<vmem>>)
        tpu.yield
      }) : () -> ()
      %dma_start3A_16 = arith.constant 0 : i32
      %dma_start3A_17 = arith.constant 0 : i32
      %dma_start3A_18 = tpu.memref_slice %arg2[%dma_start3A_16, %dma_start3A_17] : memref<10112x128xf32, #tpu.memory_space<hbm>> -> memref<10112x128xf32, #tpu.memory_space<hbm>>
      tpu.enqueue_indirect_dma source(%dma_start3A_18 : memref<10112x128xf32, #tpu.memory_space<hbm>>) target(%arg12 : memref<128x128xf32, #tpu.memory_space<vmem>>) offsets(%arg11 : memref<128xi32, #tpu.memory_space<vmem>>) semaphore(%arg13 : memref<!tpu.dma_semaphore, #tpu.memory_space<semaphore_mem>>)
      %dma_wait3A_19 = arith.constant 0 : i32
      %dma_wait3A_20 = arith.constant 0 : i32
      %dma_wait3A_21 = tpu.memref_slice %arg2[%dma_wait3A_19, %dma_wait3A_20] : memref<10112x128xf32, #tpu.memory_space<hbm>> -> memref<10112x128xf32, #tpu.memory_space<hbm>>
      tpu.wait_indirect_dma semaphore(%arg13 : memref<!tpu.dma_semaphore, #tpu.memory_space<semaphore_mem>>) src(%dma_wait3A_21 : memref<10112x128xf32, #tpu.memory_space<hbm>>) dst(%arg12 : memref<128x128xf32, #tpu.memory_space<vmem>>)
      "tpu.region"() ({
        %run_scoped3A = tpu.sem_alloc : memref<!tpu.dma_semaphore, #tpu.memory_space<semaphore_mem>>
        %dma_start3A_34 = arith.constant 0 : i32
        %dma_start3A_35 = tpu.memref_slice %arg8[%add3A_11, %dma_start3A_34] : memref<163840x128xf32, #tpu.memory_space<hbm>> -> memref<128x128xf32, #tpu.memory_space<hbm>>
        %dma_start3A_36 = arith.constant 0 : i32
        %dma_start3A_37 = tpu.memref_slice %arg8[%add3A_11, %dma_start3A_36] : memref<163840x128xf32, #tpu.memory_space<hbm>> -> memref<128x128xf32, #tpu.memory_space<hbm>>
        tpu.enqueue_dma source(%arg12 : memref<128x128xf32, #tpu.memory_space<vmem>>) target(%dma_start3A_37 : memref<128x128xf32, #tpu.memory_space<hbm>>) target_semaphore(%run_scoped3A : memref<!tpu.dma_semaphore, #tpu.memory_space<semaphore_mem>>)
        %dma_wait3A_38 = arith.constant 0 : i32
        %dma_wait3A_39 = tpu.memref_slice %arg8[%add3A_11, %dma_wait3A_38] : memref<163840x128xf32, #tpu.memory_space<hbm>> -> memref<128x128xf32, #tpu.memory_space<hbm>>
        %dma_wait3A_40 = arith.constant 0 : i32
        %dma_wait3A_41 = tpu.memref_slice %arg8[%add3A_11, %dma_wait3A_40] : memref<163840x128xf32, #tpu.memory_space<hbm>> -> memref<128x128xf32, #tpu.memory_space<hbm>>
        tpu.wait_dma2 semaphore(%run_scoped3A : memref<!tpu.dma_semaphore, #tpu.memory_space<semaphore_mem>>) src(%arg12 : memref<128x128xf32, #tpu.memory_space<vmem>>) dst(%dma_wait3A_41 : memref<128x128xf32, #tpu.memory_space<hbm>>)
        tpu.yield
      }) : () -> ()
      "tpu.region"() ({
        %run_scoped3A = tpu.sem_alloc : memref<!tpu.dma_semaphore, #tpu.memory_space<semaphore_mem>>
        %dma_start3A_34 = tpu.memref_slice %arg5[%add3A_11] : memref<163840xi32, #tpu.memory_space<hbm>> -> memref<128xi32, #tpu.memory_space<hbm>>
        %dma_start3A_35 = tpu.memref_slice %arg5[%add3A_11] : memref<163840xi32, #tpu.memory_space<hbm>> -> memref<128xi32, #tpu.memory_space<hbm>>
        tpu.enqueue_dma source(%dma_start3A_35 : memref<128xi32, #tpu.memory_space<hbm>>) target(%arg11 : memref<128xi32, #tpu.memory_space<vmem>>) target_semaphore(%run_scoped3A : memref<!tpu.dma_semaphore, #tpu.memory_space<semaphore_mem>>)
        %dma_wait3A_36 = tpu.memref_slice %arg5[%add3A_11] : memref<163840xi32, #tpu.memory_space<hbm>> -> memref<128xi32, #tpu.memory_space<hbm>>
        %dma_wait3A_37 = tpu.memref_slice %arg5[%add3A_11] : memref<163840xi32, #tpu.memory_space<hbm>> -> memref<128xi32, #tpu.memory_space<hbm>>
        tpu.wait_dma2 semaphore(%run_scoped3A : memref<!tpu.dma_semaphore, #tpu.memory_space<semaphore_mem>>) src(%dma_wait3A_37 : memref<128xi32, #tpu.memory_space<hbm>>) dst(%arg11 : memref<128xi32, #tpu.memory_space<vmem>>)
        tpu.yield
      }) : () -> ()
      %dma_start3A_22 = arith.constant 0 : i32
      %dma_start3A_23 = arith.constant 0 : i32
      %dma_start3A_24 = tpu.memref_slice %arg2[%dma_start3A_22, %dma_start3A_23] : memref<10112x128xf32, #tpu.memory_space<hbm>> -> memref<10112x128xf32, #tpu.memory_space<hbm>>
      tpu.enqueue_indirect_dma source(%dma_start3A_24 : memref<10112x128xf32, #tpu.memory_space<hbm>>) target(%arg12 : memref<128x128xf32, #tpu.memory_space<vmem>>) offsets(%arg11 : memref<128xi32, #tpu.memory_space<vmem>>) semaphore(%arg13 : memref<!tpu.dma_semaphore, #tpu.memory_space<semaphore_mem>>)
      %dma_wait3A_25 = arith.constant 0 : i32
      %dma_wait3A_26 = arith.constant 0 : i32
      %dma_wait3A_27 = tpu.memref_slice %arg2[%dma_wait3A_25, %dma_wait3A_26] : memref<10112x128xf32, #tpu.memory_space<hbm>> -> memref<10112x128xf32, #tpu.memory_space<hbm>>
      tpu.wait_indirect_dma semaphore(%arg13 : memref<!tpu.dma_semaphore, #tpu.memory_space<semaphore_mem>>) src(%dma_wait3A_27 : memref<10112x128xf32, #tpu.memory_space<hbm>>) dst(%arg12 : memref<128x128xf32, #tpu.memory_space<vmem>>)
      "tpu.region"() ({
        %run_scoped3A = tpu.sem_alloc : memref<!tpu.dma_semaphore, #tpu.memory_space<semaphore_mem>>
        %dma_start3A_34 = arith.constant 0 : i32
        %dma_start3A_35 = tpu.memref_slice %arg9[%add3A_11, %dma_start3A_34] : memref<163840x128xf32, #tpu.memory_space<hbm>> -> memref<128x128xf32, #tpu.memory_space<hbm>>
        %dma_start3A_36 = arith.constant 0 : i32
        %dma_start3A_37 = tpu.memref_slice %arg9[%add3A_11, %dma_start3A_36] : memref<163840x128xf32, #tpu.memory_space<hbm>> -> memref<128x128xf32, #tpu.memory_space<hbm>>
        tpu.enqueue_dma source(%arg12 : memref<128x128xf32, #tpu.memory_space<vmem>>) target(%dma_start3A_37 : memref<128x128xf32, #tpu.memory_space<hbm>>) target_semaphore(%run_scoped3A : memref<!tpu.dma_semaphore, #tpu.memory_space<semaphore_mem>>)
        %dma_wait3A_38 = arith.constant 0 : i32
        %dma_wait3A_39 = tpu.memref_slice %arg9[%add3A_11, %dma_wait3A_38] : memref<163840x128xf32, #tpu.memory_space<hbm>> -> memref<128x128xf32, #tpu.memory_space<hbm>>
        %dma_wait3A_40 = arith.constant 0 : i32
        %dma_wait3A_41 = tpu.memref_slice %arg9[%add3A_11, %dma_wait3A_40] : memref<163840x128xf32, #tpu.memory_space<hbm>> -> memref<128x128xf32, #tpu.memory_space<hbm>>
        tpu.wait_dma2 semaphore(%run_scoped3A : memref<!tpu.dma_semaphore, #tpu.memory_space<semaphore_mem>>) src(%arg12 : memref<128x128xf32, #tpu.memory_space<vmem>>) dst(%dma_wait3A_41 : memref<128x128xf32, #tpu.memory_space<hbm>>)
        tpu.yield
      }) : () -> ()
      "tpu.region"() ({
        %run_scoped3A = tpu.sem_alloc : memref<!tpu.dma_semaphore, #tpu.memory_space<semaphore_mem>>
        %dma_start3A_34 = tpu.memref_slice %arg6[%add3A_11] : memref<163840xi32, #tpu.memory_space<hbm>> -> memref<128xi32, #tpu.memory_space<hbm>>
        %dma_start3A_35 = tpu.memref_slice %arg6[%add3A_11] : memref<163840xi32, #tpu.memory_space<hbm>> -> memref<128xi32, #tpu.memory_space<hbm>>
        tpu.enqueue_dma source(%dma_start3A_35 : memref<128xi32, #tpu.memory_space<hbm>>) target(%arg11 : memref<128xi32, #tpu.memory_space<vmem>>) target_semaphore(%run_scoped3A : memref<!tpu.dma_semaphore, #tpu.memory_space<semaphore_mem>>)
        %dma_wait3A_36 = tpu.memref_slice %arg6[%add3A_11] : memref<163840xi32, #tpu.memory_space<hbm>> -> memref<128xi32, #tpu.memory_space<hbm>>
        %dma_wait3A_37 = tpu.memref_slice %arg6[%add3A_11] : memref<163840xi32, #tpu.memory_space<hbm>> -> memref<128xi32, #tpu.memory_space<hbm>>
        tpu.wait_dma2 semaphore(%run_scoped3A : memref<!tpu.dma_semaphore, #tpu.memory_space<semaphore_mem>>) src(%dma_wait3A_37 : memref<128xi32, #tpu.memory_space<hbm>>) dst(%arg11 : memref<128xi32, #tpu.memory_space<vmem>>)
        tpu.yield
      }) : () -> ()
      %dma_start3A_28 = arith.constant 0 : i32
      %dma_start3A_29 = arith.constant 0 : i32
      %dma_start3A_30 = tpu.memref_slice %arg2[%dma_start3A_28, %dma_start3A_29] : memref<10112x128xf32, #tpu.memory_space<hbm>> -> memref<10112x128xf32, #tpu.memory_space<hbm>>
      tpu.enqueue_indirect_dma source(%dma_start3A_30 : memref<10112x128xf32, #tpu.memory_space<hbm>>) target(%arg12 : memref<128x128xf32, #tpu.memory_space<vmem>>) offsets(%arg11 : memref<128xi32, #tpu.memory_space<vmem>>) semaphore(%arg13 : memref<!tpu.dma_semaphore, #tpu.memory_space<semaphore_mem>>)
      %dma_wait3A_31 = arith.constant 0 : i32
      %dma_wait3A_32 = arith.constant 0 : i32
      %dma_wait3A_33 = tpu.memref_slice %arg2[%dma_wait3A_31, %dma_wait3A_32] : memref<10112x128xf32, #tpu.memory_space<hbm>> -> memref<10112x128xf32, #tpu.memory_space<hbm>>
      tpu.wait_indirect_dma semaphore(%arg13 : memref<!tpu.dma_semaphore, #tpu.memory_space<semaphore_mem>>) src(%dma_wait3A_33 : memref<10112x128xf32, #tpu.memory_space<hbm>>) dst(%arg12 : memref<128x128xf32, #tpu.memory_space<vmem>>)
      "tpu.region"() ({
        %run_scoped3A = tpu.sem_alloc : memref<!tpu.dma_semaphore, #tpu.memory_space<semaphore_mem>>
        %dma_start3A_34 = arith.constant 0 : i32
        %dma_start3A_35 = tpu.memref_slice %arg10[%add3A_11, %dma_start3A_34] : memref<163840x128xf32, #tpu.memory_space<hbm>> -> memref<128x128xf32, #tpu.memory_space<hbm>>
        %dma_start3A_36 = arith.constant 0 : i32
        %dma_start3A_37 = tpu.memref_slice %arg10[%add3A_11, %dma_start3A_36] : memref<163840x128xf32, #tpu.memory_space<hbm>> -> memref<128x128xf32, #tpu.memory_space<hbm>>
        tpu.enqueue_dma source(%arg12 : memref<128x128xf32, #tpu.memory_space<vmem>>) target(%dma_start3A_37 : memref<128x128xf32, #tpu.memory_space<hbm>>) target_semaphore(%run_scoped3A : memref<!tpu.dma_semaphore, #tpu.memory_space<semaphore_mem>>)
        %dma_wait3A_38 = arith.constant 0 : i32
        %dma_wait3A_39 = tpu.memref_slice %arg10[%add3A_11, %dma_wait3A_38] : memref<163840x128xf32, #tpu.memory_space<hbm>> -> memref<128x128xf32, #tpu.memory_space<hbm>>
        %dma_wait3A_40 = arith.constant 0 : i32
        %dma_wait3A_41 = tpu.memref_slice %arg10[%add3A_11, %dma_wait3A_40] : memref<163840x128xf32, #tpu.memory_space<hbm>> -> memref<128x128xf32, #tpu.memory_space<hbm>>
        tpu.wait_dma2 semaphore(%run_scoped3A : memref<!tpu.dma_semaphore, #tpu.memory_space<semaphore_mem>>) src(%arg12 : memref<128x128xf32, #tpu.memory_space<vmem>>) dst(%dma_wait3A_41 : memref<128x128xf32, #tpu.memory_space<hbm>>)
        tpu.yield
      }) : () -> ()
    }
    %scan3A_5 = arith.constant 40 : i32
    return
  }
}

#map = affine_map<(d0, d1) -> (0, 0)>
#map1 = affine_map<(d0, d1) -> (0)>
#map2 = affine_map<(d0, d1) -> (0, 0, 0)>
module attributes {stable_mosaic.version = 14 : i64} {
  func.func @k(%arg0: i32, %arg1: i32, %arg2: memref<10112x128xf32, #tpu.memory_space<hbm>>, %arg3: memref<163840xi32, #tpu.memory_space<hbm>>, %arg4: memref<163840x128xf32, #tpu.memory_space<hbm>>, %arg5: memref<2x10112x128xf32, #tpu.memory_space<hbm>>, %arg6: memref<128xi32, #tpu.memory_space<vmem>>, %arg7: memref<128x128xf32, #tpu.memory_space<vmem>>, %arg8: memref<10112x128xf32, #tpu.memory_space<vmem_shared>>, %arg9: memref<!tpu.dma_semaphore, #tpu.memory_space<semaphore_mem>>) attributes {dimension_semantics = [#tpu.dimension_semantics<core_parallel>, #tpu.dimension_semantics<subcore_parallel>], iteration_bounds = array<i64: 2, 16>, scalar_prefetch = 0 : i64, scratch_operands = 4 : i64, tpu.core_type = #tpu.core_type<sc_vector_subcore>, window_params = [{transform_indices = #map}, {transform_indices = #map1}, {transform_indices = #map}, {transform_indices = #map2}]} {
    %mul3A = arith.constant 2 : i32
    %mul3A_0 = arith.muli %arg1, %mul3A : i32
    %add3A = arith.addi %mul3A_0, %arg0 : i32
    %mul3A_1 = arith.constant 632 : i32
    %mul3A_2 = arith.muli %arg1, %mul3A_1 : i32
    "tpu.region"() ({
      %run_scoped3A = tpu.sem_alloc : memref<!tpu.dma_semaphore, #tpu.memory_space<semaphore_mem>>
      %dma_start3A = arith.constant 0 : i32
      %dma_start3A_9 = tpu.memref_slice %arg8[%mul3A_2, %dma_start3A] : memref<10112x128xf32, #tpu.memory_space<vmem_shared>> -> memref<632x128xf32, #tpu.memory_space<vmem_shared>>
      %dma_start3A_10 = arith.constant 0 : i32
      %dma_start3A_11 = tpu.memref_slice %arg2[%mul3A_2, %dma_start3A_10] : memref<10112x128xf32, #tpu.memory_space<hbm>> -> memref<632x128xf32, #tpu.memory_space<hbm>>
      tpu.enqueue_dma source(%dma_start3A_11 : memref<632x128xf32, #tpu.memory_space<hbm>>) target(%dma_start3A_9 : memref<632x128xf32, #tpu.memory_space<vmem_shared>>) target_semaphore(%run_scoped3A : memref<!tpu.dma_semaphore, #tpu.memory_space<semaphore_mem>>)
      %dma_wait3A = arith.constant 0 : i32
      %dma_wait3A_12 = tpu.memref_slice %arg8[%mul3A_2, %dma_wait3A] : memref<10112x128xf32, #tpu.memory_space<vmem_shared>> -> memref<632x128xf32, #tpu.memory_space<vmem_shared>>
      %dma_wait3A_13 = arith.constant 0 : i32
      %dma_wait3A_14 = tpu.memref_slice %arg2[%mul3A_2, %dma_wait3A_13] : memref<10112x128xf32, #tpu.memory_space<hbm>> -> memref<632x128xf32, #tpu.memory_space<hbm>>
      tpu.wait_dma2 semaphore(%run_scoped3A : memref<!tpu.dma_semaphore, #tpu.memory_space<semaphore_mem>>) src(%dma_wait3A_14 : memref<632x128xf32, #tpu.memory_space<hbm>>) dst(%dma_wait3A_12 : memref<632x128xf32, #tpu.memory_space<vmem_shared>>)
      tpu.yield
    }) : () -> ()
    %barrier3A = arith.constant 0 : index
    tpu.barrier barrier_id(%barrier3A)
    %scan3A = arith.constant 0 : i32
    %scan3A_3 = arith.constant 0 : i32
    %scan3A_4 = arith.constant 40 : i32
    %scan3A_5 = arith.addi %scan3A_3, %scan3A_4 : i32
    %scan3A_6 = arith.constant 1 : i32
    scf.for %scan3A_9 = %scan3A_3 to %scan3A_5 step %scan3A_6  : i32 {
      %mul3A_10 = arith.constant 5120 : i32
      %mul3A_11 = arith.muli %add3A, %mul3A_10 : i32
      %mul3A_12 = arith.constant 128 : i32
      %mul3A_13 = arith.muli %scan3A_9, %mul3A_12 : i32
      %add3A_14 = arith.addi %mul3A_11, %mul3A_13 : i32
      "tpu.region"() ({
        %run_scoped3A = tpu.sem_alloc : memref<!tpu.dma_semaphore, #tpu.memory_space<semaphore_mem>>
        %dma_start3A = tpu.memref_slice %arg3[%add3A_14] : memref<163840xi32, #tpu.memory_space<hbm>> -> memref<128xi32, #tpu.memory_space<hbm>>
        %dma_start3A_15 = tpu.memref_slice %arg3[%add3A_14] : memref<163840xi32, #tpu.memory_space<hbm>> -> memref<128xi32, #tpu.memory_space<hbm>>
        tpu.enqueue_dma source(%dma_start3A_15 : memref<128xi32, #tpu.memory_space<hbm>>) target(%arg6 : memref<128xi32, #tpu.memory_space<vmem>>) target_semaphore(%run_scoped3A : memref<!tpu.dma_semaphore, #tpu.memory_space<semaphore_mem>>)
        %dma_wait3A = tpu.memref_slice %arg3[%add3A_14] : memref<163840xi32, #tpu.memory_space<hbm>> -> memref<128xi32, #tpu.memory_space<hbm>>
        %dma_wait3A_16 = tpu.memref_slice %arg3[%add3A_14] : memref<163840xi32, #tpu.memory_space<hbm>> -> memref<128xi32, #tpu.memory_space<hbm>>
        tpu.wait_dma2 semaphore(%run_scoped3A : memref<!tpu.dma_semaphore, #tpu.memory_space<semaphore_mem>>) src(%dma_wait3A_16 : memref<128xi32, #tpu.memory_space<hbm>>) dst(%arg6 : memref<128xi32, #tpu.memory_space<vmem>>)
        tpu.yield
      }) : () -> ()
      "tpu.region"() ({
        %run_scoped3A = tpu.sem_alloc : memref<!tpu.dma_semaphore, #tpu.memory_space<semaphore_mem>>
        %dma_start3A = arith.constant 0 : i32
        %dma_start3A_15 = tpu.memref_slice %arg4[%add3A_14, %dma_start3A] : memref<163840x128xf32, #tpu.memory_space<hbm>> -> memref<128x128xf32, #tpu.memory_space<hbm>>
        %dma_start3A_16 = arith.constant 0 : i32
        %dma_start3A_17 = tpu.memref_slice %arg4[%add3A_14, %dma_start3A_16] : memref<163840x128xf32, #tpu.memory_space<hbm>> -> memref<128x128xf32, #tpu.memory_space<hbm>>
        tpu.enqueue_dma source(%dma_start3A_17 : memref<128x128xf32, #tpu.memory_space<hbm>>) target(%arg7 : memref<128x128xf32, #tpu.memory_space<vmem>>) target_semaphore(%run_scoped3A : memref<!tpu.dma_semaphore, #tpu.memory_space<semaphore_mem>>)
        %dma_wait3A = arith.constant 0 : i32
        %dma_wait3A_18 = tpu.memref_slice %arg4[%add3A_14, %dma_wait3A] : memref<163840x128xf32, #tpu.memory_space<hbm>> -> memref<128x128xf32, #tpu.memory_space<hbm>>
        %dma_wait3A_19 = arith.constant 0 : i32
        %dma_wait3A_20 = tpu.memref_slice %arg4[%add3A_14, %dma_wait3A_19] : memref<163840x128xf32, #tpu.memory_space<hbm>> -> memref<128x128xf32, #tpu.memory_space<hbm>>
        tpu.wait_dma2 semaphore(%run_scoped3A : memref<!tpu.dma_semaphore, #tpu.memory_space<semaphore_mem>>) src(%dma_wait3A_20 : memref<128x128xf32, #tpu.memory_space<hbm>>) dst(%arg7 : memref<128x128xf32, #tpu.memory_space<vmem>>)
        tpu.yield
      }) : () -> ()
      "tpu.region"() ({
        %run_scoped3A = tpu.sem_alloc : memref<!tpu.dma_semaphore, #tpu.memory_space<semaphore_mem>>
        %dma_start3A = arith.constant 0 : i32
        %dma_start3A_15 = arith.constant 0 : i32
        %dma_start3A_16 = tpu.memref_slice %arg8[%dma_start3A, %dma_start3A_15] : memref<10112x128xf32, #tpu.memory_space<vmem_shared>> -> memref<10112x128xf32, #tpu.memory_space<vmem_shared>>
        tpu.enqueue_indirect_dma source(%arg7 : memref<128x128xf32, #tpu.memory_space<vmem>>) target(%dma_start3A_16 : memref<10112x128xf32, #tpu.memory_space<vmem_shared>>) offsets(%arg6 : memref<128xi32, #tpu.memory_space<vmem>>) semaphore(%run_scoped3A : memref<!tpu.dma_semaphore, #tpu.memory_space<semaphore_mem>>) {add = true}
        %dma_wait3A = arith.constant 0 : i32
        %dma_wait3A_17 = arith.constant 0 : i32
        %dma_wait3A_18 = tpu.memref_slice %arg8[%dma_wait3A, %dma_wait3A_17] : memref<10112x128xf32, #tpu.memory_space<vmem_shared>> -> memref<10112x128xf32, #tpu.memory_space<vmem_shared>>
        tpu.wait_indirect_dma semaphore(%run_scoped3A : memref<!tpu.dma_semaphore, #tpu.memory_space<semaphore_mem>>) src(%arg7 : memref<128x128xf32, #tpu.memory_space<vmem>>) dst(%dma_wait3A_18 : memref<10112x128xf32, #tpu.memory_space<vmem_shared>>)
        tpu.yield
      }) : () -> ()
    }
    %scan3A_7 = arith.constant 40 : i32
    %barrier3A_8 = arith.constant 0 : index
    tpu.barrier barrier_id(%barrier3A_8)
    "tpu.region"() ({
      %run_scoped3A = tpu.sem_alloc : memref<!tpu.dma_semaphore, #tpu.memory_space<semaphore_mem>>
      %dma_start3A = arith.constant 0 : i32
      %dma_start3A_9 = tpu.memref_slice %arg5[%arg0, %mul3A_2, %dma_start3A] : memref<2x10112x128xf32, #tpu.memory_space<hbm>> -> memref<1x632x128xf32, #tpu.memory_space<hbm>>
      %dma_start3A_10 = tpu.memref_squeeze %dma_start3A_9 : memref<1x632x128xf32, #tpu.memory_space<hbm>> -> memref<632x128xf32, #tpu.memory_space<hbm>>
      %dma_start3A_11 = arith.constant 0 : i32
      %dma_start3A_12 = tpu.memref_slice %arg8[%mul3A_2, %dma_start3A_11] : memref<10112x128xf32, #tpu.memory_space<vmem_shared>> -> memref<632x128xf32, #tpu.memory_space<vmem_shared>>
      tpu.enqueue_dma source(%dma_start3A_12 : memref<632x128xf32, #tpu.memory_space<vmem_shared>>) target(%dma_start3A_10 : memref<632x128xf32, #tpu.memory_space<hbm>>) target_semaphore(%run_scoped3A : memref<!tpu.dma_semaphore, #tpu.memory_space<semaphore_mem>>)
      %dma_wait3A = arith.constant 0 : i32
      %dma_wait3A_13 = tpu.memref_slice %arg5[%arg0, %mul3A_2, %dma_wait3A] : memref<2x10112x128xf32, #tpu.memory_space<hbm>> -> memref<1x632x128xf32, #tpu.memory_space<hbm>>
      %dma_wait3A_14 = tpu.memref_squeeze %dma_wait3A_13 : memref<1x632x128xf32, #tpu.memory_space<hbm>> -> memref<632x128xf32, #tpu.memory_space<hbm>>
      %dma_wait3A_15 = arith.constant 0 : i32
      %dma_wait3A_16 = tpu.memref_slice %arg8[%mul3A_2, %dma_wait3A_15] : memref<10112x128xf32, #tpu.memory_space<vmem_shared>> -> memref<632x128xf32, #tpu.memory_space<vmem_shared>>
      tpu.wait_dma2 semaphore(%run_scoped3A : memref<!tpu.dma_semaphore, #tpu.memory_space<semaphore_mem>>) src(%dma_wait3A_16 : memref<632x128xf32, #tpu.memory_space<vmem_shared>>) dst(%dma_wait3A_14 : memref<632x128xf32, #tpu.memory_space<hbm>>)
      tpu.yield
    }) : () -> ()
    return
  }
}

#map = affine_map<(d0, d1) -> (0, 0)>
#map1 = affine_map<(d0, d1) -> (0)>
#map2 = affine_map<(d0, d1) -> (0, 0, 0)>
module attributes {stable_mosaic.version = 14 : i64} {
  func.func @k(%arg0: i32, %arg1: i32, %arg2: memref<10112x128xf32, #tpu.memory_space<hbm>>, %arg3: memref<163840xi32, #tpu.memory_space<hbm>>, %arg4: memref<163840x128xf32, #tpu.memory_space<hbm>>, %arg5: memref<2x10112x128xf32, #tpu.memory_space<hbm>>, %arg6: memref<128xi32, #tpu.memory_space<vmem>>, %arg7: memref<128x128xf32, #tpu.memory_space<vmem>>, %arg8: memref<10112x128xf32, #tpu.memory_space<vmem_shared>>, %arg9: memref<!tpu.dma_semaphore, #tpu.memory_space<semaphore_mem>>) attributes {dimension_semantics = [#tpu.dimension_semantics<core_parallel>, #tpu.dimension_semantics<subcore_parallel>], iteration_bounds = array<i64: 2, 16>, scalar_prefetch = 0 : i64, scratch_operands = 4 : i64, tpu.core_type = #tpu.core_type<sc_vector_subcore>, window_params = [{transform_indices = #map}, {transform_indices = #map1}, {transform_indices = #map}, {transform_indices = #map2}]} {
    %mul3A = arith.constant 2 : i32
    %mul3A_0 = arith.muli %arg1, %mul3A : i32
    %add3A = arith.addi %mul3A_0, %arg0 : i32
    %mul3A_1 = arith.constant 632 : i32
    %mul3A_2 = arith.muli %arg1, %mul3A_1 : i32
    "tpu.region"() ({
      %run_scoped3A = tpu.sem_alloc : memref<!tpu.dma_semaphore, #tpu.memory_space<semaphore_mem>>
      %dma_start3A = arith.constant 0 : i32
      %dma_start3A_9 = tpu.memref_slice %arg8[%mul3A_2, %dma_start3A] : memref<10112x128xf32, #tpu.memory_space<vmem_shared>> -> memref<632x128xf32, #tpu.memory_space<vmem_shared>>
      %dma_start3A_10 = arith.constant 0 : i32
      %dma_start3A_11 = tpu.memref_slice %arg2[%mul3A_2, %dma_start3A_10] : memref<10112x128xf32, #tpu.memory_space<hbm>> -> memref<632x128xf32, #tpu.memory_space<hbm>>
      tpu.enqueue_dma source(%dma_start3A_11 : memref<632x128xf32, #tpu.memory_space<hbm>>) target(%dma_start3A_9 : memref<632x128xf32, #tpu.memory_space<vmem_shared>>) target_semaphore(%run_scoped3A : memref<!tpu.dma_semaphore, #tpu.memory_space<semaphore_mem>>)
      %dma_wait3A = arith.constant 0 : i32
      %dma_wait3A_12 = tpu.memref_slice %arg8[%mul3A_2, %dma_wait3A] : memref<10112x128xf32, #tpu.memory_space<vmem_shared>> -> memref<632x128xf32, #tpu.memory_space<vmem_shared>>
      %dma_wait3A_13 = arith.constant 0 : i32
      %dma_wait3A_14 = tpu.memref_slice %arg2[%mul3A_2, %dma_wait3A_13] : memref<10112x128xf32, #tpu.memory_space<hbm>> -> memref<632x128xf32, #tpu.memory_space<hbm>>
      tpu.wait_dma2 semaphore(%run_scoped3A : memref<!tpu.dma_semaphore, #tpu.memory_space<semaphore_mem>>) src(%dma_wait3A_14 : memref<632x128xf32, #tpu.memory_space<hbm>>) dst(%dma_wait3A_12 : memref<632x128xf32, #tpu.memory_space<vmem_shared>>)
      tpu.yield
    }) : () -> ()
    %barrier3A = arith.constant 0 : index
    tpu.barrier barrier_id(%barrier3A)
    %scan3A = arith.constant 0 : i32
    %scan3A_3 = arith.constant 0 : i32
    %scan3A_4 = arith.constant 40 : i32
    %scan3A_5 = arith.addi %scan3A_3, %scan3A_4 : i32
    %scan3A_6 = arith.constant 1 : i32
    scf.for %scan3A_9 = %scan3A_3 to %scan3A_5 step %scan3A_6  : i32 {
      %mul3A_10 = arith.constant 5120 : i32
      %mul3A_11 = arith.muli %add3A, %mul3A_10 : i32
      %mul3A_12 = arith.constant 128 : i32
      %mul3A_13 = arith.muli %scan3A_9, %mul3A_12 : i32
      %add3A_14 = arith.addi %mul3A_11, %mul3A_13 : i32
      "tpu.region"() ({
        %run_scoped3A = tpu.sem_alloc : memref<!tpu.dma_semaphore, #tpu.memory_space<semaphore_mem>>
        %dma_start3A = tpu.memref_slice %arg3[%add3A_14] : memref<163840xi32, #tpu.memory_space<hbm>> -> memref<128xi32, #tpu.memory_space<hbm>>
        %dma_start3A_15 = tpu.memref_slice %arg3[%add3A_14] : memref<163840xi32, #tpu.memory_space<hbm>> -> memref<128xi32, #tpu.memory_space<hbm>>
        tpu.enqueue_dma source(%dma_start3A_15 : memref<128xi32, #tpu.memory_space<hbm>>) target(%arg6 : memref<128xi32, #tpu.memory_space<vmem>>) target_semaphore(%run_scoped3A : memref<!tpu.dma_semaphore, #tpu.memory_space<semaphore_mem>>)
        %dma_wait3A = tpu.memref_slice %arg3[%add3A_14] : memref<163840xi32, #tpu.memory_space<hbm>> -> memref<128xi32, #tpu.memory_space<hbm>>
        %dma_wait3A_16 = tpu.memref_slice %arg3[%add3A_14] : memref<163840xi32, #tpu.memory_space<hbm>> -> memref<128xi32, #tpu.memory_space<hbm>>
        tpu.wait_dma2 semaphore(%run_scoped3A : memref<!tpu.dma_semaphore, #tpu.memory_space<semaphore_mem>>) src(%dma_wait3A_16 : memref<128xi32, #tpu.memory_space<hbm>>) dst(%arg6 : memref<128xi32, #tpu.memory_space<vmem>>)
        tpu.yield
      }) : () -> ()
      "tpu.region"() ({
        %run_scoped3A = tpu.sem_alloc : memref<!tpu.dma_semaphore, #tpu.memory_space<semaphore_mem>>
        %dma_start3A = arith.constant 0 : i32
        %dma_start3A_15 = tpu.memref_slice %arg4[%add3A_14, %dma_start3A] : memref<163840x128xf32, #tpu.memory_space<hbm>> -> memref<128x128xf32, #tpu.memory_space<hbm>>
        %dma_start3A_16 = arith.constant 0 : i32
        %dma_start3A_17 = tpu.memref_slice %arg4[%add3A_14, %dma_start3A_16] : memref<163840x128xf32, #tpu.memory_space<hbm>> -> memref<128x128xf32, #tpu.memory_space<hbm>>
        tpu.enqueue_dma source(%dma_start3A_17 : memref<128x128xf32, #tpu.memory_space<hbm>>) target(%arg7 : memref<128x128xf32, #tpu.memory_space<vmem>>) target_semaphore(%run_scoped3A : memref<!tpu.dma_semaphore, #tpu.memory_space<semaphore_mem>>)
        %dma_wait3A = arith.constant 0 : i32
        %dma_wait3A_18 = tpu.memref_slice %arg4[%add3A_14, %dma_wait3A] : memref<163840x128xf32, #tpu.memory_space<hbm>> -> memref<128x128xf32, #tpu.memory_space<hbm>>
        %dma_wait3A_19 = arith.constant 0 : i32
        %dma_wait3A_20 = tpu.memref_slice %arg4[%add3A_14, %dma_wait3A_19] : memref<163840x128xf32, #tpu.memory_space<hbm>> -> memref<128x128xf32, #tpu.memory_space<hbm>>
        tpu.wait_dma2 semaphore(%run_scoped3A : memref<!tpu.dma_semaphore, #tpu.memory_space<semaphore_mem>>) src(%dma_wait3A_20 : memref<128x128xf32, #tpu.memory_space<hbm>>) dst(%arg7 : memref<128x128xf32, #tpu.memory_space<vmem>>)
        tpu.yield
      }) : () -> ()
      "tpu.region"() ({
        %run_scoped3A = tpu.sem_alloc : memref<!tpu.dma_semaphore, #tpu.memory_space<semaphore_mem>>
        %dma_start3A = arith.constant 0 : i32
        %dma_start3A_15 = arith.constant 0 : i32
        %dma_start3A_16 = tpu.memref_slice %arg8[%dma_start3A, %dma_start3A_15] : memref<10112x128xf32, #tpu.memory_space<vmem_shared>> -> memref<10112x128xf32, #tpu.memory_space<vmem_shared>>
        tpu.enqueue_indirect_dma source(%arg7 : memref<128x128xf32, #tpu.memory_space<vmem>>) target(%dma_start3A_16 : memref<10112x128xf32, #tpu.memory_space<vmem_shared>>) offsets(%arg6 : memref<128xi32, #tpu.memory_space<vmem>>) semaphore(%run_scoped3A : memref<!tpu.dma_semaphore, #tpu.memory_space<semaphore_mem>>) {add = true}
        %dma_wait3A = arith.constant 0 : i32
        %dma_wait3A_17 = arith.constant 0 : i32
        %dma_wait3A_18 = tpu.memref_slice %arg8[%dma_wait3A, %dma_wait3A_17] : memref<10112x128xf32, #tpu.memory_space<vmem_shared>> -> memref<10112x128xf32, #tpu.memory_space<vmem_shared>>
        tpu.wait_indirect_dma semaphore(%run_scoped3A : memref<!tpu.dma_semaphore, #tpu.memory_space<semaphore_mem>>) src(%arg7 : memref<128x128xf32, #tpu.memory_space<vmem>>) dst(%dma_wait3A_18 : memref<10112x128xf32, #tpu.memory_space<vmem_shared>>)
        tpu.yield
      }) : () -> ()
    }
    %scan3A_7 = arith.constant 40 : i32
    %barrier3A_8 = arith.constant 0 : index
    tpu.barrier barrier_id(%barrier3A_8)
    "tpu.region"() ({
      %run_scoped3A = tpu.sem_alloc : memref<!tpu.dma_semaphore, #tpu.memory_space<semaphore_mem>>
      %dma_start3A = arith.constant 0 : i32
      %dma_start3A_9 = tpu.memref_slice %arg5[%arg0, %mul3A_2, %dma_start3A] : memref<2x10112x128xf32, #tpu.memory_space<hbm>> -> memref<1x632x128xf32, #tpu.memory_space<hbm>>
      %dma_start3A_10 = tpu.memref_squeeze %dma_start3A_9 : memref<1x632x128xf32, #tpu.memory_space<hbm>> -> memref<632x128xf32, #tpu.memory_space<hbm>>
      %dma_start3A_11 = arith.constant 0 : i32
      %dma_start3A_12 = tpu.memref_slice %arg8[%mul3A_2, %dma_start3A_11] : memref<10112x128xf32, #tpu.memory_space<vmem_shared>> -> memref<632x128xf32, #tpu.memory_space<vmem_shared>>
      tpu.enqueue_dma source(%dma_start3A_12 : memref<632x128xf32, #tpu.memory_space<vmem_shared>>) target(%dma_start3A_10 : memref<632x128xf32, #tpu.memory_space<hbm>>) target_semaphore(%run_scoped3A : memref<!tpu.dma_semaphore, #tpu.memory_space<semaphore_mem>>)
      %dma_wait3A = arith.constant 0 : i32
      %dma_wait3A_13 = tpu.memref_slice %arg5[%arg0, %mul3A_2, %dma_wait3A] : memref<2x10112x128xf32, #tpu.memory_space<hbm>> -> memref<1x632x128xf32, #tpu.memory_space<hbm>>
      %dma_wait3A_14 = tpu.memref_squeeze %dma_wait3A_13 : memref<1x632x128xf32, #tpu.memory_space<hbm>> -> memref<632x128xf32, #tpu.memory_space<hbm>>
      %dma_wait3A_15 = arith.constant 0 : i32
      %dma_wait3A_16 = tpu.memref_slice %arg8[%mul3A_2, %dma_wait3A_15] : memref<10112x128xf32, #tpu.memory_space<vmem_shared>> -> memref<632x128xf32, #tpu.memory_space<vmem_shared>>
      tpu.wait_dma2 semaphore(%run_scoped3A : memref<!tpu.dma_semaphore, #tpu.memory_space<semaphore_mem>>) src(%dma_wait3A_16 : memref<632x128xf32, #tpu.memory_space<vmem_shared>>) dst(%dma_wait3A_14 : memref<632x128xf32, #tpu.memory_space<hbm>>)
      tpu.yield
    }) : () -> ()
    return
  }
}

#map = affine_map<(d0, d1) -> (0, 0)>
#map1 = affine_map<(d0, d1) -> (0)>
module attributes {stable_mosaic.version = 14 : i64} {
  func.func @k(%arg0: i32, %arg1: i32, %arg2: memref<10112x128xf32, #tpu.memory_space<hbm>>, %arg3: memref<20480xi32, #tpu.memory_space<hbm>>, %arg4: memref<20480xi32, #tpu.memory_space<hbm>>, %arg5: memref<20480x128xf32, #tpu.memory_space<hbm>>, %arg6: memref<20480x128xf32, #tpu.memory_space<hbm>>, %arg7: memref<128xi32, #tpu.memory_space<vmem>>, %arg8: memref<128x128xf32, #tpu.memory_space<vmem>>, %arg9: memref<!tpu.dma_semaphore, #tpu.memory_space<semaphore_mem>>) attributes {dimension_semantics = [#tpu.dimension_semantics<core_parallel>, #tpu.dimension_semantics<subcore_parallel>], iteration_bounds = array<i64: 2, 16>, scalar_prefetch = 0 : i64, scratch_operands = 3 : i64, tpu.core_type = #tpu.core_type<sc_vector_subcore>, window_params = [{transform_indices = #map}, {transform_indices = #map1}, {transform_indices = #map1}, {transform_indices = #map}, {transform_indices = #map}]} {
    %mul3A = arith.constant 2 : i32
    %mul3A_0 = arith.muli %arg1, %mul3A : i32
    %add3A = arith.addi %mul3A_0, %arg0 : i32
    %scan3A = arith.constant 0 : i32
    %scan3A_1 = arith.constant 0 : i32
    %scan3A_2 = arith.constant 5 : i32
    %scan3A_3 = arith.addi %scan3A_1, %scan3A_2 : i32
    %scan3A_4 = arith.constant 1 : i32
    scf.for %scan3A_6 = %scan3A_1 to %scan3A_3 step %scan3A_4  : i32 {
      %mul3A_7 = arith.constant 640 : i32
      %mul3A_8 = arith.muli %add3A, %mul3A_7 : i32
      %mul3A_9 = arith.constant 128 : i32
      %mul3A_10 = arith.muli %scan3A_6, %mul3A_9 : i32
      %add3A_11 = arith.addi %mul3A_8, %mul3A_10 : i32
      "tpu.region"() ({
        %run_scoped3A = tpu.sem_alloc : memref<!tpu.dma_semaphore, #tpu.memory_space<semaphore_mem>>
        %dma_start3A_22 = tpu.memref_slice %arg3[%add3A_11] : memref<20480xi32, #tpu.memory_space<hbm>> -> memref<128xi32, #tpu.memory_space<hbm>>
        %dma_start3A_23 = tpu.memref_slice %arg3[%add3A_11] : memref<20480xi32, #tpu.memory_space<hbm>> -> memref<128xi32, #tpu.memory_space<hbm>>
        tpu.enqueue_dma source(%dma_start3A_23 : memref<128xi32, #tpu.memory_space<hbm>>) target(%arg7 : memref<128xi32, #tpu.memory_space<vmem>>) target_semaphore(%run_scoped3A : memref<!tpu.dma_semaphore, #tpu.memory_space<semaphore_mem>>)
        %dma_wait3A_24 = tpu.memref_slice %arg3[%add3A_11] : memref<20480xi32, #tpu.memory_space<hbm>> -> memref<128xi32, #tpu.memory_space<hbm>>
        %dma_wait3A_25 = tpu.memref_slice %arg3[%add3A_11] : memref<20480xi32, #tpu.memory_space<hbm>> -> memref<128xi32, #tpu.memory_space<hbm>>
        tpu.wait_dma2 semaphore(%run_scoped3A : memref<!tpu.dma_semaphore, #tpu.memory_space<semaphore_mem>>) src(%dma_wait3A_25 : memref<128xi32, #tpu.memory_space<hbm>>) dst(%arg7 : memref<128xi32, #tpu.memory_space<vmem>>)
        tpu.yield
      }) : () -> ()
      %dma_start3A = arith.constant 0 : i32
      %dma_start3A_12 = arith.constant 0 : i32
      %dma_start3A_13 = tpu.memref_slice %arg2[%dma_start3A, %dma_start3A_12] : memref<10112x128xf32, #tpu.memory_space<hbm>> -> memref<10112x128xf32, #tpu.memory_space<hbm>>
      tpu.enqueue_indirect_dma source(%dma_start3A_13 : memref<10112x128xf32, #tpu.memory_space<hbm>>) target(%arg8 : memref<128x128xf32, #tpu.memory_space<vmem>>) offsets(%arg7 : memref<128xi32, #tpu.memory_space<vmem>>) semaphore(%arg9 : memref<!tpu.dma_semaphore, #tpu.memory_space<semaphore_mem>>)
      %dma_wait3A = arith.constant 0 : i32
      %dma_wait3A_14 = arith.constant 0 : i32
      %dma_wait3A_15 = tpu.memref_slice %arg2[%dma_wait3A, %dma_wait3A_14] : memref<10112x128xf32, #tpu.memory_space<hbm>> -> memref<10112x128xf32, #tpu.memory_space<hbm>>
      tpu.wait_indirect_dma semaphore(%arg9 : memref<!tpu.dma_semaphore, #tpu.memory_space<semaphore_mem>>) src(%dma_wait3A_15 : memref<10112x128xf32, #tpu.memory_space<hbm>>) dst(%arg8 : memref<128x128xf32, #tpu.memory_space<vmem>>)
      "tpu.region"() ({
        %run_scoped3A = tpu.sem_alloc : memref<!tpu.dma_semaphore, #tpu.memory_space<semaphore_mem>>
        %dma_start3A_22 = arith.constant 0 : i32
        %dma_start3A_23 = tpu.memref_slice %arg5[%add3A_11, %dma_start3A_22] : memref<20480x128xf32, #tpu.memory_space<hbm>> -> memref<128x128xf32, #tpu.memory_space<hbm>>
        %dma_start3A_24 = arith.constant 0 : i32
        %dma_start3A_25 = tpu.memref_slice %arg5[%add3A_11, %dma_start3A_24] : memref<20480x128xf32, #tpu.memory_space<hbm>> -> memref<128x128xf32, #tpu.memory_space<hbm>>
        tpu.enqueue_dma source(%arg8 : memref<128x128xf32, #tpu.memory_space<vmem>>) target(%dma_start3A_25 : memref<128x128xf32, #tpu.memory_space<hbm>>) target_semaphore(%run_scoped3A : memref<!tpu.dma_semaphore, #tpu.memory_space<semaphore_mem>>)
        %dma_wait3A_26 = arith.constant 0 : i32
        %dma_wait3A_27 = tpu.memref_slice %arg5[%add3A_11, %dma_wait3A_26] : memref<20480x128xf32, #tpu.memory_space<hbm>> -> memref<128x128xf32, #tpu.memory_space<hbm>>
        %dma_wait3A_28 = arith.constant 0 : i32
        %dma_wait3A_29 = tpu.memref_slice %arg5[%add3A_11, %dma_wait3A_28] : memref<20480x128xf32, #tpu.memory_space<hbm>> -> memref<128x128xf32, #tpu.memory_space<hbm>>
        tpu.wait_dma2 semaphore(%run_scoped3A : memref<!tpu.dma_semaphore, #tpu.memory_space<semaphore_mem>>) src(%arg8 : memref<128x128xf32, #tpu.memory_space<vmem>>) dst(%dma_wait3A_29 : memref<128x128xf32, #tpu.memory_space<hbm>>)
        tpu.yield
      }) : () -> ()
      "tpu.region"() ({
        %run_scoped3A = tpu.sem_alloc : memref<!tpu.dma_semaphore, #tpu.memory_space<semaphore_mem>>
        %dma_start3A_22 = tpu.memref_slice %arg4[%add3A_11] : memref<20480xi32, #tpu.memory_space<hbm>> -> memref<128xi32, #tpu.memory_space<hbm>>
        %dma_start3A_23 = tpu.memref_slice %arg4[%add3A_11] : memref<20480xi32, #tpu.memory_space<hbm>> -> memref<128xi32, #tpu.memory_space<hbm>>
        tpu.enqueue_dma source(%dma_start3A_23 : memref<128xi32, #tpu.memory_space<hbm>>) target(%arg7 : memref<128xi32, #tpu.memory_space<vmem>>) target_semaphore(%run_scoped3A : memref<!tpu.dma_semaphore, #tpu.memory_space<semaphore_mem>>)
        %dma_wait3A_24 = tpu.memref_slice %arg4[%add3A_11] : memref<20480xi32, #tpu.memory_space<hbm>> -> memref<128xi32, #tpu.memory_space<hbm>>
        %dma_wait3A_25 = tpu.memref_slice %arg4[%add3A_11] : memref<20480xi32, #tpu.memory_space<hbm>> -> memref<128xi32, #tpu.memory_space<hbm>>
        tpu.wait_dma2 semaphore(%run_scoped3A : memref<!tpu.dma_semaphore, #tpu.memory_space<semaphore_mem>>) src(%dma_wait3A_25 : memref<128xi32, #tpu.memory_space<hbm>>) dst(%arg7 : memref<128xi32, #tpu.memory_space<vmem>>)
        tpu.yield
      }) : () -> ()
      %dma_start3A_16 = arith.constant 0 : i32
      %dma_start3A_17 = arith.constant 0 : i32
      %dma_start3A_18 = tpu.memref_slice %arg2[%dma_start3A_16, %dma_start3A_17] : memref<10112x128xf32, #tpu.memory_space<hbm>> -> memref<10112x128xf32, #tpu.memory_space<hbm>>
      tpu.enqueue_indirect_dma source(%dma_start3A_18 : memref<10112x128xf32, #tpu.memory_space<hbm>>) target(%arg8 : memref<128x128xf32, #tpu.memory_space<vmem>>) offsets(%arg7 : memref<128xi32, #tpu.memory_space<vmem>>) semaphore(%arg9 : memref<!tpu.dma_semaphore, #tpu.memory_space<semaphore_mem>>)
      %dma_wait3A_19 = arith.constant 0 : i32
      %dma_wait3A_20 = arith.constant 0 : i32
      %dma_wait3A_21 = tpu.memref_slice %arg2[%dma_wait3A_19, %dma_wait3A_20] : memref<10112x128xf32, #tpu.memory_space<hbm>> -> memref<10112x128xf32, #tpu.memory_space<hbm>>
      tpu.wait_indirect_dma semaphore(%arg9 : memref<!tpu.dma_semaphore, #tpu.memory_space<semaphore_mem>>) src(%dma_wait3A_21 : memref<10112x128xf32, #tpu.memory_space<hbm>>) dst(%arg8 : memref<128x128xf32, #tpu.memory_space<vmem>>)
      "tpu.region"() ({
        %run_scoped3A = tpu.sem_alloc : memref<!tpu.dma_semaphore, #tpu.memory_space<semaphore_mem>>
        %dma_start3A_22 = arith.constant 0 : i32
        %dma_start3A_23 = tpu.memref_slice %arg6[%add3A_11, %dma_start3A_22] : memref<20480x128xf32, #tpu.memory_space<hbm>> -> memref<128x128xf32, #tpu.memory_space<hbm>>
        %dma_start3A_24 = arith.constant 0 : i32
        %dma_start3A_25 = tpu.memref_slice %arg6[%add3A_11, %dma_start3A_24] : memref<20480x128xf32, #tpu.memory_space<hbm>> -> memref<128x128xf32, #tpu.memory_space<hbm>>
        tpu.enqueue_dma source(%arg8 : memref<128x128xf32, #tpu.memory_space<vmem>>) target(%dma_start3A_25 : memref<128x128xf32, #tpu.memory_space<hbm>>) target_semaphore(%run_scoped3A : memref<!tpu.dma_semaphore, #tpu.memory_space<semaphore_mem>>)
        %dma_wait3A_26 = arith.constant 0 : i32
        %dma_wait3A_27 = tpu.memref_slice %arg6[%add3A_11, %dma_wait3A_26] : memref<20480x128xf32, #tpu.memory_space<hbm>> -> memref<128x128xf32, #tpu.memory_space<hbm>>
        %dma_wait3A_28 = arith.constant 0 : i32
        %dma_wait3A_29 = tpu.memref_slice %arg6[%add3A_11, %dma_wait3A_28] : memref<20480x128xf32, #tpu.memory_space<hbm>> -> memref<128x128xf32, #tpu.memory_space<hbm>>
        tpu.wait_dma2 semaphore(%run_scoped3A : memref<!tpu.dma_semaphore, #tpu.memory_space<semaphore_mem>>) src(%arg8 : memref<128x128xf32, #tpu.memory_space<vmem>>) dst(%dma_wait3A_29 : memref<128x128xf32, #tpu.memory_space<hbm>>)
        tpu.yield
      }) : () -> ()
    }
    %scan3A_5 = arith.constant 5 : i32
    return
  }
}

module attributes {stable_mosaic.version = 14 : i64} {
  func.func @_proj1_kernel(%arg0: i32, %arg1: memref<1264x128xf32, #tpu.memory_space<vmem>>, %arg2: memref<128x64xf32, #tpu.memory_space<vmem>>, %arg3: memref<64xf32, #tpu.memory_space<vmem>>, %arg4: memref<64xf32, #tpu.memory_space<vmem>>, %arg5: memref<64xf32, #tpu.memory_space<vmem>>, %arg6: memref<64xf32, #tpu.memory_space<vmem>>, %arg7: memref<64xf32, #tpu.memory_space<vmem>>, %arg8: memref<1264x128xf32, #tpu.memory_space<vmem>>) attributes {dimension_semantics = [#tpu.dimension_semantics<arbitrary>], iteration_bounds = array<i64: 8>, scalar_prefetch = 0 : i64, scratch_operands = 0 : i64, tpu.core_type = #tpu.core_type<tc>, window_params = [{transform_indices = @transform_0, window_bounds = array<i64: 1264, 128>}, {pipeline_mode = #tpu.pipeline_mode<synchronous>, transform_indices = @transform_1, window_bounds = array<i64: 128, 64>}, {pipeline_mode = #tpu.pipeline_mode<synchronous>, transform_indices = @transform_2, window_bounds = array<i64: 64>}, {pipeline_mode = #tpu.pipeline_mode<synchronous>, transform_indices = @transform_3, window_bounds = array<i64: 64>}, {pipeline_mode = #tpu.pipeline_mode<synchronous>, transform_indices = @transform_4, window_bounds = array<i64: 64>}, {pipeline_mode = #tpu.pipeline_mode<synchronous>, transform_indices = @transform_5, window_bounds = array<i64: 64>}, {pipeline_mode = #tpu.pipeline_mode<synchronous>, transform_indices = @transform_6, window_bounds = array<i64: 64>}, {transform_indices = @transform_7, window_bounds = array<i64: 1264, 128>}]} {
    %get3A = arith.constant 0 : index
    %get3A_0 = arith.constant 0 : index
    %get3A_1 = vector.load %arg1[%get3A, %get3A_0] : memref<1264x128xf32, #tpu.memory_space<vmem>>, vector<1264x128xf32>
    %get3A_2 = arith.constant 0 : index
    %get3A_3 = arith.constant 0 : index
    %get3A_4 = vector.load %arg2[%get3A_2, %get3A_3] : memref<128x64xf32, #tpu.memory_space<vmem>>, vector<128x64xf32>
    %dot_general3A = arith.constant dense<0.000000e+00> : vector<1264x64xf32>
    %dot_general3A_5 = tpu.matmul %get3A_1, %get3A_4, %dot_general3A {dimension_numbers = #tpu.dot_dimension_numbers<[1], [0], [0], [1], [0, 0, 1, 1], [], []>, precision = #tpu.contract_precision<fp32>, transpose_lhs_hint = false} : vector<1264x128xf32>, vector<128x64xf32>, vector<1264x64xf32> -> vector<1264x64xf32>
    %get3A_6 = arith.constant 0 : index
    %get3A_7 = vector.load %arg3[%get3A_6] : memref<64xf32, #tpu.memory_space<vmem>>, vector<64xf32>
    %broadcast_in_dim3A = vector.shape_cast %get3A_7 : vector<64xf32> to vector<1x64xf32>
    %add3A = vector.broadcast %broadcast_in_dim3A : vector<1x64xf32> to vector<1264x64xf32>
    %add3A_8 = arith.addf %dot_general3A_5, %add3A : vector<1264x64xf32>
    %swap3A = arith.constant 0 : index
    %swap3A_9 = arith.constant 0 : index
    %swap3A_10 = vector.load %arg8[%swap3A, %swap3A_9] : memref<1264x128xf32, #tpu.memory_space<vmem>>, vector<1264x64xf32>
    tpu.vector_store %arg8[%swap3A, %swap3A_9], %add3A_8 {strides = array<i32>} : memref<1264x128xf32, #tpu.memory_space<vmem>>, vector<1264x64xf32>,
    %get3A_11 = arith.constant 0 : index
    %get3A_12 = vector.load %arg4[%get3A_11] : memref<64xf32, #tpu.memory_space<vmem>>, vector<64xf32>
    %broadcast_in_dim3A_13 = vector.shape_cast %get3A_12 : vector<64xf32> to vector<1x64xf32>
    %mul3A = vector.broadcast %broadcast_in_dim3A_13 : vector<1x64xf32> to vector<1264x64xf32>
    %mul3A_14 = arith.mulf %add3A_8, %mul3A : vector<1264x64xf32>
    %reduce_sum3A = arith.constant dense<0.000000e+00> : vector<1264xf32>
    %reduce_sum3A_15 = vector.multi_reduction <add>, %mul3A_14, %reduce_sum3A [1] : vector<1264x64xf32> to vector<1264xf32>
    %broadcast_in_dim3A_16 = vector.shape_cast %reduce_sum3A_15 : vector<1264xf32> to vector<1264x1xf32>
    %swap3A_17 = arith.constant 0 : index
    %swap3A_18 = arith.constant 64 : index
    %swap3A_19 = vector.load %arg8[%swap3A_17, %swap3A_18] : memref<1264x128xf32, #tpu.memory_space<vmem>>, vector<1264x1xf32>
    tpu.vector_store %arg8[%swap3A_17, %swap3A_18], %broadcast_in_dim3A_16 {strides = array<i32>} : memref<1264x128xf32, #tpu.memory_space<vmem>>, vector<1264x1xf32>,
    %get3A_20 = arith.constant 0 : index
    %get3A_21 = vector.load %arg6[%get3A_20] : memref<64xf32, #tpu.memory_space<vmem>>, vector<64xf32>
    %broadcast_in_dim3A_22 = vector.shape_cast %get3A_21 : vector<64xf32> to vector<1x64xf32>
    %mul3A_23 = vector.broadcast %broadcast_in_dim3A_22 : vector<1x64xf32> to vector<1264x64xf32>
    %mul3A_24 = arith.mulf %add3A_8, %mul3A_23 : vector<1264x64xf32>
    %reduce_sum3A_25 = arith.constant dense<0.000000e+00> : vector<1264xf32>
    %reduce_sum3A_26 = vector.multi_reduction <add>, %mul3A_24, %reduce_sum3A_25 [1] : vector<1264x64xf32> to vector<1264xf32>
    %broadcast_in_dim3A_27 = vector.shape_cast %reduce_sum3A_26 : vector<1264xf32> to vector<1264x1xf32>
    %swap3A_28 = arith.constant 0 : index
    %swap3A_29 = arith.constant 65 : index
    %swap3A_30 = vector.load %arg8[%swap3A_28, %swap3A_29] : memref<1264x128xf32, #tpu.memory_space<vmem>>, vector<1264x1xf32>
    tpu.vector_store %arg8[%swap3A_28, %swap3A_29], %broadcast_in_dim3A_27 {strides = array<i32>} : memref<1264x128xf32, #tpu.memory_space<vmem>>, vector<1264x1xf32>,
    %get3A_31 = arith.constant 0 : index
    %get3A_32 = vector.load %arg5[%get3A_31] : memref<64xf32, #tpu.memory_space<vmem>>, vector<64xf32>
    %broadcast_in_dim3A_33 = vector.shape_cast %get3A_32 : vector<64xf32> to vector<1x64xf32>
    %mul3A_34 = vector.broadcast %broadcast_in_dim3A_33 : vector<1x64xf32> to vector<1264x64xf32>
    %mul3A_35 = arith.mulf %add3A_8, %mul3A_34 : vector<1264x64xf32>
    %reduce_sum3A_36 = arith.constant dense<0.000000e+00> : vector<1264xf32>
    %reduce_sum3A_37 = vector.multi_reduction <add>, %mul3A_35, %reduce_sum3A_36 [1] : vector<1264x64xf32> to vector<1264xf32>
    %broadcast_in_dim3A_38 = vector.shape_cast %reduce_sum3A_37 : vector<1264xf32> to vector<1264x1xf32>
    %swap3A_39 = arith.constant 0 : index
    %swap3A_40 = arith.constant 66 : index
    %swap3A_41 = vector.load %arg8[%swap3A_39, %swap3A_40] : memref<1264x128xf32, #tpu.memory_space<vmem>>, vector<1264x1xf32>
    tpu.vector_store %arg8[%swap3A_39, %swap3A_40], %broadcast_in_dim3A_38 {strides = array<i32>} : memref<1264x128xf32, #tpu.memory_space<vmem>>, vector<1264x1xf32>,
    %get3A_42 = arith.constant 0 : index
    %get3A_43 = vector.load %arg7[%get3A_42] : memref<64xf32, #tpu.memory_space<vmem>>, vector<64xf32>
    %broadcast_in_dim3A_44 = vector.shape_cast %get3A_43 : vector<64xf32> to vector<1x64xf32>
    %mul3A_45 = vector.broadcast %broadcast_in_dim3A_44 : vector<1x64xf32> to vector<1264x64xf32>
    %mul3A_46 = arith.mulf %add3A_8, %mul3A_45 : vector<1264x64xf32>
    %reduce_sum3A_47 = arith.constant dense<0.000000e+00> : vector<1264xf32>
    %reduce_sum3A_48 = vector.multi_reduction <add>, %mul3A_46, %reduce_sum3A_47 [1] : vector<1264x64xf32> to vector<1264xf32>
    %broadcast_in_dim3A_49 = vector.shape_cast %reduce_sum3A_48 : vector<1264xf32> to vector<1264x1xf32>
    %swap3A_50 = arith.constant 0 : index
    %swap3A_51 = arith.constant 67 : index
    %swap3A_52 = vector.load %arg8[%swap3A_50, %swap3A_51] : memref<1264x128xf32, #tpu.memory_space<vmem>>, vector<1264x1xf32>
    tpu.vector_store %arg8[%swap3A_50, %swap3A_51], %broadcast_in_dim3A_49 {strides = array<i32>} : memref<1264x128xf32, #tpu.memory_space<vmem>>, vector<1264x1xf32>,
    %broadcast_in_dim3A_53 = arith.constant 0.000000e+00 : f32
    %broadcast_in_dim3A_54 = vector.broadcast %broadcast_in_dim3A_53 : f32 to vector<1264x60xf32>
    %swap3A_55 = arith.constant 0 : index
    %swap3A_56 = arith.constant 68 : index
    %swap3A_57 = vector.load %arg8[%swap3A_55, %swap3A_56] : memref<1264x128xf32, #tpu.memory_space<vmem>>, vector<1264x60xf32>
    tpu.vector_store %arg8[%swap3A_55, %swap3A_56], %broadcast_in_dim3A_54 {strides = array<i32>} : memref<1264x128xf32, #tpu.memory_space<vmem>>, vector<1264x60xf32>,
    return
  }
  func.func @transform_0(%arg0: i32) -> (i32, i32) {
    %c0_i32 = arith.constant 0 : i32
    %c0_i32_0 = arith.constant 0 : i32
    return %arg0, %c0_i32 : i32, i32
  }
  func.func @transform_1(%arg0: i32) -> (i32, i32) {
    %c0_i32 = arith.constant 0 : i32
    %c0_i32_0 = arith.constant 0 : i32
    %c0_i32_1 = arith.constant 0 : i32
    return %c0_i32, %c0_i32_0 : i32, i32
  }
  func.func @transform_2(%arg0: i32) -> i32 {
    %c0_i32 = arith.constant 0 : i32
    %c0_i32_0 = arith.constant 0 : i32
    return %c0_i32 : i32
  }
  func.func @transform_3(%arg0: i32) -> i32 {
    %c0_i32 = arith.constant 0 : i32
    %c0_i32_0 = arith.constant 0 : i32
    return %c0_i32 : i32
  }
  func.func @transform_4(%arg0: i32) -> i32 {
    %c0_i32 = arith.constant 0 : i32
    %c0_i32_0 = arith.constant 0 : i32
    return %c0_i32 : i32
  }
  func.func @transform_5(%arg0: i32) -> i32 {
    %c0_i32 = arith.constant 0 : i32
    %c0_i32_0 = arith.constant 0 : i32
    return %c0_i32 : i32
  }
  func.func @transform_6(%arg0: i32) -> i32 {
    %c0_i32 = arith.constant 0 : i32
    %c0_i32_0 = arith.constant 0 : i32
    return %c0_i32 : i32
  }
  func.func @transform_7(%arg0: i32) -> (i32, i32) {
    %c0_i32 = arith.constant 0 : i32
    %c0_i32_0 = arith.constant 0 : i32
    return %arg0, %c0_i32 : i32, i32
  }
}

module attributes {stable_mosaic.version = 14 : i64} {
  func.func @_edge_kernel(%arg0: i32, %arg1: memref<4096x128xf32, #tpu.memory_space<vmem>>, %arg2: memref<4096x128xf32, #tpu.memory_space<vmem>>, %arg3: memref<4096x128xf32, #tpu.memory_space<vmem>>) attributes {dimension_semantics = [#tpu.dimension_semantics<arbitrary>], iteration_bounds = array<i64: 40>, scalar_prefetch = 0 : i64, scratch_operands = 0 : i64, tpu.core_type = #tpu.core_type<tc>, window_params = [{transform_indices = @transform_0, window_bounds = array<i64: 4096, 128>}, {transform_indices = @transform_1, window_bounds = array<i64: 4096, 128>}, {transform_indices = @transform_2, window_bounds = array<i64: 4096, 128>}]} {
    %get3A = arith.constant 0 : index
    %get3A_0 = arith.constant 65 : index
    %get3A_1 = vector.load %arg1[%get3A, %get3A_0] : memref<4096x128xf32, #tpu.memory_space<vmem>>, vector<4096x1xf32>
    %get3A_2 = arith.constant 0 : index
    %get3A_3 = arith.constant 67 : index
    %get3A_4 = vector.load %arg2[%get3A_2, %get3A_3] : memref<4096x128xf32, #tpu.memory_space<vmem>>, vector<4096x1xf32>
    %add3A = arith.addf %get3A_1, %get3A_4 : vector<4096x1xf32>
    %ge3A = arith.constant 0.000000e+00 : f32
    %ge3A_5 = vector.broadcast %ge3A : f32 to vector<4096x1xf32>
    %ge3A_6 = arith.cmpf oge, %add3A, %ge3A_5 : vector<4096x1xf32>
    %mul3A = arith.constant 2.000000e-01 : f32
    %mul3A_7 = vector.broadcast %mul3A : f32 to vector<4096x1xf32>
    %mul3A_8 = arith.mulf %mul3A_7, %add3A : vector<4096x1xf32>
    %select_n3A = arith.select %ge3A_6, %add3A, %mul3A_8 : vector<4096x1xi1>, vector<4096x1xf32>
    %exp3A = math.exp %select_n3A : vector<4096x1xf32>
    %mul3A_9 = arith.constant 4096 : i32
    %mul3A_10 = arith.muli %arg0, %mul3A_9 : i32
    %iota3A = tpu.iota {dimensions = array<i32: 0>} : vector<4096x1xi32>
    %add3A_11 = vector.broadcast %mul3A_10 : i32 to vector<4096x1xi32>
    %add3A_12 = arith.addi %add3A_11, %iota3A : vector<4096x1xi32>
    %lt3A = arith.constant 160000 : i32
    %lt3A_13 = vector.broadcast %lt3A : i32 to vector<4096x1xi32>
    %lt3A_14 = arith.cmpi slt, %add3A_12, %lt3A_13 : vector<4096x1xi32>
    %jit3A = arith.constant 0.000000e+00 : f32
    %broadcast_in_dim3A = vector.broadcast %jit3A : f32 to vector<4096x1xf32>
    %select_n3A_15 = arith.select %lt3A_14, %exp3A, %broadcast_in_dim3A : vector<4096x1xi1>, vector<4096x1xf32>
    %get3A_16 = arith.constant 0 : index
    %get3A_17 = arith.constant 0 : index
    %get3A_18 = vector.load %arg1[%get3A_16, %get3A_17] : memref<4096x128xf32, #tpu.memory_space<vmem>>, vector<4096x64xf32>
    %mul3A_19 = vector.broadcast %select_n3A_15 : vector<4096x1xf32> to vector<4096x64xf32>
    %mul3A_20 = arith.mulf %get3A_18, %mul3A_19 : vector<4096x64xf32>
    %swap3A = arith.constant 0 : index
    %swap3A_21 = arith.constant 0 : index
    %swap3A_22 = vector.load %arg3[%swap3A, %swap3A_21] : memref<4096x128xf32, #tpu.memory_space<vmem>>, vector<4096x64xf32>
    tpu.vector_store %arg3[%swap3A, %swap3A_21], %mul3A_20 {strides = array<i32>} : memref<4096x128xf32, #tpu.memory_space<vmem>>, vector<4096x64xf32>,
    %swap3A_23 = arith.constant 0 : index
    %swap3A_24 = arith.constant 64 : index
    %swap3A_25 = vector.load %arg3[%swap3A_23, %swap3A_24] : memref<4096x128xf32, #tpu.memory_space<vmem>>, vector<4096x1xf32>
    tpu.vector_store %arg3[%swap3A_23, %swap3A_24], %select_n3A_15 {strides = array<i32>} : memref<4096x128xf32, #tpu.memory_space<vmem>>, vector<4096x1xf32>,
    %broadcast_in_dim3A_26 = arith.constant 0.000000e+00 : f32
    %broadcast_in_dim3A_27 = vector.broadcast %broadcast_in_dim3A_26 : f32 to vector<4096x63xf32>
    %swap3A_28 = arith.constant 0 : index
    %swap3A_29 = arith.constant 65 : index
    %swap3A_30 = vector.load %arg3[%swap3A_28, %swap3A_29] : memref<4096x128xf32, #tpu.memory_space<vmem>>, vector<4096x63xf32>
    tpu.vector_store %arg3[%swap3A_28, %swap3A_29], %broadcast_in_dim3A_27 {strides = array<i32>} : memref<4096x128xf32, #tpu.memory_space<vmem>>, vector<4096x63xf32>,
    return
  }
  func.func @transform_0(%arg0: i32) -> (i32, i32) {
    %c0_i32 = arith.constant 0 : i32
    %c0_i32_0 = arith.constant 0 : i32
    return %arg0, %c0_i32 : i32, i32
  }
  func.func @transform_1(%arg0: i32) -> (i32, i32) {
    %c0_i32 = arith.constant 0 : i32
    %c0_i32_0 = arith.constant 0 : i32
    return %arg0, %c0_i32 : i32, i32
  }
  func.func @transform_2(%arg0: i32) -> (i32, i32) {
    %c0_i32 = arith.constant 0 : i32
    %c0_i32_0 = arith.constant 0 : i32
    return %arg0, %c0_i32 : i32, i32
  }
}

module attributes {stable_mosaic.version = 14 : i64} {
  func.func @_edge_kernel(%arg0: i32, %arg1: memref<4096x128xf32, #tpu.memory_space<vmem>>, %arg2: memref<4096x128xf32, #tpu.memory_space<vmem>>, %arg3: memref<4096x128xf32, #tpu.memory_space<vmem>>) attributes {dimension_semantics = [#tpu.dimension_semantics<arbitrary>], iteration_bounds = array<i64: 40>, scalar_prefetch = 0 : i64, scratch_operands = 0 : i64, tpu.core_type = #tpu.core_type<tc>, window_params = [{transform_indices = @transform_0, window_bounds = array<i64: 4096, 128>}, {transform_indices = @transform_1, window_bounds = array<i64: 4096, 128>}, {transform_indices = @transform_2, window_bounds = array<i64: 4096, 128>}]} {
    %get3A = arith.constant 0 : index
    %get3A_0 = arith.constant 64 : index
    %get3A_1 = vector.load %arg1[%get3A, %get3A_0] : memref<4096x128xf32, #tpu.memory_space<vmem>>, vector<4096x1xf32>
    %get3A_2 = arith.constant 0 : index
    %get3A_3 = arith.constant 66 : index
    %get3A_4 = vector.load %arg2[%get3A_2, %get3A_3] : memref<4096x128xf32, #tpu.memory_space<vmem>>, vector<4096x1xf32>
    %add3A = arith.addf %get3A_1, %get3A_4 : vector<4096x1xf32>
    %ge3A = arith.constant 0.000000e+00 : f32
    %ge3A_5 = vector.broadcast %ge3A : f32 to vector<4096x1xf32>
    %ge3A_6 = arith.cmpf oge, %add3A, %ge3A_5 : vector<4096x1xf32>
    %mul3A = arith.constant 2.000000e-01 : f32
    %mul3A_7 = vector.broadcast %mul3A : f32 to vector<4096x1xf32>
    %mul3A_8 = arith.mulf %mul3A_7, %add3A : vector<4096x1xf32>
    %select_n3A = arith.select %ge3A_6, %add3A, %mul3A_8 : vector<4096x1xi1>, vector<4096x1xf32>
    %exp3A = math.exp %select_n3A : vector<4096x1xf32>
    %mul3A_9 = arith.constant 4096 : i32
    %mul3A_10 = arith.muli %arg0, %mul3A_9 : i32
    %iota3A = tpu.iota {dimensions = array<i32: 0>} : vector<4096x1xi32>
    %add3A_11 = vector.broadcast %mul3A_10 : i32 to vector<4096x1xi32>
    %add3A_12 = arith.addi %add3A_11, %iota3A : vector<4096x1xi32>
    %lt3A = arith.constant 160000 : i32
    %lt3A_13 = vector.broadcast %lt3A : i32 to vector<4096x1xi32>
    %lt3A_14 = arith.cmpi slt, %add3A_12, %lt3A_13 : vector<4096x1xi32>
    %jit3A = arith.constant 0.000000e+00 : f32
    %broadcast_in_dim3A = vector.broadcast %jit3A : f32 to vector<4096x1xf32>
    %select_n3A_15 = arith.select %lt3A_14, %exp3A, %broadcast_in_dim3A : vector<4096x1xi1>, vector<4096x1xf32>
    %get3A_16 = arith.constant 0 : index
    %get3A_17 = arith.constant 0 : index
    %get3A_18 = vector.load %arg1[%get3A_16, %get3A_17] : memref<4096x128xf32, #tpu.memory_space<vmem>>, vector<4096x64xf32>
    %mul3A_19 = vector.broadcast %select_n3A_15 : vector<4096x1xf32> to vector<4096x64xf32>
    %mul3A_20 = arith.mulf %get3A_18, %mul3A_19 : vector<4096x64xf32>
    %swap3A = arith.constant 0 : index
    %swap3A_21 = arith.constant 0 : index
    %swap3A_22 = vector.load %arg3[%swap3A, %swap3A_21] : memref<4096x128xf32, #tpu.memory_space<vmem>>, vector<4096x64xf32>
    tpu.vector_store %arg3[%swap3A, %swap3A_21], %mul3A_20 {strides = array<i32>} : memref<4096x128xf32, #tpu.memory_space<vmem>>, vector<4096x64xf32>,
    %swap3A_23 = arith.constant 0 : index
    %swap3A_24 = arith.constant 64 : index
    %swap3A_25 = vector.load %arg3[%swap3A_23, %swap3A_24] : memref<4096x128xf32, #tpu.memory_space<vmem>>, vector<4096x1xf32>
    tpu.vector_store %arg3[%swap3A_23, %swap3A_24], %select_n3A_15 {strides = array<i32>} : memref<4096x128xf32, #tpu.memory_space<vmem>>, vector<4096x1xf32>,
    %broadcast_in_dim3A_26 = arith.constant 0.000000e+00 : f32
    %broadcast_in_dim3A_27 = vector.broadcast %broadcast_in_dim3A_26 : f32 to vector<4096x63xf32>
    %swap3A_28 = arith.constant 0 : index
    %swap3A_29 = arith.constant 65 : index
    %swap3A_30 = vector.load %arg3[%swap3A_28, %swap3A_29] : memref<4096x128xf32, #tpu.memory_space<vmem>>, vector<4096x63xf32>
    tpu.vector_store %arg3[%swap3A_28, %swap3A_29], %broadcast_in_dim3A_27 {strides = array<i32>} : memref<4096x128xf32, #tpu.memory_space<vmem>>, vector<4096x63xf32>,
    return
  }
  func.func @transform_0(%arg0: i32) -> (i32, i32) {
    %c0_i32 = arith.constant 0 : i32
    %c0_i32_0 = arith.constant 0 : i32
    return %arg0, %c0_i32 : i32, i32
  }
  func.func @transform_1(%arg0: i32) -> (i32, i32) {
    %c0_i32 = arith.constant 0 : i32
    %c0_i32_0 = arith.constant 0 : i32
    return %arg0, %c0_i32 : i32, i32
  }
  func.func @transform_2(%arg0: i32) -> (i32, i32) {
    %c0_i32 = arith.constant 0 : i32
    %c0_i32_0 = arith.constant 0 : i32
    return %arg0, %c0_i32 : i32, i32
  }
}

module attributes {stable_mosaic.version = 14 : i64} {
  func.func @_combine1_kernel(%arg0: memref<10112x64xf32, #tpu.memory_space<vmem>>, %arg1: memref<10112x64xf32, #tpu.memory_space<vmem>>, %arg2: memref<64x64xf32, #tpu.memory_space<vmem>>, %arg3: memref<64xf32, #tpu.memory_space<vmem>>, %arg4: memref<64xf32, #tpu.memory_space<vmem>>, %arg5: memref<64x32xf32, #tpu.memory_space<vmem>>, %arg6: memref<32xf32, #tpu.memory_space<vmem>>, %arg7: memref<32xf32, #tpu.memory_space<vmem>>, %arg8: memref<32xf32, #tpu.memory_space<vmem>>, %arg9: memref<32xf32, #tpu.memory_space<vmem>>, %arg10: memref<32xf32, #tpu.memory_space<vmem>>, %arg11: memref<10112x128xf32, #tpu.memory_space<vmem>>) attributes {dimension_semantics = [], scalar_prefetch = 0 : i64, scratch_operands = 0 : i64, tpu.core_type = #tpu.core_type<tc>} {
    %get3A = arith.constant 0 : index
    %get3A_0 = arith.constant 0 : index
    %get3A_1 = vector.load %arg0[%get3A, %get3A_0] : memref<10112x64xf32, #tpu.memory_space<vmem>>, vector<10112x64xf32>
    %get3A_2 = arith.constant 0 : index
    %get3A_3 = arith.constant 0 : index
    %get3A_4 = vector.load %arg1[%get3A_2, %get3A_3] : memref<10112x64xf32, #tpu.memory_space<vmem>>, vector<10112x64xf32>
    %get3A_5 = arith.constant 0 : index
    %get3A_6 = arith.constant 0 : index
    %get3A_7 = vector.load %arg2[%get3A_5, %get3A_6] : memref<64x64xf32, #tpu.memory_space<vmem>>, vector<64x64xf32>
    %get3A_8 = arith.constant 0 : index
    %get3A_9 = vector.load %arg3[%get3A_8] : memref<64xf32, #tpu.memory_space<vmem>>, vector<64xf32>
    %get3A_10 = arith.constant 0 : index
    %get3A_11 = vector.load %arg4[%get3A_10] : memref<64xf32, #tpu.memory_space<vmem>>, vector<64xf32>
    %iota3A = tpu.iota {dimensions = array<i32: 0>} : vector<10112x1xi32>
    %lt3A = arith.constant 10000 : i32
    %lt3A_12 = vector.broadcast %lt3A : i32 to vector<10112x1xi32>
    %lt3A_13 = arith.cmpi slt, %iota3A, %lt3A_12 : vector<10112x1xi32>
    %convert_element_type3A = arith.extui %lt3A_13 : vector<10112x1xi1> to vector<10112x1xi32>
    %convert_element_type3A_14 = arith.sitofp %convert_element_type3A : vector<10112x1xi32> to vector<10112x1xf32>
    %dot_general3A = arith.constant dense<0.000000e+00> : vector<10112x64xf32>
    %dot_general3A_15 = tpu.matmul %get3A_1, %get3A_7, %dot_general3A {dimension_numbers = #tpu.dot_dimension_numbers<[1], [0], [0], [1], [0, 0, 1, 1], [], []>, transpose_lhs_hint = false} : vector<10112x64xf32>, vector<64x64xf32>, vector<10112x64xf32> -> vector<10112x64xf32>
    %broadcast_in_dim3A = vector.shape_cast %get3A_9 : vector<64xf32> to vector<1x64xf32>
    %add3A = vector.broadcast %broadcast_in_dim3A : vector<1x64xf32> to vector<10112x64xf32>
    %add3A_16 = arith.addf %dot_general3A_15, %add3A : vector<10112x64xf32>
    %tanh3A = math.tanh %add3A_16 : vector<10112x64xf32>
    %mul3A = vector.broadcast %convert_element_type3A_14 : vector<10112x1xf32> to vector<10112x64xf32>
    %mul3A_17 = arith.mulf %tanh3A, %mul3A : vector<10112x64xf32>
    %dot_general3A_18 = arith.constant dense<0.000000e+00> : vector<10112x64xf32>
    %dot_general3A_19 = tpu.matmul %get3A_4, %get3A_7, %dot_general3A_18 {dimension_numbers = #tpu.dot_dimension_numbers<[1], [0], [0], [1], [0, 0, 1, 1], [], []>, transpose_lhs_hint = false} : vector<10112x64xf32>, vector<64x64xf32>, vector<10112x64xf32> -> vector<10112x64xf32>
    %broadcast_in_dim3A_20 = vector.shape_cast %get3A_9 : vector<64xf32> to vector<1x64xf32>
    %add3A_21 = vector.broadcast %broadcast_in_dim3A_20 : vector<1x64xf32> to vector<10112x64xf32>
    %add3A_22 = arith.addf %dot_general3A_19, %add3A_21 : vector<10112x64xf32>
    %tanh3A_23 = math.tanh %add3A_22 : vector<10112x64xf32>
    %mul3A_24 = vector.broadcast %convert_element_type3A_14 : vector<10112x1xf32> to vector<10112x64xf32>
    %mul3A_25 = arith.mulf %tanh3A_23, %mul3A_24 : vector<10112x64xf32>
    %reduce_sum3A = arith.constant dense<0.000000e+00> : vector<64xf32>
    %reduce_sum3A_26 = vector.multi_reduction <add>, %mul3A_17, %reduce_sum3A [0] : vector<10112x64xf32> to vector<64xf32>
    %broadcast_in_dim3A_27 = vector.shape_cast %reduce_sum3A_26 : vector<64xf32> to vector<1x64xf32>
    %div3A = arith.constant 1.000000e+04 : f32
    %div3A_28 = vector.broadcast %div3A : f32 to vector<1x64xf32>
    %div3A_29 = arith.divf %broadcast_in_dim3A_27, %div3A_28 : vector<1x64xf32>
    %reduce_sum3A_30 = arith.constant dense<0.000000e+00> : vector<64xf32>
    %reduce_sum3A_31 = vector.multi_reduction <add>, %mul3A_25, %reduce_sum3A_30 [0] : vector<10112x64xf32> to vector<64xf32>
    %broadcast_in_dim3A_32 = vector.shape_cast %reduce_sum3A_31 : vector<64xf32> to vector<1x64xf32>
    %div3A_33 = arith.constant 1.000000e+04 : f32
    %div3A_34 = vector.broadcast %div3A_33 : f32 to vector<1x64xf32>
    %div3A_35 = arith.divf %broadcast_in_dim3A_32, %div3A_34 : vector<1x64xf32>
    %broadcast_in_dim3A_36 = vector.shape_cast %get3A_11 : vector<64xf32> to vector<1x64xf32>
    %mul3A_37 = arith.mulf %div3A_29, %broadcast_in_dim3A_36 : vector<1x64xf32>
    %reduce_sum3A_38 = vector.shape_cast %mul3A_37 : vector<1x64xf32> to vector<1x1x64xf32>
    %reduce_sum3A_39 = arith.constant dense<0.000000e+00> : vector<1xf32>
    %reduce_sum3A_40 = vector.multi_reduction <add>, %reduce_sum3A_38, %reduce_sum3A_39 [1, 2] : vector<1x1x64xf32> to vector<1xf32>
    %reduce_sum3A_41 = vector.shape_cast %reduce_sum3A_40 : vector<1xf32> to vector<1x1x1xf32>
    %reduce_sum3A_42 = vector.extract %reduce_sum3A_41[0, 0, 0] : f32 from vector<1x1x1xf32>
    %broadcast_in_dim3A_43 = vector.shape_cast %get3A_11 : vector<64xf32> to vector<1x64xf32>
    %mul3A_44 = arith.mulf %div3A_35, %broadcast_in_dim3A_43 : vector<1x64xf32>
    %reduce_sum3A_45 = vector.shape_cast %mul3A_44 : vector<1x64xf32> to vector<1x1x64xf32>
    %reduce_sum3A_46 = arith.constant dense<0.000000e+00> : vector<1xf32>
    %reduce_sum3A_47 = vector.multi_reduction <add>, %reduce_sum3A_45, %reduce_sum3A_46 [1, 2] : vector<1x1x64xf32> to vector<1xf32>
    %reduce_sum3A_48 = vector.shape_cast %reduce_sum3A_47 : vector<1xf32> to vector<1x1x1xf32>
    %reduce_sum3A_49 = vector.extract %reduce_sum3A_48[0, 0, 0] : f32 from vector<1x1x1xf32>
    %max3A = arith.maximumf %reduce_sum3A_42, %reduce_sum3A_49 : f32
    %sub3A = arith.subf %reduce_sum3A_42, %max3A : f32
    %exp3A = math.exp %sub3A : f32
    %sub3A_50 = arith.subf %reduce_sum3A_49, %max3A : f32
    %exp3A_51 = math.exp %sub3A_50 : f32
    %add3A_52 = arith.addf %exp3A, %exp3A_51 : f32
    %div3A_53 = arith.divf %exp3A, %add3A_52 : f32
    %add3A_54 = arith.addf %exp3A, %exp3A_51 : f32
    %div3A_55 = arith.divf %exp3A_51, %add3A_54 : f32
    %mul3A_56 = vector.broadcast %div3A_53 : f32 to vector<10112x64xf32>
    %mul3A_57 = arith.mulf %mul3A_56, %get3A_1 : vector<10112x64xf32>
    %mul3A_58 = vector.broadcast %div3A_55 : f32 to vector<10112x64xf32>
    %mul3A_59 = arith.mulf %mul3A_58, %get3A_4 : vector<10112x64xf32>
    %add3A_60 = arith.addf %mul3A_57, %mul3A_59 : vector<10112x64xf32>
    %max3A_61 = arith.constant 0.000000e+00 : f32
    %max3A_62 = vector.broadcast %max3A_61 : f32 to vector<10112x64xf32>
    %max3A_63 = arith.maximumf %add3A_60, %max3A_62 : vector<10112x64xf32>
    %get3A_64 = arith.constant 0 : index
    %get3A_65 = arith.constant 0 : index
    %get3A_66 = vector.load %arg5[%get3A_64, %get3A_65] : memref<64x32xf32, #tpu.memory_space<vmem>>, vector<64x32xf32>
    %dot_general3A_67 = arith.constant dense<0.000000e+00> : vector<10112x32xf32>
    %dot_general3A_68 = tpu.matmul %max3A_63, %get3A_66, %dot_general3A_67 {dimension_numbers = #tpu.dot_dimension_numbers<[1], [0], [0], [1], [0, 0, 1, 1], [], []>, precision = #tpu.contract_precision<fp32>, transpose_lhs_hint = false} : vector<10112x64xf32>, vector<64x32xf32>, vector<10112x32xf32> -> vector<10112x32xf32>
    %get3A_69 = arith.constant 0 : index
    %get3A_70 = vector.load %arg6[%get3A_69] : memref<32xf32, #tpu.memory_space<vmem>>, vector<32xf32>
    %broadcast_in_dim3A_71 = vector.shape_cast %get3A_70 : vector<32xf32> to vector<1x32xf32>
    %add3A_72 = vector.broadcast %broadcast_in_dim3A_71 : vector<1x32xf32> to vector<10112x32xf32>
    %add3A_73 = arith.addf %dot_general3A_68, %add3A_72 : vector<10112x32xf32>
    %swap3A = arith.constant 0 : index
    %swap3A_74 = arith.constant 0 : index
    %swap3A_75 = vector.load %arg11[%swap3A, %swap3A_74] : memref<10112x128xf32, #tpu.memory_space<vmem>>, vector<10112x32xf32>
    tpu.vector_store %arg11[%swap3A, %swap3A_74], %add3A_73 {strides = array<i32>} : memref<10112x128xf32, #tpu.memory_space<vmem>>, vector<10112x32xf32>,
    %get3A_76 = arith.constant 0 : index
    %get3A_77 = vector.load %arg7[%get3A_76] : memref<32xf32, #tpu.memory_space<vmem>>, vector<32xf32>
    %broadcast_in_dim3A_78 = vector.shape_cast %get3A_77 : vector<32xf32> to vector<1x32xf32>
    %mul3A_79 = vector.broadcast %broadcast_in_dim3A_78 : vector<1x32xf32> to vector<10112x32xf32>
    %mul3A_80 = arith.mulf %add3A_73, %mul3A_79 : vector<10112x32xf32>
    %reduce_sum3A_81 = arith.constant dense<0.000000e+00> : vector<10112xf32>
    %reduce_sum3A_82 = vector.multi_reduction <add>, %mul3A_80, %reduce_sum3A_81 [1] : vector<10112x32xf32> to vector<10112xf32>
    %broadcast_in_dim3A_83 = vector.shape_cast %reduce_sum3A_82 : vector<10112xf32> to vector<10112x1xf32>
    %swap3A_84 = arith.constant 0 : index
    %swap3A_85 = arith.constant 32 : index
    %swap3A_86 = vector.load %arg11[%swap3A_84, %swap3A_85] : memref<10112x128xf32, #tpu.memory_space<vmem>>, vector<10112x1xf32>
    tpu.vector_store %arg11[%swap3A_84, %swap3A_85], %broadcast_in_dim3A_83 {strides = array<i32>} : memref<10112x128xf32, #tpu.memory_space<vmem>>, vector<10112x1xf32>,
    %get3A_87 = arith.constant 0 : index
    %get3A_88 = vector.load %arg9[%get3A_87] : memref<32xf32, #tpu.memory_space<vmem>>, vector<32xf32>
    %broadcast_in_dim3A_89 = vector.shape_cast %get3A_88 : vector<32xf32> to vector<1x32xf32>
    %mul3A_90 = vector.broadcast %broadcast_in_dim3A_89 : vector<1x32xf32> to vector<10112x32xf32>
    %mul3A_91 = arith.mulf %add3A_73, %mul3A_90 : vector<10112x32xf32>
    %reduce_sum3A_92 = arith.constant dense<0.000000e+00> : vector<10112xf32>
    %reduce_sum3A_93 = vector.multi_reduction <add>, %mul3A_91, %reduce_sum3A_92 [1] : vector<10112x32xf32> to vector<10112xf32>
    %broadcast_in_dim3A_94 = vector.shape_cast %reduce_sum3A_93 : vector<10112xf32> to vector<10112x1xf32>
    %swap3A_95 = arith.constant 0 : index
    %swap3A_96 = arith.constant 33 : index
    %swap3A_97 = vector.load %arg11[%swap3A_95, %swap3A_96] : memref<10112x128xf32, #tpu.memory_space<vmem>>, vector<10112x1xf32>
    tpu.vector_store %arg11[%swap3A_95, %swap3A_96], %broadcast_in_dim3A_94 {strides = array<i32>} : memref<10112x128xf32, #tpu.memory_space<vmem>>, vector<10112x1xf32>,
    %get3A_98 = arith.constant 0 : index
    %get3A_99 = vector.load %arg8[%get3A_98] : memref<32xf32, #tpu.memory_space<vmem>>, vector<32xf32>
    %broadcast_in_dim3A_100 = vector.shape_cast %get3A_99 : vector<32xf32> to vector<1x32xf32>
    %mul3A_101 = vector.broadcast %broadcast_in_dim3A_100 : vector<1x32xf32> to vector<10112x32xf32>
    %mul3A_102 = arith.mulf %add3A_73, %mul3A_101 : vector<10112x32xf32>
    %reduce_sum3A_103 = arith.constant dense<0.000000e+00> : vector<10112xf32>
    %reduce_sum3A_104 = vector.multi_reduction <add>, %mul3A_102, %reduce_sum3A_103 [1] : vector<10112x32xf32> to vector<10112xf32>
    %broadcast_in_dim3A_105 = vector.shape_cast %reduce_sum3A_104 : vector<10112xf32> to vector<10112x1xf32>
    %swap3A_106 = arith.constant 0 : index
    %swap3A_107 = arith.constant 34 : index
    %swap3A_108 = vector.load %arg11[%swap3A_106, %swap3A_107] : memref<10112x128xf32, #tpu.memory_space<vmem>>, vector<10112x1xf32>
    tpu.vector_store %arg11[%swap3A_106, %swap3A_107], %broadcast_in_dim3A_105 {strides = array<i32>} : memref<10112x128xf32, #tpu.memory_space<vmem>>, vector<10112x1xf32>,
    %get3A_109 = arith.constant 0 : index
    %get3A_110 = vector.load %arg10[%get3A_109] : memref<32xf32, #tpu.memory_space<vmem>>, vector<32xf32>
    %broadcast_in_dim3A_111 = vector.shape_cast %get3A_110 : vector<32xf32> to vector<1x32xf32>
    %mul3A_112 = vector.broadcast %broadcast_in_dim3A_111 : vector<1x32xf32> to vector<10112x32xf32>
    %mul3A_113 = arith.mulf %add3A_73, %mul3A_112 : vector<10112x32xf32>
    %reduce_sum3A_114 = arith.constant dense<0.000000e+00> : vector<10112xf32>
    %reduce_sum3A_115 = vector.multi_reduction <add>, %mul3A_113, %reduce_sum3A_114 [1] : vector<10112x32xf32> to vector<10112xf32>
    %broadcast_in_dim3A_116 = vector.shape_cast %reduce_sum3A_115 : vector<10112xf32> to vector<10112x1xf32>
    %swap3A_117 = arith.constant 0 : index
    %swap3A_118 = arith.constant 35 : index
    %swap3A_119 = vector.load %arg11[%swap3A_117, %swap3A_118] : memref<10112x128xf32, #tpu.memory_space<vmem>>, vector<10112x1xf32>
    tpu.vector_store %arg11[%swap3A_117, %swap3A_118], %broadcast_in_dim3A_116 {strides = array<i32>} : memref<10112x128xf32, #tpu.memory_space<vmem>>, vector<10112x1xf32>,
    %broadcast_in_dim3A_120 = arith.constant 0.000000e+00 : f32
    %broadcast_in_dim3A_121 = vector.broadcast %broadcast_in_dim3A_120 : f32 to vector<10112x92xf32>
    %swap3A_122 = arith.constant 0 : index
    %swap3A_123 = arith.constant 36 : index
    %swap3A_124 = vector.load %arg11[%swap3A_122, %swap3A_123] : memref<10112x128xf32, #tpu.memory_space<vmem>>, vector<10112x92xf32>
    tpu.vector_store %arg11[%swap3A_122, %swap3A_123], %broadcast_in_dim3A_121 {strides = array<i32>} : memref<10112x128xf32, #tpu.memory_space<vmem>>, vector<10112x92xf32>,
    return
  }
}

module attributes {stable_mosaic.version = 14 : i64} {
  func.func @_norm_kernel(%arg0: memref<2x10112x128xf32, #tpu.memory_space<vmem>>, %arg1: memref<10112x64xf32, #tpu.memory_space<vmem>>) attributes {dimension_semantics = [], scalar_prefetch = 0 : i64, scratch_operands = 0 : i64, tpu.core_type = #tpu.core_type<tc>} {
    %get3A = arith.constant 0 : index
    %get3A_0 = arith.constant 0 : index
    %get3A_1 = arith.constant 0 : index
    %get3A_2 = vector.load %arg0[%get3A, %get3A_0, %get3A_1] : memref<2x10112x128xf32, #tpu.memory_space<vmem>>, vector<1x10112x64xf32>
    %get3A_3 = vector.shape_cast %get3A_2 : vector<1x10112x64xf32> to vector<10112x64xf32>
    %get3A_4 = arith.constant 1 : index
    %get3A_5 = arith.constant 0 : index
    %get3A_6 = arith.constant 0 : index
    %get3A_7 = vector.load %arg0[%get3A_4, %get3A_5, %get3A_6] : memref<2x10112x128xf32, #tpu.memory_space<vmem>>, vector<1x10112x64xf32>
    %get3A_8 = vector.shape_cast %get3A_7 : vector<1x10112x64xf32> to vector<10112x64xf32>
    %add3A = arith.addf %get3A_3, %get3A_8 : vector<10112x64xf32>
    %get3A_9 = arith.constant 0 : index
    %get3A_10 = arith.constant 0 : index
    %get3A_11 = arith.constant 64 : index
    %get3A_12 = vector.load %arg0[%get3A_9, %get3A_10, %get3A_11] : memref<2x10112x128xf32, #tpu.memory_space<vmem>>, vector<1x10112x1xf32>
    %get3A_13 = vector.shape_cast %get3A_12 : vector<1x10112x1xf32> to vector<10112x1xf32>
    %get3A_14 = arith.constant 1 : index
    %get3A_15 = arith.constant 0 : index
    %get3A_16 = arith.constant 64 : index
    %get3A_17 = vector.load %arg0[%get3A_14, %get3A_15, %get3A_16] : memref<2x10112x128xf32, #tpu.memory_space<vmem>>, vector<1x10112x1xf32>
    %get3A_18 = vector.shape_cast %get3A_17 : vector<1x10112x1xf32> to vector<10112x1xf32>
    %add3A_19 = arith.addf %get3A_13, %get3A_18 : vector<10112x1xf32>
    %add3A_20 = arith.constant 1.000000e-16 : f32
    %add3A_21 = vector.broadcast %add3A_20 : f32 to vector<10112x1xf32>
    %add3A_22 = arith.addf %add3A_19, %add3A_21 : vector<10112x1xf32>
    %div3A = vector.broadcast %add3A_22 : vector<10112x1xf32> to vector<10112x64xf32>
    %div3A_23 = arith.divf %add3A, %div3A : vector<10112x64xf32>
    %max3A = arith.constant 0.000000e+00 : f32
    %max3A_24 = vector.broadcast %max3A : f32 to vector<10112x64xf32>
    %max3A_25 = arith.maximumf %div3A_23, %max3A_24 : vector<10112x64xf32>
    %swap3A = arith.constant 0 : index
    %swap3A_26 = arith.constant 0 : index
    %swap3A_27 = vector.load %arg1[%swap3A, %swap3A_26] : memref<10112x64xf32, #tpu.memory_space<vmem>>, vector<10112x64xf32>
    tpu.vector_store %arg1[%swap3A, %swap3A_26], %max3A_25 {strides = array<i32>} : memref<10112x64xf32, #tpu.memory_space<vmem>>, vector<10112x64xf32>,
    return
  }
}

module attributes {stable_mosaic.version = 14 : i64} {
  func.func @_edge_kernel(%arg0: i32, %arg1: memref<4096x128xf32, #tpu.memory_space<vmem>>, %arg2: memref<4096x128xf32, #tpu.memory_space<vmem>>, %arg3: memref<4096x128xf32, #tpu.memory_space<vmem>>) attributes {dimension_semantics = [#tpu.dimension_semantics<arbitrary>], iteration_bounds = array<i64: 40>, scalar_prefetch = 0 : i64, scratch_operands = 0 : i64, tpu.core_type = #tpu.core_type<tc>, window_params = [{transform_indices = @transform_0, window_bounds = array<i64: 4096, 128>}, {transform_indices = @transform_1, window_bounds = array<i64: 4096, 128>}, {transform_indices = @transform_2, window_bounds = array<i64: 4096, 128>}]} {
    %get3A = arith.constant 0 : index
    %get3A_0 = arith.constant 33 : index
    %get3A_1 = vector.load %arg1[%get3A, %get3A_0] : memref<4096x128xf32, #tpu.memory_space<vmem>>, vector<4096x1xf32>
    %get3A_2 = arith.constant 0 : index
    %get3A_3 = arith.constant 35 : index
    %get3A_4 = vector.load %arg2[%get3A_2, %get3A_3] : memref<4096x128xf32, #tpu.memory_space<vmem>>, vector<4096x1xf32>
    %add3A = arith.addf %get3A_1, %get3A_4 : vector<4096x1xf32>
    %ge3A = arith.constant 0.000000e+00 : f32
    %ge3A_5 = vector.broadcast %ge3A : f32 to vector<4096x1xf32>
    %ge3A_6 = arith.cmpf oge, %add3A, %ge3A_5 : vector<4096x1xf32>
    %mul3A = arith.constant 2.000000e-01 : f32
    %mul3A_7 = vector.broadcast %mul3A : f32 to vector<4096x1xf32>
    %mul3A_8 = arith.mulf %mul3A_7, %add3A : vector<4096x1xf32>
    %select_n3A = arith.select %ge3A_6, %add3A, %mul3A_8 : vector<4096x1xi1>, vector<4096x1xf32>
    %exp3A = math.exp %select_n3A : vector<4096x1xf32>
    %mul3A_9 = arith.constant 4096 : i32
    %mul3A_10 = arith.muli %arg0, %mul3A_9 : i32
    %iota3A = tpu.iota {dimensions = array<i32: 0>} : vector<4096x1xi32>
    %add3A_11 = vector.broadcast %mul3A_10 : i32 to vector<4096x1xi32>
    %add3A_12 = arith.addi %add3A_11, %iota3A : vector<4096x1xi32>
    %lt3A = arith.constant 160000 : i32
    %lt3A_13 = vector.broadcast %lt3A : i32 to vector<4096x1xi32>
    %lt3A_14 = arith.cmpi slt, %add3A_12, %lt3A_13 : vector<4096x1xi32>
    %jit3A = arith.constant 0.000000e+00 : f32
    %broadcast_in_dim3A = vector.broadcast %jit3A : f32 to vector<4096x1xf32>
    %select_n3A_15 = arith.select %lt3A_14, %exp3A, %broadcast_in_dim3A : vector<4096x1xi1>, vector<4096x1xf32>
    %get3A_16 = arith.constant 0 : index
    %get3A_17 = arith.constant 0 : index
    %get3A_18 = vector.load %arg1[%get3A_16, %get3A_17] : memref<4096x128xf32, #tpu.memory_space<vmem>>, vector<4096x32xf32>
    %mul3A_19 = vector.broadcast %select_n3A_15 : vector<4096x1xf32> to vector<4096x32xf32>
    %mul3A_20 = arith.mulf %get3A_18, %mul3A_19 : vector<4096x32xf32>
    %swap3A = arith.constant 0 : index
    %swap3A_21 = arith.constant 0 : index
    %swap3A_22 = vector.load %arg3[%swap3A, %swap3A_21] : memref<4096x128xf32, #tpu.memory_space<vmem>>, vector<4096x32xf32>
    tpu.vector_store %arg3[%swap3A, %swap3A_21], %mul3A_20 {strides = array<i32>} : memref<4096x128xf32, #tpu.memory_space<vmem>>, vector<4096x32xf32>,
    %swap3A_23 = arith.constant 0 : index
    %swap3A_24 = arith.constant 32 : index
    %swap3A_25 = vector.load %arg3[%swap3A_23, %swap3A_24] : memref<4096x128xf32, #tpu.memory_space<vmem>>, vector<4096x1xf32>
    tpu.vector_store %arg3[%swap3A_23, %swap3A_24], %select_n3A_15 {strides = array<i32>} : memref<4096x128xf32, #tpu.memory_space<vmem>>, vector<4096x1xf32>,
    %broadcast_in_dim3A_26 = arith.constant 0.000000e+00 : f32
    %broadcast_in_dim3A_27 = vector.broadcast %broadcast_in_dim3A_26 : f32 to vector<4096x95xf32>
    %swap3A_28 = arith.constant 0 : index
    %swap3A_29 = arith.constant 33 : index
    %swap3A_30 = vector.load %arg3[%swap3A_28, %swap3A_29] : memref<4096x128xf32, #tpu.memory_space<vmem>>, vector<4096x95xf32>
    tpu.vector_store %arg3[%swap3A_28, %swap3A_29], %broadcast_in_dim3A_27 {strides = array<i32>} : memref<4096x128xf32, #tpu.memory_space<vmem>>, vector<4096x95xf32>,
    return
  }
  func.func @transform_0(%arg0: i32) -> (i32, i32) {
    %c0_i32 = arith.constant 0 : i32
    %c0_i32_0 = arith.constant 0 : i32
    return %arg0, %c0_i32 : i32, i32
  }
  func.func @transform_1(%arg0: i32) -> (i32, i32) {
    %c0_i32 = arith.constant 0 : i32
    %c0_i32_0 = arith.constant 0 : i32
    return %arg0, %c0_i32 : i32, i32
  }
  func.func @transform_2(%arg0: i32) -> (i32, i32) {
    %c0_i32 = arith.constant 0 : i32
    %c0_i32_0 = arith.constant 0 : i32
    return %arg0, %c0_i32 : i32, i32
  }
}

module attributes {stable_mosaic.version = 14 : i64} {
  func.func @_edge_kernel(%arg0: i32, %arg1: memref<4096x128xf32, #tpu.memory_space<vmem>>, %arg2: memref<4096x128xf32, #tpu.memory_space<vmem>>, %arg3: memref<4096x128xf32, #tpu.memory_space<vmem>>) attributes {dimension_semantics = [#tpu.dimension_semantics<arbitrary>], iteration_bounds = array<i64: 40>, scalar_prefetch = 0 : i64, scratch_operands = 0 : i64, tpu.core_type = #tpu.core_type<tc>, window_params = [{transform_indices = @transform_0, window_bounds = array<i64: 4096, 128>}, {transform_indices = @transform_1, window_bounds = array<i64: 4096, 128>}, {transform_indices = @transform_2, window_bounds = array<i64: 4096, 128>}]} {
    %get3A = arith.constant 0 : index
    %get3A_0 = arith.constant 32 : index
    %get3A_1 = vector.load %arg1[%get3A, %get3A_0] : memref<4096x128xf32, #tpu.memory_space<vmem>>, vector<4096x1xf32>
    %get3A_2 = arith.constant 0 : index
    %get3A_3 = arith.constant 34 : index
    %get3A_4 = vector.load %arg2[%get3A_2, %get3A_3] : memref<4096x128xf32, #tpu.memory_space<vmem>>, vector<4096x1xf32>
    %add3A = arith.addf %get3A_1, %get3A_4 : vector<4096x1xf32>
    %ge3A = arith.constant 0.000000e+00 : f32
    %ge3A_5 = vector.broadcast %ge3A : f32 to vector<4096x1xf32>
    %ge3A_6 = arith.cmpf oge, %add3A, %ge3A_5 : vector<4096x1xf32>
    %mul3A = arith.constant 2.000000e-01 : f32
    %mul3A_7 = vector.broadcast %mul3A : f32 to vector<4096x1xf32>
    %mul3A_8 = arith.mulf %mul3A_7, %add3A : vector<4096x1xf32>
    %select_n3A = arith.select %ge3A_6, %add3A, %mul3A_8 : vector<4096x1xi1>, vector<4096x1xf32>
    %exp3A = math.exp %select_n3A : vector<4096x1xf32>
    %mul3A_9 = arith.constant 4096 : i32
    %mul3A_10 = arith.muli %arg0, %mul3A_9 : i32
    %iota3A = tpu.iota {dimensions = array<i32: 0>} : vector<4096x1xi32>
    %add3A_11 = vector.broadcast %mul3A_10 : i32 to vector<4096x1xi32>
    %add3A_12 = arith.addi %add3A_11, %iota3A : vector<4096x1xi32>
    %lt3A = arith.constant 160000 : i32
    %lt3A_13 = vector.broadcast %lt3A : i32 to vector<4096x1xi32>
    %lt3A_14 = arith.cmpi slt, %add3A_12, %lt3A_13 : vector<4096x1xi32>
    %jit3A = arith.constant 0.000000e+00 : f32
    %broadcast_in_dim3A = vector.broadcast %jit3A : f32 to vector<4096x1xf32>
    %select_n3A_15 = arith.select %lt3A_14, %exp3A, %broadcast_in_dim3A : vector<4096x1xi1>, vector<4096x1xf32>
    %get3A_16 = arith.constant 0 : index
    %get3A_17 = arith.constant 0 : index
    %get3A_18 = vector.load %arg1[%get3A_16, %get3A_17] : memref<4096x128xf32, #tpu.memory_space<vmem>>, vector<4096x32xf32>
    %mul3A_19 = vector.broadcast %select_n3A_15 : vector<4096x1xf32> to vector<4096x32xf32>
    %mul3A_20 = arith.mulf %get3A_18, %mul3A_19 : vector<4096x32xf32>
    %swap3A = arith.constant 0 : index
    %swap3A_21 = arith.constant 0 : index
    %swap3A_22 = vector.load %arg3[%swap3A, %swap3A_21] : memref<4096x128xf32, #tpu.memory_space<vmem>>, vector<4096x32xf32>
    tpu.vector_store %arg3[%swap3A, %swap3A_21], %mul3A_20 {strides = array<i32>} : memref<4096x128xf32, #tpu.memory_space<vmem>>, vector<4096x32xf32>,
    %swap3A_23 = arith.constant 0 : index
    %swap3A_24 = arith.constant 32 : index
    %swap3A_25 = vector.load %arg3[%swap3A_23, %swap3A_24] : memref<4096x128xf32, #tpu.memory_space<vmem>>, vector<4096x1xf32>
    tpu.vector_store %arg3[%swap3A_23, %swap3A_24], %select_n3A_15 {strides = array<i32>} : memref<4096x128xf32, #tpu.memory_space<vmem>>, vector<4096x1xf32>,
    %broadcast_in_dim3A_26 = arith.constant 0.000000e+00 : f32
    %broadcast_in_dim3A_27 = vector.broadcast %broadcast_in_dim3A_26 : f32 to vector<4096x95xf32>
    %swap3A_28 = arith.constant 0 : index
    %swap3A_29 = arith.constant 33 : index
    %swap3A_30 = vector.load %arg3[%swap3A_28, %swap3A_29] : memref<4096x128xf32, #tpu.memory_space<vmem>>, vector<4096x95xf32>
    tpu.vector_store %arg3[%swap3A_28, %swap3A_29], %broadcast_in_dim3A_27 {strides = array<i32>} : memref<4096x128xf32, #tpu.memory_space<vmem>>, vector<4096x95xf32>,
    return
  }
  func.func @transform_0(%arg0: i32) -> (i32, i32) {
    %c0_i32 = arith.constant 0 : i32
    %c0_i32_0 = arith.constant 0 : i32
    return %arg0, %c0_i32 : i32, i32
  }
  func.func @transform_1(%arg0: i32) -> (i32, i32) {
    %c0_i32 = arith.constant 0 : i32
    %c0_i32_0 = arith.constant 0 : i32
    return %arg0, %c0_i32 : i32, i32
  }
  func.func @transform_2(%arg0: i32) -> (i32, i32) {
    %c0_i32 = arith.constant 0 : i32
    %c0_i32_0 = arith.constant 0 : i32
    return %arg0, %c0_i32 : i32, i32
  }
}

module attributes {stable_mosaic.version = 14 : i64} {
  func.func @_norm_kernel(%arg0: memref<2x10112x128xf32, #tpu.memory_space<vmem>>, %arg1: memref<10112x32xf32, #tpu.memory_space<vmem>>) attributes {dimension_semantics = [], scalar_prefetch = 0 : i64, scratch_operands = 0 : i64, tpu.core_type = #tpu.core_type<tc>} {
    %get3A = arith.constant 0 : index
    %get3A_0 = arith.constant 0 : index
    %get3A_1 = arith.constant 0 : index
    %get3A_2 = vector.load %arg0[%get3A, %get3A_0, %get3A_1] : memref<2x10112x128xf32, #tpu.memory_space<vmem>>, vector<1x10112x32xf32>
    %get3A_3 = vector.shape_cast %get3A_2 : vector<1x10112x32xf32> to vector<10112x32xf32>
    %get3A_4 = arith.constant 1 : index
    %get3A_5 = arith.constant 0 : index
    %get3A_6 = arith.constant 0 : index
    %get3A_7 = vector.load %arg0[%get3A_4, %get3A_5, %get3A_6] : memref<2x10112x128xf32, #tpu.memory_space<vmem>>, vector<1x10112x32xf32>
    %get3A_8 = vector.shape_cast %get3A_7 : vector<1x10112x32xf32> to vector<10112x32xf32>
    %add3A = arith.addf %get3A_3, %get3A_8 : vector<10112x32xf32>
    %get3A_9 = arith.constant 0 : index
    %get3A_10 = arith.constant 0 : index
    %get3A_11 = arith.constant 32 : index
    %get3A_12 = vector.load %arg0[%get3A_9, %get3A_10, %get3A_11] : memref<2x10112x128xf32, #tpu.memory_space<vmem>>, vector<1x10112x1xf32>
    %get3A_13 = vector.shape_cast %get3A_12 : vector<1x10112x1xf32> to vector<10112x1xf32>
    %get3A_14 = arith.constant 1 : index
    %get3A_15 = arith.constant 0 : index
    %get3A_16 = arith.constant 32 : index
    %get3A_17 = vector.load %arg0[%get3A_14, %get3A_15, %get3A_16] : memref<2x10112x128xf32, #tpu.memory_space<vmem>>, vector<1x10112x1xf32>
    %get3A_18 = vector.shape_cast %get3A_17 : vector<1x10112x1xf32> to vector<10112x1xf32>
    %add3A_19 = arith.addf %get3A_13, %get3A_18 : vector<10112x1xf32>
    %add3A_20 = arith.constant 1.000000e-16 : f32
    %add3A_21 = vector.broadcast %add3A_20 : f32 to vector<10112x1xf32>
    %add3A_22 = arith.addf %add3A_19, %add3A_21 : vector<10112x1xf32>
    %div3A = vector.broadcast %add3A_22 : vector<10112x1xf32> to vector<10112x32xf32>
    %div3A_23 = arith.divf %add3A, %div3A : vector<10112x32xf32>
    %max3A = arith.constant 0.000000e+00 : f32
    %max3A_24 = vector.broadcast %max3A : f32 to vector<10112x32xf32>
    %max3A_25 = arith.maximumf %div3A_23, %max3A_24 : vector<10112x32xf32>
    %swap3A = arith.constant 0 : index
    %swap3A_26 = arith.constant 0 : index
    %swap3A_27 = vector.load %arg1[%swap3A, %swap3A_26] : memref<10112x32xf32, #tpu.memory_space<vmem>>, vector<10112x32xf32>
    tpu.vector_store %arg1[%swap3A, %swap3A_26], %max3A_25 {strides = array<i32>} : memref<10112x32xf32, #tpu.memory_space<vmem>>, vector<10112x32xf32>,
    return
  }
}

module attributes {stable_mosaic.version = 14 : i64} {
  func.func @_combine2_kernel(%arg0: memref<10112x32xf32, #tpu.memory_space<vmem>>, %arg1: memref<10112x32xf32, #tpu.memory_space<vmem>>, %arg2: memref<32x32xf32, #tpu.memory_space<vmem>>, %arg3: memref<32xf32, #tpu.memory_space<vmem>>, %arg4: memref<32xf32, #tpu.memory_space<vmem>>, %arg5: memref<10112x128xf32, #tpu.memory_space<vmem>>) attributes {dimension_semantics = [], scalar_prefetch = 0 : i64, scratch_operands = 0 : i64, tpu.core_type = #tpu.core_type<tc>} {
    %get3A = arith.constant 0 : index
    %get3A_0 = arith.constant 0 : index
    %get3A_1 = vector.load %arg0[%get3A, %get3A_0] : memref<10112x32xf32, #tpu.memory_space<vmem>>, vector<10112x32xf32>
    %get3A_2 = arith.constant 0 : index
    %get3A_3 = arith.constant 0 : index
    %get3A_4 = vector.load %arg1[%get3A_2, %get3A_3] : memref<10112x32xf32, #tpu.memory_space<vmem>>, vector<10112x32xf32>
    %get3A_5 = arith.constant 0 : index
    %get3A_6 = arith.constant 0 : index
    %get3A_7 = vector.load %arg2[%get3A_5, %get3A_6] : memref<32x32xf32, #tpu.memory_space<vmem>>, vector<32x32xf32>
    %get3A_8 = arith.constant 0 : index
    %get3A_9 = vector.load %arg3[%get3A_8] : memref<32xf32, #tpu.memory_space<vmem>>, vector<32xf32>
    %get3A_10 = arith.constant 0 : index
    %get3A_11 = vector.load %arg4[%get3A_10] : memref<32xf32, #tpu.memory_space<vmem>>, vector<32xf32>
    %iota3A = tpu.iota {dimensions = array<i32: 0>} : vector<10112x1xi32>
    %lt3A = arith.constant 10000 : i32
    %lt3A_12 = vector.broadcast %lt3A : i32 to vector<10112x1xi32>
    %lt3A_13 = arith.cmpi slt, %iota3A, %lt3A_12 : vector<10112x1xi32>
    %convert_element_type3A = arith.extui %lt3A_13 : vector<10112x1xi1> to vector<10112x1xi32>
    %convert_element_type3A_14 = arith.sitofp %convert_element_type3A : vector<10112x1xi32> to vector<10112x1xf32>
    %dot_general3A = arith.constant dense<0.000000e+00> : vector<10112x32xf32>
    %dot_general3A_15 = tpu.matmul %get3A_1, %get3A_7, %dot_general3A {dimension_numbers = #tpu.dot_dimension_numbers<[1], [0], [0], [1], [0, 0, 1, 1], [], []>, transpose_lhs_hint = false} : vector<10112x32xf32>, vector<32x32xf32>, vector<10112x32xf32> -> vector<10112x32xf32>
    %broadcast_in_dim3A = vector.shape_cast %get3A_9 : vector<32xf32> to vector<1x32xf32>
    %add3A = vector.broadcast %broadcast_in_dim3A : vector<1x32xf32> to vector<10112x32xf32>
    %add3A_16 = arith.addf %dot_general3A_15, %add3A : vector<10112x32xf32>
    %tanh3A = math.tanh %add3A_16 : vector<10112x32xf32>
    %mul3A = vector.broadcast %convert_element_type3A_14 : vector<10112x1xf32> to vector<10112x32xf32>
    %mul3A_17 = arith.mulf %tanh3A, %mul3A : vector<10112x32xf32>
    %dot_general3A_18 = arith.constant dense<0.000000e+00> : vector<10112x32xf32>
    %dot_general3A_19 = tpu.matmul %get3A_4, %get3A_7, %dot_general3A_18 {dimension_numbers = #tpu.dot_dimension_numbers<[1], [0], [0], [1], [0, 0, 1, 1], [], []>, transpose_lhs_hint = false} : vector<10112x32xf32>, vector<32x32xf32>, vector<10112x32xf32> -> vector<10112x32xf32>
    %broadcast_in_dim3A_20 = vector.shape_cast %get3A_9 : vector<32xf32> to vector<1x32xf32>
    %add3A_21 = vector.broadcast %broadcast_in_dim3A_20 : vector<1x32xf32> to vector<10112x32xf32>
    %add3A_22 = arith.addf %dot_general3A_19, %add3A_21 : vector<10112x32xf32>
    %tanh3A_23 = math.tanh %add3A_22 : vector<10112x32xf32>
    %mul3A_24 = vector.broadcast %convert_element_type3A_14 : vector<10112x1xf32> to vector<10112x32xf32>
    %mul3A_25 = arith.mulf %tanh3A_23, %mul3A_24 : vector<10112x32xf32>
    %reduce_sum3A = arith.constant dense<0.000000e+00> : vector<32xf32>
    %reduce_sum3A_26 = vector.multi_reduction <add>, %mul3A_17, %reduce_sum3A [0] : vector<10112x32xf32> to vector<32xf32>
    %broadcast_in_dim3A_27 = vector.shape_cast %reduce_sum3A_26 : vector<32xf32> to vector<1x32xf32>
    %div3A = arith.constant 1.000000e+04 : f32
    %div3A_28 = vector.broadcast %div3A : f32 to vector<1x32xf32>
    %div3A_29 = arith.divf %broadcast_in_dim3A_27, %div3A_28 : vector<1x32xf32>
    %reduce_sum3A_30 = arith.constant dense<0.000000e+00> : vector<32xf32>
    %reduce_sum3A_31 = vector.multi_reduction <add>, %mul3A_25, %reduce_sum3A_30 [0] : vector<10112x32xf32> to vector<32xf32>
    %broadcast_in_dim3A_32 = vector.shape_cast %reduce_sum3A_31 : vector<32xf32> to vector<1x32xf32>
    %div3A_33 = arith.constant 1.000000e+04 : f32
    %div3A_34 = vector.broadcast %div3A_33 : f32 to vector<1x32xf32>
    %div3A_35 = arith.divf %broadcast_in_dim3A_32, %div3A_34 : vector<1x32xf32>
    %broadcast_in_dim3A_36 = vector.shape_cast %get3A_11 : vector<32xf32> to vector<1x32xf32>
    %mul3A_37 = arith.mulf %div3A_29, %broadcast_in_dim3A_36 : vector<1x32xf32>
    %reduce_sum3A_38 = vector.shape_cast %mul3A_37 : vector<1x32xf32> to vector<1x1x32xf32>
    %reduce_sum3A_39 = arith.constant dense<0.000000e+00> : vector<1xf32>
    %reduce_sum3A_40 = vector.multi_reduction <add>, %reduce_sum3A_38, %reduce_sum3A_39 [1, 2] : vector<1x1x32xf32> to vector<1xf32>
    %reduce_sum3A_41 = vector.shape_cast %reduce_sum3A_40 : vector<1xf32> to vector<1x1x1xf32>
    %reduce_sum3A_42 = vector.extract %reduce_sum3A_41[0, 0, 0] : f32 from vector<1x1x1xf32>
    %broadcast_in_dim3A_43 = vector.shape_cast %get3A_11 : vector<32xf32> to vector<1x32xf32>
    %mul3A_44 = arith.mulf %div3A_35, %broadcast_in_dim3A_43 : vector<1x32xf32>
    %reduce_sum3A_45 = vector.shape_cast %mul3A_44 : vector<1x32xf32> to vector<1x1x32xf32>
    %reduce_sum3A_46 = arith.constant dense<0.000000e+00> : vector<1xf32>
    %reduce_sum3A_47 = vector.multi_reduction <add>, %reduce_sum3A_45, %reduce_sum3A_46 [1, 2] : vector<1x1x32xf32> to vector<1xf32>
    %reduce_sum3A_48 = vector.shape_cast %reduce_sum3A_47 : vector<1xf32> to vector<1x1x1xf32>
    %reduce_sum3A_49 = vector.extract %reduce_sum3A_48[0, 0, 0] : f32 from vector<1x1x1xf32>
    %max3A = arith.maximumf %reduce_sum3A_42, %reduce_sum3A_49 : f32
    %sub3A = arith.subf %reduce_sum3A_42, %max3A : f32
    %exp3A = math.exp %sub3A : f32
    %sub3A_50 = arith.subf %reduce_sum3A_49, %max3A : f32
    %exp3A_51 = math.exp %sub3A_50 : f32
    %add3A_52 = arith.addf %exp3A, %exp3A_51 : f32
    %div3A_53 = arith.divf %exp3A, %add3A_52 : f32
    %add3A_54 = arith.addf %exp3A, %exp3A_51 : f32
    %div3A_55 = arith.divf %exp3A_51, %add3A_54 : f32
    %mul3A_56 = vector.broadcast %div3A_53 : f32 to vector<10112x32xf32>
    %mul3A_57 = arith.mulf %mul3A_56, %get3A_1 : vector<10112x32xf32>
    %mul3A_58 = vector.broadcast %div3A_55 : f32 to vector<10112x32xf32>
    %mul3A_59 = arith.mulf %mul3A_58, %get3A_4 : vector<10112x32xf32>
    %add3A_60 = arith.addf %mul3A_57, %mul3A_59 : vector<10112x32xf32>
    %max3A_61 = arith.constant 0.000000e+00 : f32
    %max3A_62 = vector.broadcast %max3A_61 : f32 to vector<10112x32xf32>
    %max3A_63 = arith.maximumf %add3A_60, %max3A_62 : vector<10112x32xf32>
    %swap3A = arith.constant 0 : index
    %swap3A_64 = arith.constant 0 : index
    %swap3A_65 = vector.load %arg5[%swap3A, %swap3A_64] : memref<10112x128xf32, #tpu.memory_space<vmem>>, vector<10112x32xf32>
    tpu.vector_store %arg5[%swap3A, %swap3A_64], %max3A_63 {strides = array<i32>} : memref<10112x128xf32, #tpu.memory_space<vmem>>, vector<10112x32xf32>,
    %broadcast_in_dim3A_66 = arith.constant 0.000000e+00 : f32
    %broadcast_in_dim3A_67 = vector.broadcast %broadcast_in_dim3A_66 : f32 to vector<10112x96xf32>
    %swap3A_68 = arith.constant 0 : index
    %swap3A_69 = arith.constant 32 : index
    %swap3A_70 = vector.load %arg5[%swap3A_68, %swap3A_69] : memref<10112x128xf32, #tpu.memory_space<vmem>>, vector<10112x96xf32>
    tpu.vector_store %arg5[%swap3A_68, %swap3A_69], %broadcast_in_dim3A_67 {strides = array<i32>} : memref<10112x128xf32, #tpu.memory_space<vmem>>, vector<10112x96xf32>,
    return
  }
}

module attributes {stable_mosaic.version = 14 : i64} {
  func.func @_final_kernel(%arg0: i32, %arg1: memref<4096x128xf32, #tpu.memory_space<vmem>>, %arg2: memref<4096x128xf32, #tpu.memory_space<vmem>>, %arg3: memref<32x2xf32, #tpu.memory_space<vmem>>, %arg4: memref<2xf32, #tpu.memory_space<vmem>>, %arg5: memref<4096x1xf32, #tpu.memory_space<vmem>>) attributes {dimension_semantics = [#tpu.dimension_semantics<arbitrary>], iteration_bounds = array<i64: 5>, scalar_prefetch = 0 : i64, scratch_operands = 0 : i64, tpu.core_type = #tpu.core_type<tc>, window_params = [{transform_indices = @transform_0, window_bounds = array<i64: 4096, 128>}, {transform_indices = @transform_1, window_bounds = array<i64: 4096, 128>}, {pipeline_mode = #tpu.pipeline_mode<synchronous>, transform_indices = @transform_2, window_bounds = array<i64: 32, 2>}, {pipeline_mode = #tpu.pipeline_mode<synchronous>, transform_indices = @transform_3, window_bounds = array<i64: 2>}, {transform_indices = @transform_4, window_bounds = array<i64: 4096, 1>}]} {
    %get3A = arith.constant 0 : index
    %get3A_0 = arith.constant 0 : index
    %get3A_1 = vector.load %arg3[%get3A, %get3A_0] : memref<32x2xf32, #tpu.memory_space<vmem>>, vector<32x2xf32>
    %reduce_sum3A = arith.constant dense<0.000000e+00> : vector<32xf32>
    %reduce_sum3A_2 = vector.multi_reduction <add>, %get3A_1, %reduce_sum3A [1] : vector<32x2xf32> to vector<32xf32>
    %get3A_3 = arith.constant 0 : index
    %get3A_4 = arith.constant 0 : index
    %get3A_5 = vector.load %arg1[%get3A_3, %get3A_4] : memref<4096x128xf32, #tpu.memory_space<vmem>>, vector<4096x32xf32>
    %get3A_6 = arith.constant 0 : index
    %get3A_7 = arith.constant 0 : index
    %get3A_8 = vector.load %arg2[%get3A_6, %get3A_7] : memref<4096x128xf32, #tpu.memory_space<vmem>>, vector<4096x32xf32>
    %mul3A = arith.mulf %get3A_5, %get3A_8 : vector<4096x32xf32>
    %broadcast_in_dim3A = vector.shape_cast %reduce_sum3A_2 : vector<32xf32> to vector<1x32xf32>
    %mul3A_9 = vector.broadcast %broadcast_in_dim3A : vector<1x32xf32> to vector<4096x32xf32>
    %mul3A_10 = arith.mulf %mul3A, %mul3A_9 : vector<4096x32xf32>
    %reduce_sum3A_11 = arith.constant dense<0.000000e+00> : vector<4096xf32>
    %reduce_sum3A_12 = vector.multi_reduction <add>, %mul3A_10, %reduce_sum3A_11 [1] : vector<4096x32xf32> to vector<4096xf32>
    %broadcast_in_dim3A_13 = vector.shape_cast %reduce_sum3A_12 : vector<4096xf32> to vector<4096x1xf32>
    %get3A_14 = arith.constant 0 : index
    %get3A_15 = vector.load %arg4[%get3A_14] : memref<2xf32, #tpu.memory_space<vmem>>, vector<2xf32>
    %reduce_sum3A_16 = vector.shape_cast %get3A_15 : vector<2xf32> to vector<1x2xf32>
    %reduce_sum3A_17 = arith.constant dense<0.000000e+00> : vector<1xf32>
    %reduce_sum3A_18 = vector.multi_reduction <add>, %reduce_sum3A_16, %reduce_sum3A_17 [1] : vector<1x2xf32> to vector<1xf32>
    %reduce_sum3A_19 = vector.shape_cast %reduce_sum3A_18 : vector<1xf32> to vector<1x1xf32>
    %reduce_sum3A_20 = vector.extract %reduce_sum3A_19[0, 0] : f32 from vector<1x1xf32>
    %add3A = vector.broadcast %reduce_sum3A_20 : f32 to vector<4096x1xf32>
    %add3A_21 = arith.addf %broadcast_in_dim3A_13, %add3A : vector<4096x1xf32>
    %swap3A = arith.constant 0 : index
    %swap3A_22 = arith.constant 0 : index
    %swap3A_23 = vector.load %arg5[%swap3A, %swap3A_22] : memref<4096x1xf32, #tpu.memory_space<vmem>>, vector<4096x1xf32>
    tpu.vector_store %arg5[%swap3A, %swap3A_22], %add3A_21 {strides = array<i32>} : memref<4096x1xf32, #tpu.memory_space<vmem>>, vector<4096x1xf32>,
    return
  }
  func.func @transform_0(%arg0: i32) -> (i32, i32) {
    %c0_i32 = arith.constant 0 : i32
    %c0_i32_0 = arith.constant 0 : i32
    return %arg0, %c0_i32 : i32, i32
  }
  func.func @transform_1(%arg0: i32) -> (i32, i32) {
    %c0_i32 = arith.constant 0 : i32
    %c0_i32_0 = arith.constant 0 : i32
    return %arg0, %c0_i32 : i32, i32
  }
  func.func @transform_2(%arg0: i32) -> (i32, i32) {
    %c0_i32 = arith.constant 0 : i32
    %c0_i32_0 = arith.constant 0 : i32
    %c0_i32_1 = arith.constant 0 : i32
    return %c0_i32, %c0_i32_0 : i32, i32
  }
  func.func @transform_3(%arg0: i32) -> i32 {
    %c0_i32 = arith.constant 0 : i32
    %c0_i32_0 = arith.constant 0 : i32
    return %c0_i32 : i32
  }
  func.func @transform_4(%arg0: i32) -> (i32, i32) {
    %c0_i32 = arith.constant 0 : i32
    %c0_i32_0 = arith.constant 0 : i32
    return %arg0, %c0_i32 : i32, i32
  }
}

</mosaic_0001>

<sc_bundles>
// kernel: kernel.21.cloned.1.call-start
scs
__scs_entry_jumppad:
0x0: {  	(pc) =	sbr.rel $0x88, $3  }
0x1: {  	(tag) =	ssettag $0x0;
	lr =	simm.s32 $0x1  }
0x2: {  	[smem:$0x3F89] =	sst lr;
	_ =	strace $0xD0000000  }
0x3: {  	_ = 	snop  }
0x4: {  	_ = 	snop  }
0x5: {  	_ = 	snop  }
0x6: {  	_ = 	snop  }
0x7: {  	_ = 	snop  }
__scs_overlays_trampoline_lowered:
0x8: {  	[smem:$0x3F98] =	sst s0  }
0x9: {  	[smem:$0x3F99] =	sst s1  }
0xa: {  	[smem:$0x3F9A] =	sst s2  }
0xb: {  	[smem:$0x3F9B] =	sst s3  }
0xc: {  	[smem:$0x3F9C] =	sst s4  }
0xd: {  	[smem:$0x3F9D] =	sst s5  }
0xe: {  	[smem:$0x3F9E] =	sst s6  }
0xf: {  	[smem:$0x3F9F] =	sst s7  }
0x10: {  	[smem:$0x3FA0] =	sst s8  }
0x11: {  	[smem:$0x3FA1] =	sst s9;
	s0 =	simm.s32 @!p0 $0x0  }
0x12: {  	s1 =	sld [smem:$0x3F87];
	s0 =	simm.s32 @p0 $0x1  }
0x13: {  	[smem:$0x3FA2] =	sst s0;
	s0 =	simm.s32 @!p1 $0x0  }
0x14: {  	s2 =	sld [smem:$0x3F86];
	s0 =	simm.s32 @p1 $0x1  }
0x15: {  	[smem:$0x3FA3] =	sst s0;
	s0 =	simm.s32 @!p2 $0x0  }
0x16: {  	s3 =	sld [smem:$0x3FDB];
	s0 =	simm.s32 @p2 $0x1  }
0x17: {  	s4 =	simm.s32 $0x1BF5;
	[smem:$0x3FA5] =	sst s0  }
0x18: {  	s0 =	sld [smem:$0x3F88];
	_ =	swait.ge [sflag:s4], $0x0  }
0x19: {  	s7 =	sld [smem:$0x3F89]  }
0x1a: {  	s8 =	sadd.s32 $0xFFFFE003, lr  }
0x1b: {  	s9 =	sadd.s32 $0xFFFFFEF7, lr;
	s5 =	simm.s32 $0xFFFFFFFF;
	p2 =	slt.u32 s8, $0xFFFFF086  }
0x1c: {  	p1 =	slt.u32 s9, $0xF7A;
	s5 =	simm.s32 @!p2 $0x0  }
0x1d: {  	s5 =	simm.s32 @p1 $0x1;
	p0 =	seq.s32 s7, s2  }
0x1e: {  	s7 =	smul.u32 @!p0 $0xF7A, s2;
	p2 =	seq.s32 @!p0 s5, $0x0  }
0x1f: {  	s9 =	smul.u32 $0xF7A, s1;
	s8 =	simm.s32 @!p0 $0x1BF5;
	p2 =	por !p2, p0  }
0x20: {  	[sflag:s8] =	ssyncset.s32 @!p0 $0xFFFFF086;
	s6 =	sadd.s32 @!p0 s3, s7;
	s7 =	simm.s32 @!p0 $0x108  }
0x21: {  	s3 =	sadd.s32 s3, s9;
	s6 =	sadd.s32 @!p0 $0x88, s6;
	s7 =	simm.s32 @p2 $0x1082  }
0x22: {  	[simem:s7], [sflag:s8] =	dma.local @!p0 [hbm:s6], $0xF7A  }
0x23: {  	s9 =	sor.u32 $0xD0000000, s2;
	s6 =	simm.s32 $0x108;
	_ =	swait.ge @!p0 [sflag:s8], $0x0  }
0x24: {  	s3 =	sadd.s32 $0x88, s3;
	s6 =	simm.s32 @!p1 $0x1082;
	[sflag:s4] =	ssyncset.s32 $0xFFFFF086  }
0x25: {  	[simem:s6], [sflag:s4] =	dma.local [hbm:s3], $0xF7A  }
0x26: {  	[smem:$0x3F89] =	sst s1;
	(tag) =	ssettag s2;
	_ =	strace s9  }
0x27: {  	s1 =	sld [smem:$0x3F99]  }
0x28: {  	s2 =	sld [smem:$0x3F9A]  }
0x29: {  	s4 =	sld [smem:$0x3F9C]  }
0x2a: {  	p0 =	seq.s32 s5, $0x0;
	s5 =	sld [smem:$0x3F9D]  }
0x2b: {  	s6 =	sld [smem:$0x3F9E]  }
0x2c: {  	s7 =	sld [smem:$0x3F9F]  }
0x2d: {  	s3 =	simm.s32 $0x108;
	s8 =	sld [smem:$0x3FA0]  }
0x2e: {  	s3 =	simm.s32 @!p0 $0x1082;
	s9 =	sld [smem:$0x3FA1]  }
0x2f: {  	lr =	sadd.s32 s0, s3;
	s0 =	sld [smem:$0x3F98]  }
0x30: {  	s3 =	sld [smem:$0x3F9B]  }
0x31: {  	[smem:$0x3FA4] =	sst s10  }
0x32: {  	s10 =	sld [smem:$0x3FA2];
	_ =	sdelay $0x3  }
0x33: {  	p0 =	seq.s32 s10, $0x1;
	s10 =	sld [smem:$0x3FA4];
	_ =	sdelay $0x3  }
0x34: {  	[smem:$0x3FA4] =	sst s10  }
0x35: {  	s10 =	sld [smem:$0x3FA3];
	_ =	sdelay $0x3  }
0x36: {  	p1 =	seq.s32 s10, $0x1;
	s10 =	sld [smem:$0x3FA4];
	_ =	sdelay $0x3  }
0x37: {  	[smem:$0x3FA4] =	sst s10  }
0x38: {  	s10 =	sld [smem:$0x3FA5]  }
0x39: {  	_ = 	snop;
	(pc) =	sbr.ind lr, $3  }
0x3a: {  	_ = 	snop  }
0x3b: {  	_ = 	snop  }
0x3c: {  	p2 =	seq.s32 s10, $0x1;
	s10 =	sld [smem:$0x3FA4]  }
0x3d: {  	_ =	shalt  }
0x3e: {  	_ =	shalt  }
0x3f: {  	_ =	shalt  }
0x40: {  	_ =	shalt  }
0x41: {  	_ =	shalt  }
0x42: {  	_ =	shalt  }
0x43: {  	_ =	shalt  }
0x44: {  	_ =	shalt  }
0x45: {  	_ =	shalt  }
0x46: {  	_ =	shalt  }
0x47: {  	_ =	shalt  }
0x48: {  	_ =	shalt  }
0x49: {  	_ =	shalt  }
0x4a: {  	_ =	shalt  }
0x4b: {  	_ =	shalt  }
0x4c: {  	_ =	shalt  }
0x4d: {  	_ =	shalt  }
0x4e: {  	_ =	shalt  }
0x4f: {  	_ =	shalt  }
0x50: {  	_ =	shalt  }
0x51: {  	_ =	shalt  }
0x52: {  	_ =	shalt  }
0x53: {  	_ =	shalt  }
0x54: {  	_ =	shalt  }
0x55: {  	_ =	shalt  }
0x56: {  	_ =	shalt  }
0x57: {  	_ =	shalt  }
0x58: {  	_ =	shalt  }
0x59: {  	_ =	shalt  }
0x5a: {  	_ =	shalt  }
0x5b: {  	_ =	shalt  }
0x5c: {  	_ =	shalt  }
0x5d: {  	_ =	shalt  }
0x5e: {  	_ =	shalt  }
0x5f: {  	_ =	shalt  }
0x60: {  	_ =	shalt  }
0x61: {  	_ =	shalt  }
0x62: {  	_ =	shalt  }
0x63: {  	_ =	shalt  }
0x64: {  	_ =	shalt  }
0x65: {  	_ =	shalt  }
0x66: {  	_ =	shalt  }
0x67: {  	_ =	shalt  }
0x68: {  	_ =	shalt  }
0x69: {  	_ =	shalt  }
0x6a: {  	_ =	shalt  }
0x6b: {  	_ =	shalt  }
0x6c: {  	_ =	shalt  }
0x6d: {  	_ =	shalt  }
0x6e: {  	_ =	shalt  }
0x6f: {  	_ =	shalt  }
0x70: {  	_ =	shalt  }
0x71: {  	_ =	shalt  }
0x72: {  	_ =	shalt  }
0x73: {  	_ =	shalt  }
0x74: {  	_ =	shalt  }
0x75: {  	_ =	shalt  }
0x76: {  	_ =	shalt  }
0x77: {  	_ =	shalt  }
0x78: {  	_ =	shalt  }
0x79: {  	_ =	shalt  }
0x7a: {  	_ =	shalt  }
0x7b: {  	_ =	shalt  }
0x7c: {  	_ =	shalt  }
0x7d: {  	_ =	shalt  }
0x7e: {  	_ =	shalt  }
0x7f: {  	_ =	shalt  }
0x80: {  	_ =	shalt  }
0x81: {  	_ =	shalt  }
0x82: {  	_ =	shalt  }
0x83: {  	_ =	shalt  }
0x84: {  	_ =	shalt  }
0x85: {  	_ =	shalt  }
0x86: {  	_ =	shalt  }
0x87: {  	_ =	shalt  }
.Lfunc_end0:
.L_simem_size_0:
called_computation_lowered:
.L_overlay_start_0:
0x88: {  	s2 =	sld [smem:$0x3FD9]  }
0x89: {  	s3 =	sld [smem:$0x3FFE];
	_ =	sdelay $0x1  }
0x8a: {  	s1 =	srdreg.scid  }
0x8b: {  	s0 =	sand.u32 $0x1, s1  }
0x8c: {  	s16 =	sshll.u32 s0, $0xA;
	s2 =	sadd.s32 s3, s2  }
0x8d: {  	s2 =	sadd.s32 s2, s16  }
0x8e: {  	[smem:$0x3FB0] =	sst s2  }
0x8f: {  	_ = 	snop  }
0x90: {  	(tm) =	ssettm $0x1  }
0x91: {  	s17 =	sld [smem:$0x3FFB];
	_ =	sdelay $0x3  }
0x92: {  	_ =	strace s17  }
0x93: {  	s2 =	sld [smem:$0x3FFC];
	_ =	sdelay $0x3  }
0x94: {  	_ =	strace s2  }
0x95: {  	s2 =	sld [smem:$0x3FFD];
	_ =	sdelay $0x3  }
0x96: {  	_ =	strace s2  }
0x97: {  	_ =	strace $0x8FFFFFFF  }
0x98: {  	s18 =	sld [smem:$0x3FDB];
	_ =	sdelay $0x1  }
0x99: {  	s19 =	simm.s32 $_scs_section_size  }
0x9a: {  	s4 =	simm.s32 $_size__tile_overlayer_lowered;
	s5 =	simm.s32 $_tile_overlayer_lowered  }
0x9b: {  	s22 =	simm.s32 $0x1BFF;
	s21 =	sshll.u32 s5, $0x1;
	s2 =	sadd.s32 s19, s18  }
0x9c: {  	s6 =	simm.s32 $0x0;
	s20 =	sshll.u32 s4, $0x1;
	s4 =	sadd.s32 s21, s2  }
0x9d: {  	[timem:s6], [sflag:s22] =	dma.local [hbm:s4], s20  }
0x9e: {  	_ =	swait.ge [sflag:s22], s20  }
0x9f: {  	s3 =	ssub.s32 $0x0, s20;
	[sflag:s22] =	ssyncset.done $0x0  }
0xa0: {  	[sflag:s22] =	ssyncadd.s32 s3;
	_ =	sdelay $0x1  }
0xa1: {  	s23 =	simm.s32 $0x1B8B  }
0xa2: {  	_ =	swait.ge [sflag:s23], $0x1  }
0xa3: {  	[sflag:s23] =	ssyncset.done $0x0  }
0xa4: {  	s25 =	simm.s32 $0x1B8E;
	s24 =	sld [smem:$0x3FFE];
	[sflag:s23] =	ssyncadd.s32 $0xFFFFFFFF  }
0xa5: {  	s26 =	simm.s32 $execute0_lowered;
	[smem:$0x3FD2] =	sst s25  }
0xa6: {  	s4 =	sshll.u32 s26, $0x1;
	_ =	strace $0x80000046;
	[dreg:$0x1] =	wrdreg $0xFFFFFFFF  }
0xa7: {  	s28 =	simm.s32 $_size_execute0_lowered;
	s2 =	sadd.s32 s2, s4;
	[dreg:$0x0] =	wrdreg $0x0  }
0xa8: {  	s4 =	sshll.u32 s28, $0x1;
	[dreg:$0x2] =	wrdreg s2  }
0xa9: {  	[dreg:$0x3] =	wrdreg s4  }
0xaa: {  	[dreg:$0x4] =	wrdreg $0xC0  }
0xab: {  	_ =	task [dreg:s6], $0x5FFFF  }
0xac: {  	[dreg:$0x1] =	wrdreg $0xFFFFFFFF  }
0xad: {  	[dreg:$0x0] =	wrdreg $0x60  }
0xae: {  	[dreg:$0x2] =	wrdreg s24  }
0xaf: {  	[dreg:$0x3] =	wrdreg $0x9  }
0xb0: {  	_ =	task.clear_ibuf [dreg:s6], $0x4FFFF;
	_ =	strace $0x90000046  }
0xb1: {  	s29 =	simm.s32 $0x9;
	_ =	strace $0x80000048  }
0xb2: {  	_ =	swait.ge [sflag:s29], $0x1  }
0xb3: {  	[sflag:s29] =	ssyncadd.s32 $0xFFFFFFFF  }
0xb4: {  	_ =	strace $0x90000048  }
0xb5: {  	_ =	sfence  }
0xb6: {  	s30 =	sld [smem:$0x0];
	_ =	sdelay $0x2  }
0xb7: {  	s31 =	sshll.u32 s1, $0xD;
	s1 =	sshrl.u32 s1, $0x2  }
0xb8: {  	s3 =	sand.u32 $0x4000, s31;
	s1 =	sadd.s32 s1, s30  }
0xb9: {  	s0 =	sor.u32 s3, s0;
	s1 =	sshll.u32 s1, $0x11  }
0xba: {  	s0 =	sor.u32 s1, s0  }
0xbb: {  	s0 =	sadd.s32 $0x8F2B, s0  }
0xbc: {  	[sflag:s0] =	ssyncadd.remote.s32 $0x1  }
0xbd: {  	_ =	sfence.sel $0xFFFF  }
0xbe: {  	[dreg:$0x0] =	wrdreg $0xFFFFFFFF;
	(pc) =	sbr.abs _section_cstart, $3  }
0xbf: {  	[dreg:$0x1] =	wrdreg $0xFFFFFFFF  }
0xc0: {  	_ =	task.clear_ibuf [dreg:s6], $0x2FFFF;
	_ =	strace $0x9FFFFFFF  }
0xc1: {  	(tm) =	ssettm $0x7FFFFFFF  }
tec
execute0_lowered:
.L_overlay_start_1:
0x0: {  	(tag) =	ssettag $0x1  }
0x1: {  	s1 =	srdreg.scid  }
0x2: {  	s0 =	stileid.u32;
	s4 =	rddreg [dreg:$0x0];
	s2 =	simm.s32 $0x0  }
0x3: {  	s13 =	simm.s32 $0x2;
	s14 =	simm.s32 $0x80;
	s6 =	smul.u32 $0x2800, s0  }
0x4: {  	s15 =	simm.s32 $0x1;
	s5 =	sand.u32 $0x1, s1;
	s8 =	smul.u32 $0x28000, s0  }
0x5: {  	s16 =	simm.s32 $0x0;
	s1 =	rddreg [dreg:$0x1];
	s7 =	smul.u32 $0x1400, s5  }
0x6: {  	[smem:$0x7FF] =	sst s2;
	s9 =	smul.u32 $0x14000, s5;
	s5 =	ssub.s32 $0x2, s5  }
0x7: {  	s3 =	sadd.s32 $0x18200, s4;
	_ =	strace $0x80000047;
	s31 =	sshrl.u32 s5, $0x1  }
0x8: {  	s30 =	sadd.s32 s8, s4;
	s6 =	sadd.s32 s7, s6;
	s5 =	ssub.s32 s5, s31  }
0x9: {  	s9 =	sadd.s32 s9, s30;
	s6 =	sshrl.u32 s6, $0x3;
	s5 =	smax.u32 s5, $0x1  }
0xa: {  	s8 =	sadd.s32 $0x2BFA00, s9;
	s12 =	sadd.s32 s6, s4;
	s4 =	sadd.s32 $0x53FA00, s9  }
0xb: {  	s7 =	sadd.s32 $0x3FA00, s9;
	s6 =	sadd.s32 $0x7BFA00, s9;
	s9 =	sadd.s32 $0x9200, s12  }
0xc: {  	s10 =	sadd.s32 $0x13200, s12;
	s11 =	sadd.s32 $0x4200, s12;
	s12 =	sadd.s32 $0xE200, s12  }
.LBB2_1:
0xd: {  	[tilespmem:s2], [sflag:$0x2] =	stream.linear.gather [hbm4b:s12+s2], $0x80, $0x38;
	[tilespmem:$0x4080] =	vst v63  }
0xe: {  	_ =	swait.ge [sflag:s13], $0x80  }
0xf: {  	[sflag:s13] =	ssyncset.done $0x0  }
0x10: {  	[sflag:s13] =	ssyncadd.s32 $0xFFFFFF80  }
0x11: {  	[tilespmem:s14], [sflag:$0x1] =	stream.indirect.gather [hbm4b:s3+s14], $0x80, s2, s14, $0xb8;
	[tilespmem:$0x4080] =	vst v63  }
0x12: {  	_ =	swait.ge [sflag:s15], $0x4000  }
0x13: {  	[sflag:s15] =	ssyncset.done $0x0  }
0x14: {  	s17 =	sadd.s32 $0x0, s4;
	[sflag:s15] =	ssyncadd.s32 $0xFFFFC000  }
0x15: {  	[hbm4b:s17+s2] =	stream.linear.scatter [tilespmem:s14], [sflag:$0x2], $0x4000, $0x38;
	[tilespmem:$0x4080] =	vst v63  }
0x16: {  	_ =	swait.ge [sflag:s13], $0x4000  }
0x17: {  	[sflag:s13] =	ssyncset.done $0x0  }
0x18: {  	[sflag:s13] =	ssyncadd.s32 $0xFFFFC000  }
0x19: {  	[tilespmem:s2], [sflag:$0x2] =	stream.linear.gather [hbm4b:s11+s2], $0x80, $0x38;
	[tilespmem:$0x4080] =	vst v63  }
0x1a: {  	_ =	swait.ge [sflag:s13], $0x80  }
0x1b: {  	[sflag:s13] =	ssyncset.done $0x0  }
0x1c: {  	[sflag:s13] =	ssyncadd.s32 $0xFFFFFF80  }
0x1d: {  	[tilespmem:s14], [sflag:$0x1] =	stream.indirect.gather [hbm4b:s3+s14], $0x80, s2, s14, $0xb8;
	[tilespmem:$0x4080] =	vst v63  }
0x1e: {  	_ =	swait.ge [sflag:s15], $0x4000  }
0x1f: {  	[sflag:s15] =	ssyncset.done $0x0  }
0x20: {  	s29 =	sadd.s32 $0x0, s6;
	[sflag:s15] =	ssyncadd.s32 $0xFFFFC000  }
0x21: {  	[hbm4b:s29+s2] =	stream.linear.scatter [tilespmem:s14], [sflag:$0x2], $0x4000, $0x38;
	[tilespmem:$0x4080] =	vst v63  }
0x22: {  	_ =	swait.ge [sflag:s13], $0x4000  }
0x23: {  	[sflag:s13] =	ssyncset.done $0x0  }
0x24: {  	[sflag:s13] =	ssyncadd.s32 $0xFFFFC000  }
0x25: {  	[tilespmem:s2], [sflag:$0x2] =	stream.linear.gather [hbm4b:s10+s2], $0x80, $0x38;
	[tilespmem:$0x4080] =	vst v63  }
0x26: {  	_ =	swait.ge [sflag:s13], $0x80  }
0x27: {  	[sflag:s13] =	ssyncset.done $0x0  }
0x28: {  	[sflag:s13] =	ssyncadd.s32 $0xFFFFFF80  }
0x29: {  	[tilespmem:s14], [sflag:$0x1] =	stream.indirect.gather [hbm4b:s3+s14], $0x80, s2, s14, $0xb8;
	[tilespmem:$0x4080] =	vst v63  }
0x2a: {  	_ =	swait.ge [sflag:s15], $0x4000  }
0x2b: {  	[sflag:s15] =	ssyncset.done $0x0  }
0x2c: {  	s30 =	sadd.s32 $0x0, s7;
	[sflag:s15] =	ssyncadd.s32 $0xFFFFC000  }
0x2d: {  	[hbm4b:s30+s2] =	stream.linear.scatter [tilespmem:s14], [sflag:$0x2], $0x4000, $0x38;
	[tilespmem:$0x4080] =	vst v63  }
0x2e: {  	_ =	swait.ge [sflag:s13], $0x4000  }
0x2f: {  	[sflag:s13] =	ssyncset.done $0x0  }
0x30: {  	[sflag:s13] =	ssyncadd.s32 $0xFFFFC000  }
0x31: {  	[tilespmem:s2], [sflag:$0x2] =	stream.linear.gather [hbm4b:s9+s2], $0x80, $0x38;
	[tilespmem:$0x4080] =	vst v63  }
0x32: {  	_ =	swait.ge [sflag:s13], $0x80  }
0x33: {  	[sflag:s13] =	ssyncset.done $0x0  }
0x34: {  	[sflag:s13] =	ssyncadd.s32 $0xFFFFFF80  }
0x35: {  	[tilespmem:s14], [sflag:$0x1] =	stream.indirect.gather [hbm4b:s3+s14], $0x80, s2, s14, $0xb8;
	[tilespmem:$0x4080] =	vst v63  }
0x36: {  	_ =	swait.ge [sflag:s15], $0x4000  }
0x37: {  	[sflag:s15] =	ssyncset.done $0x0  }
0x38: {  	s31 =	sadd.s32 $0x0, s8;
	s18 =	sadd.s32 $0x10, s11;
	[sflag:s15] =	ssyncadd.s32 $0xFFFFC000  }
0x39: {  	[hbm4b:s31+s2] =	stream.linear.scatter [tilespmem:s14], [sflag:$0x2], $0x4000, $0x38;
	[tilespmem:$0x4080] =	vst v63  }
0x3a: {  	s19 =	sadd.s32 $0x10, s12;
	s20 =	smov.u32 s9;
	_ =	swait.ge [sflag:s13], $0x4000  }
0x3b: {  	s21 =	smov.u32 s10;
	s17 =	simm.s32 $0x800;
	[sflag:s13] =	ssyncset.done $0x0  }
.LBB2_2:
0x3c: {  	[sflag:s13] =	ssyncadd.s32 $0xFFFFC000  }
0x3d: {  	s20 =	sadd.s32 $0x10, s20;
	s21 =	sadd.s32 $0x10, s21;
	s22 =	smov.u32 s17  }
0x3e: {  	[tilespmem:s2], [sflag:$0x2] =	stream.linear.gather [hbm4b:s19+s2], $0x80, $0x38;
	[tilespmem:$0x4080] =	vst v63  }
0x3f: {  	p0 =	sne.s32 s17, $0x13800;
	s17 =	sadd.s32 $0x800, s17;
	_ =	swait.ge [sflag:s13], $0x80  }
0x40: {  	[sflag:s13] =	ssyncset.done $0x0  }
0x41: {  	[sflag:s13] =	ssyncadd.s32 $0xFFFFFF80  }
0x42: {  	[tilespmem:s14], [sflag:$0x1] =	stream.indirect.gather [hbm4b:s3+s14], $0x80, s2, s14, $0xb8;
	[tilespmem:$0x4080] =	vst v63  }
0x43: {  	_ =	swait.ge [sflag:s15], $0x4000  }
0x44: {  	[sflag:s15] =	ssyncset.done $0x0  }
0x45: {  	s23 =	sadd.s32 s22, s4;
	[sflag:s15] =	ssyncadd.s32 $0xFFFFC000  }
0x46: {  	[hbm4b:s23+s2] =	stream.linear.scatter [tilespmem:s14], [sflag:$0x2], $0x4000, $0x38;
	[tilespmem:$0x4080] =	vst v63  }
0x47: {  	_ =	swait.ge [sflag:s13], $0x4000  }
0x48: {  	[sflag:s13] =	ssyncset.done $0x0  }
0x49: {  	[sflag:s13] =	ssyncadd.s32 $0xFFFFC000  }
0x4a: {  	[tilespmem:s2], [sflag:$0x2] =	stream.linear.gather [hbm4b:s18+s2], $0x80, $0x38;
	[tilespmem:$0x4080] =	vst v63  }
0x4b: {  	_ =	swait.ge [sflag:s13], $0x80  }
0x4c: {  	[sflag:s13] =	ssyncset.done $0x0  }
0x4d: {  	[sflag:s13] =	ssyncadd.s32 $0xFFFFFF80  }
0x4e: {  	[tilespmem:s14], [sflag:$0x1] =	stream.indirect.gather [hbm4b:s3+s14], $0x80, s2, s14, $0xb8;
	[tilespmem:$0x4080] =	vst v63  }
0x4f: {  	_ =	swait.ge [sflag:s15], $0x4000  }
0x50: {  	[sflag:s15] =	ssyncset.done $0x0  }
0x51: {  	s23 =	sadd.s32 s22, s6;
	[sflag:s15] =	ssyncadd.s32 $0xFFFFC000  }
0x52: {  	[hbm4b:s23+s2] =	stream.linear.scatter [tilespmem:s14], [sflag:$0x2], $0x4000, $0x38;
	[tilespmem:$0x4080] =	vst v63  }
0x53: {  	_ =	swait.ge [sflag:s13], $0x4000  }
0x54: {  	[sflag:s13] =	ssyncset.done $0x0  }
0x55: {  	[sflag:s13] =	ssyncadd.s32 $0xFFFFC000  }
0x56: {  	[tilespmem:s2], [sflag:$0x2] =	stream.linear.gather [hbm4b:s21+s2], $0x80, $0x38;
	[tilespmem:$0x4080] =	vst v63  }
0x57: {  	_ =	swait.ge [sflag:s13], $0x80  }
0x58: {  	[sflag:s13] =	ssyncset.done $0x0  }
0x59: {  	[sflag:s13] =	ssyncadd.s32 $0xFFFFFF80  }
0x5a: {  	[tilespmem:s14], [sflag:$0x1] =	stream.indirect.gather [hbm4b:s3+s14], $0x80, s2, s14, $0xb8;
	[tilespmem:$0x4080] =	vst v63  }
0x5b: {  	_ =	swait.ge [sflag:s15], $0x4000  }
0x5c: {  	[sflag:s15] =	ssyncset.done $0x0  }
0x5d: {  	s23 =	sadd.s32 s22, s7;
	[sflag:s15] =	ssyncadd.s32 $0xFFFFC000  }
0x5e: {  	[hbm4b:s23+s2] =	stream.linear.scatter [tilespmem:s14], [sflag:$0x2], $0x4000, $0x38;
	[tilespmem:$0x4080] =	vst v63  }
0x5f: {  	_ =	swait.ge [sflag:s13], $0x4000  }
0x60: {  	[sflag:s13] =	ssyncset.done $0x0  }
0x61: {  	[sflag:s13] =	ssyncadd.s32 $0xFFFFC000  }
0x62: {  	[tilespmem:s2], [sflag:$0x2] =	stream.linear.gather [hbm4b:s20+s2], $0x80, $0x38;
	[tilespmem:$0x4080] =	vst v63  }
0x63: {  	_ =	swait.ge [sflag:s13], $0x80  }
0x64: {  	[sflag:s13] =	ssyncset.done $0x0  }
0x65: {  	[sflag:s13] =	ssyncadd.s32 $0xFFFFFF80  }
0x66: {  	[tilespmem:s14], [sflag:$0x1] =	stream.indirect.gather [hbm4b:s3+s14], $0x80, s2, s14, $0xb8;
	[tilespmem:$0x4080] =	vst v63  }
0x67: {  	_ =	swait.ge [sflag:s15], $0x4000  }
.Ltmp0:
0x68: {  	[sflag:s15] =	ssyncset.done $0x0;
	(pc) =	sbr.rel @p0 .LBB2_2-.Ltmp0, $4  }
0x69: {  	s22 =	sadd.s32 s22, s8;
	[sflag:s15] =	ssyncadd.s32 $0xFFFFC000  }
0x6a: {  	[hbm4b:s22+s2] =	stream.linear.scatter [tilespmem:s14], [sflag:$0x2], $0x4000, $0x38;
	[tilespmem:$0x4080] =	vst v63  }
0x6b: {  	_ =	swait.ge [sflag:s13], $0x4000  }
0x6c: {  	s19 =	sadd.s32 $0x10, s19;
	s18 =	sadd.s32 $0x10, s18;
	[sflag:s13] =	ssyncset.done $0x0  }
0x6d: {  	s16 =	sadd.s32 $0x1, s16  }
0x6e: {  	p0 =	sne.s32 s16, s5  }
.Ltmp1:
0x6f: {  	_ = 	snop;
	(pc) =	sbr.rel @p0 .LBB2_1-.Ltmp1, $2  }
0x70: {  	_ =	sdelay $0x2  }
0x71: {  	[sflag:s13] =	ssyncadd.s32 $0xFFFFC000  }
0x72: {  	_ =	sfence.sel $0x180000  }
0x73: {  	[bflag:$0x0] =	sbarrier.arrive $0xFFFF  }
0x74: {  	p0 =	sne.s32 s0, $0x0;
	_ =	strace $0x90000047  }
0x75: {  	s0 =	sadd.s32 @!p0 $0x100000, s1;
	[bflag:$0x2] =	sbarrier.arrive $0xFFFF  }
0x76: {  	[sflag:s0] =	ssyncadd.tile.s32 @!p0 $0x1;
	_ =	shalt  }
.Lfunc_end2:
_tile_overlayer_lowered:
.L_overlay_start_2:
0x77: {  	(tag) =	ssettag $0x2  }
0x78: {  	s0 =	rddreg [dreg:$0x0];
	s2 =	stileid.u32  }
0x79: {  	s1 =	rddreg [dreg:$0x1];
	p0 =	sne.s32 s2, $0x0  }
0x7a: {  	s3 =	rddreg [dreg:$0x2];
	[bflag:$0x3] =	sbarrier.arrive $0xFFFF;
	s2 =	simm.s32 @!p0 $0x1C02  }
0x7b: {  	[timem:s3], [sflag:s2] =	dma.local @!p0 [hbm:s0], s1  }
0x7c: {  	s0 =	simm.s32 @!p0 $0x2  }
0x7d: {  	_ =	swait.ge @!p0 [sflag:s0], s1  }
0x7e: {  	s1 =	ssub.s32 @!p0 $0x0, s1;
	[sflag:s0] =	ssyncset.done @!p0 $0x0  }
0x7f: {  	[sflag:s0] =	ssyncadd.s32 @!p0 s1  }
0x80: {  	[bflag:$0x3] =	sbarrier.arrive $0xFFFF  }
0x81: {  	_ =	shalt  }

// kernel: kernel.24.cloned.1.call-start
scs
__scs_entry_jumppad:
0x0: {  	(pc) =	sbr.rel $0x88, $3  }
0x1: {  	(tag) =	ssettag $0x0;
	lr =	simm.s32 $0x1  }
0x2: {  	[smem:$0x3F89] =	sst lr;
	_ =	strace $0xD0000000  }
0x3: {  	_ = 	snop  }
0x4: {  	_ = 	snop  }
0x5: {  	_ = 	snop  }
0x6: {  	_ = 	snop  }
0x7: {  	_ = 	snop  }
__scs_overlays_trampoline_lowered:
0x8: {  	[smem:$0x3F98] =	sst s0  }
0x9: {  	[smem:$0x3F99] =	sst s1  }
0xa: {  	[smem:$0x3F9A] =	sst s2  }
0xb: {  	[smem:$0x3F9B] =	sst s3  }
0xc: {  	[smem:$0x3F9C] =	sst s4  }
0xd: {  	[smem:$0x3F9D] =	sst s5  }
0xe: {  	[smem:$0x3F9E] =	sst s6  }
0xf: {  	[smem:$0x3F9F] =	sst s7  }
0x10: {  	[smem:$0x3FA0] =	sst s8  }
0x11: {  	[smem:$0x3FA1] =	sst s9;
	s0 =	simm.s32 @!p0 $0x0  }
0x12: {  	s1 =	sld [smem:$0x3F87];
	s0 =	simm.s32 @p0 $0x1  }
0x13: {  	[smem:$0x3FA2] =	sst s0;
	s0 =	simm.s32 @!p1 $0x0  }
0x14: {  	s2 =	sld [smem:$0x3F86];
	s0 =	simm.s32 @p1 $0x1  }
0x15: {  	[smem:$0x3FA3] =	sst s0;
	s0 =	simm.s32 @!p2 $0x0  }
0x16: {  	s3 =	sld [smem:$0x3FDB];
	s0 =	simm.s32 @p2 $0x1  }
0x17: {  	s4 =	simm.s32 $0x1BF5;
	[smem:$0x3FA5] =	sst s0  }
0x18: {  	s0 =	sld [smem:$0x3F88];
	_ =	swait.ge [sflag:s4], $0x0  }
0x19: {  	s7 =	sld [smem:$0x3F89]  }
0x1a: {  	s8 =	sadd.s32 $0xFFFFE003, lr  }
0x1b: {  	s9 =	sadd.s32 $0xFFFFFEF7, lr;
	s5 =	simm.s32 $0xFFFFFFFF;
	p2 =	slt.u32 s8, $0xFFFFF086  }
0x1c: {  	p1 =	slt.u32 s9, $0xF7A;
	s5 =	simm.s32 @!p2 $0x0  }
0x1d: {  	s5 =	simm.s32 @p1 $0x1;
	p0 =	seq.s32 s7, s2  }
0x1e: {  	s7 =	smul.u32 @!p0 $0xF7A, s2;
	p2 =	seq.s32 @!p0 s5, $0x0  }
0x1f: {  	s9 =	smul.u32 $0xF7A, s1;
	s8 =	simm.s32 @!p0 $0x1BF5;
	p2 =	por !p2, p0  }
0x20: {  	[sflag:s8] =	ssyncset.s32 @!p0 $0xFFFFF086;
	s6 =	sadd.s32 @!p0 s3, s7;
	s7 =	simm.s32 @!p0 $0x108  }
0x21: {  	s3 =	sadd.s32 s3, s9;
	s6 =	sadd.s32 @!p0 $0x88, s6;
	s7 =	simm.s32 @p2 $0x1082  }
0x22: {  	[simem:s7], [sflag:s8] =	dma.local @!p0 [hbm:s6], $0xF7A  }
0x23: {  	s9 =	sor.u32 $0xD0000000, s2;
	s6 =	simm.s32 $0x108;
	_ =	swait.ge @!p0 [sflag:s8], $0x0  }
0x24: {  	s3 =	sadd.s32 $0x88, s3;
	s6 =	simm.s32 @!p1 $0x1082;
	[sflag:s4] =	ssyncset.s32 $0xFFFFF086  }
0x25: {  	[simem:s6], [sflag:s4] =	dma.local [hbm:s3], $0xF7A  }
0x26: {  	[smem:$0x3F89] =	sst s1;
	(tag) =	ssettag s2;
	_ =	strace s9  }
0x27: {  	s1 =	sld [smem:$0x3F99]  }
0x28: {  	s2 =	sld [smem:$0x3F9A]  }
0x29: {  	s4 =	sld [smem:$0x3F9C]  }
0x2a: {  	p0 =	seq.s32 s5, $0x0;
	s5 =	sld [smem:$0x3F9D]  }
0x2b: {  	s6 =	sld [smem:$0x3F9E]  }
0x2c: {  	s7 =	sld [smem:$0x3F9F]  }
0x2d: {  	s3 =	simm.s32 $0x108;
	s8 =	sld [smem:$0x3FA0]  }
0x2e: {  	s3 =	simm.s32 @!p0 $0x1082;
	s9 =	sld [smem:$0x3FA1]  }
0x2f: {  	lr =	sadd.s32 s0, s3;
	s0 =	sld [smem:$0x3F98]  }
0x30: {  	s3 =	sld [smem:$0x3F9B]  }
0x31: {  	[smem:$0x3FA4] =	sst s10  }
0x32: {  	s10 =	sld [smem:$0x3FA2];
	_ =	sdelay $0x3  }
0x33: {  	p0 =	seq.s32 s10, $0x1;
	s10 =	sld [smem:$0x3FA4];
	_ =	sdelay $0x3  }
0x34: {  	[smem:$0x3FA4] =	sst s10  }
0x35: {  	s10 =	sld [smem:$0x3FA3];
	_ =	sdelay $0x3  }
0x36: {  	p1 =	seq.s32 s10, $0x1;
	s10 =	sld [smem:$0x3FA4];
	_ =	sdelay $0x3  }
0x37: {  	[smem:$0x3FA4] =	sst s10  }
0x38: {  	s10 =	sld [smem:$0x3FA5]  }
0x39: {  	_ = 	snop;
	(pc) =	sbr.ind lr, $3  }
0x3a: {  	_ = 	snop  }
0x3b: {  	_ = 	snop  }
0x3c: {  	p2 =	seq.s32 s10, $0x1;
	s10 =	sld [smem:$0x3FA4]  }
0x3d: {  	_ =	shalt  }
0x3e: {  	_ =	shalt  }
0x3f: {  	_ =	shalt  }
0x40: {  	_ =	shalt  }
0x41: {  	_ =	shalt  }
0x42: {  	_ =	shalt  }
0x43: {  	_ =	shalt  }
0x44: {  	_ =	shalt  }
0x45: {  	_ =	shalt  }
0x46: {  	_ =	shalt  }
0x47: {  	_ =	shalt  }
0x48: {  	_ =	shalt  }
0x49: {  	_ =	shalt  }
0x4a: {  	_ =	shalt  }
0x4b: {  	_ =	shalt  }
0x4c: {  	_ =	shalt  }
0x4d: {  	_ =	shalt  }
0x4e: {  	_ =	shalt  }
0x4f: {  	_ =	shalt  }
0x50: {  	_ =	shalt  }
0x51: {  	_ =	shalt  }
0x52: {  	_ =	shalt  }
0x53: {  	_ =	shalt  }
0x54: {  	_ =	shalt  }
0x55: {  	_ =	shalt  }
0x56: {  	_ =	shalt  }
0x57: {  	_ =	shalt  }
0x58: {  	_ =	shalt  }
0x59: {  	_ =	shalt  }
0x5a: {  	_ =	shalt  }
0x5b: {  	_ =	shalt  }
0x5c: {  	_ =	shalt  }
0x5d: {  	_ =	shalt  }
0x5e: {  	_ =	shalt  }
0x5f: {  	_ =	shalt  }
0x60: {  	_ =	shalt  }
0x61: {  	_ =	shalt  }
0x62: {  	_ =	shalt  }
0x63: {  	_ =	shalt  }
0x64: {  	_ =	shalt  }
0x65: {  	_ =	shalt  }
0x66: {  	_ =	shalt  }
0x67: {  	_ =	shalt  }
0x68: {  	_ =	shalt  }
0x69: {  	_ =	shalt  }
0x6a: {  	_ =	shalt  }
0x6b: {  	_ =	shalt  }
0x6c: {  	_ =	shalt  }
0x6d: {  	_ =	shalt  }
0x6e: {  	_ =	shalt  }
0x6f: {  	_ =	shalt  }
0x70: {  	_ =	shalt  }
0x71: {  	_ =	shalt  }
0x72: {  	_ =	shalt  }
0x73: {  	_ =	shalt  }
0x74: {  	_ =	shalt  }
0x75: {  	_ =	shalt  }
0x76: {  	_ =	shalt  }
0x77: {  	_ =	shalt  }
0x78: {  	_ =	shalt  }
0x79: {  	_ =	shalt  }
0x7a: {  	_ =	shalt  }
0x7b: {  	_ =	shalt  }
0x7c: {  	_ =	shalt  }
0x7d: {  	_ =	shalt  }
0x7e: {  	_ =	shalt  }
0x7f: {  	_ =	shalt  }
0x80: {  	_ =	shalt  }
0x81: {  	_ =	shalt  }
0x82: {  	_ =	shalt  }
0x83: {  	_ =	shalt  }
0x84: {  	_ =	shalt  }
0x85: {  	_ =	shalt  }
0x86: {  	_ =	shalt  }
0x87: {  	_ =	shalt  }
.Lfunc_end0:
.L_simem_size_0:
called_computation.1_lowered:
.L_overlay_start_0:
0x88: {  	s2 =	sld [smem:$0x3FD9]  }
0x89: {  	s3 =	sld [smem:$0x3FFE];
	_ =	sdelay $0x1  }
0x8a: {  	s1 =	srdreg.scid  }
0x8b: {  	s0 =	sand.u32 $0x1, s1  }
0x8c: {  	s17 =	sshll.u32 s0, $0xA;
	s2 =	sadd.s32 s3, s2  }
0x8d: {  	s2 =	sadd.s32 s2, s17  }
0x8e: {  	[smem:$0x3FB0] =	sst s2  }
0x8f: {  	_ = 	snop  }
0x90: {  	(tm) =	ssettm $0x1  }
0x91: {  	s18 =	sld [smem:$0x3FFB];
	_ =	sdelay $0x3  }
0x92: {  	_ =	strace s18  }
0x93: {  	s2 =	sld [smem:$0x3FFC];
	_ =	sdelay $0x3  }
0x94: {  	_ =	strace s2  }
0x95: {  	s2 =	sld [smem:$0x3FFD];
	_ =	sdelay $0x3  }
0x96: {  	_ =	strace s2  }
0x97: {  	_ =	strace $0x8FFFFFFF  }
0x98: {  	s19 =	sld [smem:$0x3FDB];
	_ =	sdelay $0x1  }
0x99: {  	s20 =	simm.s32 $_scs_section_size  }
0x9a: {  	s4 =	simm.s32 $_size__tile_overlayer_lowered;
	s5 =	simm.s32 $_tile_overlayer_lowered  }
0x9b: {  	s6 =	simm.s32 $0x1BFF;
	s21 =	sshll.u32 s5, $0x1;
	s3 =	sadd.s32 s20, s19  }
0x9c: {  	s22 =	simm.s32 $0x0;
	s4 =	sshll.u32 s4, $0x1;
	s5 =	sadd.s32 s21, s3  }
0x9d: {  	[timem:s22], [sflag:s6] =	dma.local [hbm:s5], s4  }
0x9e: {  	_ =	swait.ge [sflag:s6], s4  }
0x9f: {  	s4 =	ssub.s32 $0x0, s4;
	[sflag:s6] =	ssyncset.done $0x0  }
0xa0: {  	[sflag:s6] =	ssyncadd.s32 s4;
	_ =	sdelay $0x1  }
0xa1: {  	s23 =	simm.s32 $0x1B8B  }
0xa2: {  	_ =	swait.ge [sflag:s23], $0x1  }
0xa3: {  	[sflag:s23] =	ssyncset.done $0x0  }
0xa4: {  	[sflag:s23] =	ssyncadd.s32 $0xFFFFFFFF  }
0xa5: {  	s4 =	sld [smem:$0x0]  }
0xa6: {  	s5 =	sand.u32 $0xFFFFFFFE, s1  }
0xa7: {  	p0 =	sne.s32 s1, s5  }
0xa8: {  	s5 =	sshll.u32 @p0 s5, $0xE  }
0xa9: {  	s5 =	sadd.s32 @p0 $0x11B8D, s5;
	s6 =	sshll.u32 @p0 s4, $0x11  }
0xaa: {  	s5 =	sor.u32 @p0 s6, s5  }
0xab: {  	[sflag:s5] =	ssyncadd.remote.s32 @p0 $0x1;
	_ =	sdelay $0x1  }
0xac: {  	s5 =	simm.s32 @p0 $0x1B8D  }
0xad: {  	_ =	swait.eq @p0 [sflag:s5], $0x1  }
0xae: {  	[sflag:s5] =	ssyncadd.s32 @p0 $0xFFFFFFFF  }
0xaf: {  	s6 =	sshll.u32 @!p0 s1, $0xE  }
0xb0: {  	s6 =	sor.u32 @!p0 $0x4000, s6;
	s5 =	simm.s32 @!p0 $0x1B8D  }
0xb1: {  	s4 =	sshll.u32 @!p0 s4, $0x11;
	s6 =	sadd.s32 @!p0 $0x11B8D, s6;
	_ =	swait.eq @!p0 [sflag:s5], $0x1  }
0xb2: {  	s4 =	sor.u32 @!p0 s4, s6;
	[sflag:s5] =	ssyncadd.s32 @!p0 $0xFFFFFFFF  }
0xb3: {  	s25 =	simm.s32 $0x1B8E;
	s24 =	sld [smem:$0x3FFE];
	[sflag:s4] =	ssyncadd.remote.s32 @!p0 $0x1  }
0xb4: {  	s26 =	simm.s32 $execute0_lowered;
	[smem:$0x3FD2] =	sst s25  }
0xb5: {  	s5 =	sshll.u32 s26, $0x1;
	_ =	strace $0x8000004C;
	[dreg:$0x1] =	wrdreg $0xFFFFFFFF  }
0xb6: {  	s28 =	simm.s32 $_size_execute0_lowered;
	s3 =	sadd.s32 s3, s5;
	[dreg:$0x0] =	wrdreg $0x0  }
0xb7: {  	s5 =	sshll.u32 s28, $0x1;
	[dreg:$0x2] =	wrdreg s3  }
0xb8: {  	[dreg:$0x3] =	wrdreg s5  }
0xb9: {  	[dreg:$0x4] =	wrdreg $0xC0  }
0xba: {  	_ =	task [dreg:s22], $0x5FFFF  }
0xbb: {  	[dreg:$0x1] =	wrdreg $0xFFFFFFFF  }
0xbc: {  	[dreg:$0x0] =	wrdreg $0x60  }
0xbd: {  	[dreg:$0x2] =	wrdreg s24  }
0xbe: {  	[dreg:$0x3] =	wrdreg $0x40800  }
0xbf: {  	[dreg:$0x4] =	wrdreg $0x9  }
0xc0: {  	_ =	task.clear_ibuf [dreg:s22], $0x5FFFF;
	_ =	strace $0x9000004C  }
0xc1: {  	s29 =	simm.s32 $0x9;
	_ =	strace $0x8000004E  }
0xc2: {  	_ =	swait.ge [sflag:s29], $0x1  }
0xc3: {  	[sflag:s29] =	ssyncadd.s32 $0xFFFFFFFF  }
0xc4: {  	_ =	strace $0x9000004E  }
0xc5: {  	_ =	sfence  }
0xc6: {  	s30 =	sld [smem:$0x0];
	_ =	sdelay $0x2  }
0xc7: {  	s31 =	sshll.u32 s1, $0xD;
	s1 =	sshrl.u32 s1, $0x2  }
0xc8: {  	s4 =	sand.u32 $0x4000, s31;
	s1 =	sadd.s32 s1, s30  }
0xc9: {  	s0 =	sor.u32 s4, s0;
	s1 =	sshll.u32 s1, $0x11  }
0xca: {  	s0 =	sor.u32 s1, s0  }
0xcb: {  	s0 =	sadd.s32 $0x8F2B, s0  }
0xcc: {  	[sflag:s0] =	ssyncadd.remote.s32 $0x1  }
0xcd: {  	_ =	sfence.sel $0xFFFF  }
0xce: {  	[dreg:$0x0] =	wrdreg $0xFFFFFFFF;
	(pc) =	sbr.abs _section_cstart, $3  }
0xcf: {  	[dreg:$0x1] =	wrdreg $0xFFFFFFFF  }
0xd0: {  	_ =	task.clear_ibuf [dreg:s22], $0x2FFFF;
	_ =	strace $0x9FFFFFFF  }
0xd1: {  	(tm) =	ssettm $0x7FFFFFFF  }
tec
execute0_lowered:
.L_overlay_start_1:
0x0: {  	(tag) =	ssettag $0x1  }
0x1: {  	s0 =	stileid.u32  }
0x2: {  	s6 =	smul.u32 $0x2800, s0  }
0x3: {  	s1 =	srdreg.scid;
	s8 =	smul.u32 $0x13C00, s0  }
0x4: {  	s4 =	rddreg [dreg:$0x0];
	s23 =	smul.u32 $0x28000, s0  }
0x5: {  	s2 =	rddreg [dreg:$0x1];
	s5 =	sand.u32 $0x1, s1;
	s12 =	smul.u32 $0x4F000, s0  }
0x6: {  	s3 =	simm.s32 $0x0;
	s1 =	rddreg [dreg:$0x2];
	s7 =	smul.u32 $0x1400, s5  }
0x7: {  	[smem:$0x7FF] =	sst s3;
	s29 =	sshll.u32 s0, $0x6;
	s9 =	smul.u32 $0x13C000, s5  }
0x8: {  	_ =	strace $0x8000004D;
	s24 =	ssub.s32 $0x2, s5;
	s30 =	smul.u32 $0x14000, s5  }
0x9: {  	s5 =	sor.u32 $0x1C01, s29;
	s22 =	sshrl.u32 s8, $0x3;
	s11 =	sshrl.u32 s24, $0x1  }
0xa: {  	s13 =	sadd.s32 s23, s4;
	s28 =	sshrl.u32 s12, $0x2;
	s6 =	sadd.s32 s7, s6  }
0xb: {  	s7 =	sadd.s32 s22, s4;
	s8 =	sadd.s32 s8, s9;
	s26 =	ssub.s32 s24, s11  }
0xc: {  	s12 =	sadd.s32 s28, s2;
	s31 =	sadd.s32 s30, s13;
	s11 =	simm.s32 $0x1  }
0xd: {  	s13 =	simm.s32 $0x0;
	s6 =	sshrl.u32 s6, $0x3;
	s8 =	sshrl.u32 s8, $0x3  }
0xe: {  	s10 =	sadd.s32 s6, s4;
	s25 =	sadd.s32 s8, s4;
	s4 =	sadd.s32 $0x18200, s7  }
0xf: {  	s7 =	smax.u32 s26, $0x1;
	s8 =	sadd.s32 $0x8EA00, s31;
	s6 =	sadd.s32 $0x30EA00, s25  }
0x10: {  	s9 =	sadd.s32 $0x4200, s10;
	s10 =	sshrl.u32 s12, $0x3;
	s12 =	simm.s32 $0x80  }
.LBB2_1:
0x11: {  	[spmem:s10], [sflag:s5] =	dma.local [hbm:s4], $0x2780  }
0x12: {  	_ =	swait.ge [sflag:s11], $0x2780  }
0x13: {  	[sflag:s11] =	ssyncset.done $0x0  }
0x14: {  	[sflag:s11] =	ssyncadd.s32 $0xFFFFD880  }
0x15: {  	s14 =	sadd.s32 $0x0, s9;
	[bflag:$0x0] =	sbarrier.arrive $0xFFFF  }
0x16: {  	[tilespmem:s3], [sflag:$0x1] =	stream.linear.gather [hbm4b:s14+s3], $0x80, $0x38;
	[tilespmem:$0x17C80] =	vst v63  }
0x17: {  	_ =	swait.ge [sflag:s11], $0x80  }
0x18: {  	[sflag:s11] =	ssyncset.done $0x0  }
0x19: {  	[sflag:s11] =	ssyncadd.s32 $0xFFFFFF80  }
0x1a: {  	[tilespmem:s12], [sflag:$0x1] =	stream.linear.gather [hbm4b:s8+s3], $0x4000, $0x38;
	[tilespmem:$0x17C80] =	vst v63  }
0x1b: {  	_ =	swait.ge [sflag:s11], $0x4000  }
0x1c: {  	[sflag:s11] =	ssyncset.done $0x0  }
0x1d: {  	[sflag:s11] =	ssyncadd.s32 $0xFFFFC000  }
0x1e: {  	[spmem:s2] =	stream.indirect.scatter.add.f32 [tilespmem:s12], [sflag:$0x1], $0x80, s3, s12, $0xb8;
	[tilespmem:$0x17C80] =	vst v63  }
0x1f: {  	s15 =	simm.s32 $0x10;
	_ =	swait.ge [sflag:s11], $0x4000  }
0x20: {  	s16 =	simm.s32 $0x20;
	s14 =	sadd.s32 $0x800, s8;
	[sflag:s11] =	ssyncset.done $0x0  }
.LBB2_2:
0x21: {  	s17 =	sadd.s32 s15, s9  }
0x22: {  	[sflag:s11] =	ssyncadd.s32 $0xFFFFC000;
	s15 =	smov.u32 s16;
	s18 =	sadd.s32 $0x10, s16  }
0x23: {  	[tilespmem:s3], [sflag:$0x1] =	stream.linear.gather [hbm4b:s17+s3], $0x80, $0x38;
	[tilespmem:$0x17C80] =	vst v63  }
0x24: {  	p0 =	sne.s32 s16, $0x270;
	_ =	swait.ge [sflag:s11], $0x80  }
0x25: {  	[sflag:s11] =	ssyncset.done $0x0  }
0x26: {  	[sflag:s11] =	ssyncadd.s32 $0xFFFFFF80  }
0x27: {  	[tilespmem:s12], [sflag:$0x1] =	stream.linear.gather [hbm4b:s14+s3], $0x4000, $0x38;
	[tilespmem:$0x17C80] =	vst v63  }
0x28: {  	_ =	swait.ge [sflag:s11], $0x4000  }
.Ltmp0:
0x29: {  	[sflag:s11] =	ssyncset.done $0x0;
	(pc) =	sbr.rel @p0 .LBB2_2-.Ltmp0, $4  }
0x2a: {  	[sflag:s11] =	ssyncadd.s32 $0xFFFFC000  }
0x2b: {  	[spmem:s2] =	stream.indirect.scatter.add.f32 [tilespmem:s12], [sflag:$0x1], $0x80, s3, s12, $0xb8;
	[tilespmem:$0x17C80] =	vst v63  }
0x2c: {  	_ =	swait.ge [sflag:s11], $0x4000  }
0x2d: {  	s16 =	smov.u32 s18;
	s14 =	sadd.s32 $0x800, s14;
	[sflag:s11] =	ssyncset.done $0x0  }
0x2e: {  	s15 =	sadd.s32 s15, s9;
	[sflag:s11] =	ssyncadd.s32 $0xFFFFC000  }
0x2f: {  	[tilespmem:s3], [sflag:$0x1] =	stream.linear.gather [hbm4b:s15+s3], $0x80, $0x38;
	[tilespmem:$0x17C80] =	vst v63  }
0x30: {  	_ =	swait.ge [sflag:s11], $0x80  }
0x31: {  	[sflag:s11] =	ssyncset.done $0x0  }
0x32: {  	[sflag:s11] =	ssyncadd.s32 $0xFFFFFF80  }
0x33: {  	[tilespmem:s12], [sflag:$0x1] =	stream.linear.gather [hbm4b:s14+s3], $0x4000, $0x38;
	[tilespmem:$0x17C80] =	vst v63  }
0x34: {  	_ =	swait.ge [sflag:s11], $0x4000  }
0x35: {  	[sflag:s11] =	ssyncset.done $0x0  }
0x36: {  	[sflag:s11] =	ssyncadd.s32 $0xFFFFC000  }
0x37: {  	[spmem:s2] =	stream.indirect.scatter.add.f32 [tilespmem:s12], [sflag:$0x1], $0x80, s3, s12, $0xb8;
	[tilespmem:$0x17C80] =	vst v63  }
0x38: {  	_ =	swait.ge [sflag:s11], $0x4000  }
0x39: {  	s13 =	sadd.s32 $0x1, s13;
	[sflag:s11] =	ssyncset.done $0x0  }
0x3a: {  	p0 =	sne.s32 s13, s7;
	[sflag:s11] =	ssyncadd.s32 $0xFFFFC000  }
.Ltmp1:
0x3b: {  	[bflag:$0x0] =	sbarrier.arrive $0xFFFF;
	(pc) =	sbr.rel @p0 .LBB2_1-.Ltmp1, $4  }
0x3c: {  	[hbm:s6], [sflag:s5] =	dma.local [spmem:s10], $0x2780  }
0x3d: {  	_ =	swait.ge [sflag:s11], $0x2780  }
0x3e: {  	[sflag:s11] =	ssyncset.done $0x0  }
0x3f: {  	[sflag:s11] =	ssyncadd.s32 $0xFFFFD880  }
0x40: {  	_ =	sfence.sel $0x180000  }
0x41: {  	[bflag:$0x0] =	sbarrier.arrive $0xFFFF  }
0x42: {  	p0 =	sne.s32 s0, $0x0;
	_ =	strace $0x9000004D  }
0x43: {  	s0 =	sadd.s32 @!p0 $0x100000, s1;
	[bflag:$0x2] =	sbarrier.arrive $0xFFFF  }
0x44: {  	[sflag:s0] =	ssyncadd.tile.s32 @!p0 $0x1;
	_ =	shalt  }
.Lfunc_end2:
_tile_overlayer_lowered:
.L_overlay_start_2:
0x45: {  	(tag) =	ssettag $0x2  }
0x46: {  	s0 =	rddreg [dreg:$0x0];
	s2 =	stileid.u32  }
0x47: {  	s1 =	rddreg [dreg:$0x1];
	p0 =	sne.s32 s2, $0x0  }
0x48: {  	s3 =	rddreg [dreg:$0x2];
	[bflag:$0x3] =	sbarrier.arrive $0xFFFF;
	s2 =	simm.s32 @!p0 $0x1C01  }
0x49: {  	[timem:s3], [sflag:s2] =	dma.local @!p0 [hbm:s0], s1  }
0x4a: {  	s0 =	simm.s32 @!p0 $0x1  }
0x4b: {  	_ =	swait.ge @!p0 [sflag:s0], s1  }
0x4c: {  	s1 =	ssub.s32 @!p0 $0x0, s1;
	[sflag:s0] =	ssyncset.done @!p0 $0x0  }
0x4d: {  	[sflag:s0] =	ssyncadd.s32 @!p0 s1  }
0x4e: {  	[bflag:$0x3] =	sbarrier.arrive $0xFFFF  }
0x4f: {  	_ =	shalt  }

// kernel: kernel.27.cloned.1.call-start
scs
__scs_entry_jumppad:
0x0: {  	(pc) =	sbr.rel $0x88, $3  }
0x1: {  	(tag) =	ssettag $0x0;
	lr =	simm.s32 $0x1  }
0x2: {  	[smem:$0x3F89] =	sst lr;
	_ =	strace $0xD0000000  }
0x3: {  	_ = 	snop  }
0x4: {  	_ = 	snop  }
0x5: {  	_ = 	snop  }
0x6: {  	_ = 	snop  }
0x7: {  	_ = 	snop  }
__scs_overlays_trampoline_lowered:
0x8: {  	[smem:$0x3F98] =	sst s0  }
0x9: {  	[smem:$0x3F99] =	sst s1  }
0xa: {  	[smem:$0x3F9A] =	sst s2  }
0xb: {  	[smem:$0x3F9B] =	sst s3  }
0xc: {  	[smem:$0x3F9C] =	sst s4  }
0xd: {  	[smem:$0x3F9D] =	sst s5  }
0xe: {  	[smem:$0x3F9E] =	sst s6  }
0xf: {  	[smem:$0x3F9F] =	sst s7  }
0x10: {  	[smem:$0x3FA0] =	sst s8  }
0x11: {  	[smem:$0x3FA1] =	sst s9;
	s0 =	simm.s32 @!p0 $0x0  }
0x12: {  	s1 =	sld [smem:$0x3F87];
	s0 =	simm.s32 @p0 $0x1  }
0x13: {  	[smem:$0x3FA2] =	sst s0;
	s0 =	simm.s32 @!p1 $0x0  }
0x14: {  	s2 =	sld [smem:$0x3F86];
	s0 =	simm.s32 @p1 $0x1  }
0x15: {  	[smem:$0x3FA3] =	sst s0;
	s0 =	simm.s32 @!p2 $0x0  }
0x16: {  	s3 =	sld [smem:$0x3FDB];
	s0 =	simm.s32 @p2 $0x1  }
0x17: {  	s4 =	simm.s32 $0x1BF5;
	[smem:$0x3FA5] =	sst s0  }
0x18: {  	s0 =	sld [smem:$0x3F88];
	_ =	swait.ge [sflag:s4], $0x0  }
0x19: {  	s7 =	sld [smem:$0x3F89]  }
0x1a: {  	s8 =	sadd.s32 $0xFFFFE003, lr  }
0x1b: {  	s9 =	sadd.s32 $0xFFFFFEF7, lr;
	s5 =	simm.s32 $0xFFFFFFFF;
	p2 =	slt.u32 s8, $0xFFFFF086  }
0x1c: {  	p1 =	slt.u32 s9, $0xF7A;
	s5 =	simm.s32 @!p2 $0x0  }
0x1d: {  	s5 =	simm.s32 @p1 $0x1;
	p0 =	seq.s32 s7, s2  }
0x1e: {  	s7 =	smul.u32 @!p0 $0xF7A, s2;
	p2 =	seq.s32 @!p0 s5, $0x0  }
0x1f: {  	s9 =	smul.u32 $0xF7A, s1;
	s8 =	simm.s32 @!p0 $0x1BF5;
	p2 =	por !p2, p0  }
0x20: {  	[sflag:s8] =	ssyncset.s32 @!p0 $0xFFFFF086;
	s6 =	sadd.s32 @!p0 s3, s7;
	s7 =	simm.s32 @!p0 $0x108  }
0x21: {  	s3 =	sadd.s32 s3, s9;
	s6 =	sadd.s32 @!p0 $0x88, s6;
	s7 =	simm.s32 @p2 $0x1082  }
0x22: {  	[simem:s7], [sflag:s8] =	dma.local @!p0 [hbm:s6], $0xF7A  }
0x23: {  	s9 =	sor.u32 $0xD0000000, s2;
	s6 =	simm.s32 $0x108;
	_ =	swait.ge @!p0 [sflag:s8], $0x0  }
0x24: {  	s3 =	sadd.s32 $0x88, s3;
	s6 =	simm.s32 @!p1 $0x1082;
	[sflag:s4] =	ssyncset.s32 $0xFFFFF086  }
0x25: {  	[simem:s6], [sflag:s4] =	dma.local [hbm:s3], $0xF7A  }
0x26: {  	[smem:$0x3F89] =	sst s1;
	(tag) =	ssettag s2;
	_ =	strace s9  }
0x27: {  	s1 =	sld [smem:$0x3F99]  }
0x28: {  	s2 =	sld [smem:$0x3F9A]  }
0x29: {  	s4 =	sld [smem:$0x3F9C]  }
0x2a: {  	p0 =	seq.s32 s5, $0x0;
	s5 =	sld [smem:$0x3F9D]  }
0x2b: {  	s6 =	sld [smem:$0x3F9E]  }
0x2c: {  	s7 =	sld [smem:$0x3F9F]  }
0x2d: {  	s3 =	simm.s32 $0x108;
	s8 =	sld [smem:$0x3FA0]  }
0x2e: {  	s3 =	simm.s32 @!p0 $0x1082;
	s9 =	sld [smem:$0x3FA1]  }
0x2f: {  	lr =	sadd.s32 s0, s3;
	s0 =	sld [smem:$0x3F98]  }
0x30: {  	s3 =	sld [smem:$0x3F9B]  }
0x31: {  	[smem:$0x3FA4] =	sst s10  }
0x32: {  	s10 =	sld [smem:$0x3FA2];
	_ =	sdelay $0x3  }
0x33: {  	p0 =	seq.s32 s10, $0x1;
	s10 =	sld [smem:$0x3FA4];
	_ =	sdelay $0x3  }
0x34: {  	[smem:$0x3FA4] =	sst s10  }
0x35: {  	s10 =	sld [smem:$0x3FA3];
	_ =	sdelay $0x3  }
0x36: {  	p1 =	seq.s32 s10, $0x1;
	s10 =	sld [smem:$0x3FA4];
	_ =	sdelay $0x3  }
0x37: {  	[smem:$0x3FA4] =	sst s10  }
0x38: {  	s10 =	sld [smem:$0x3FA5]  }
0x39: {  	_ = 	snop;
	(pc) =	sbr.ind lr, $3  }
0x3a: {  	_ = 	snop  }
0x3b: {  	_ = 	snop  }
0x3c: {  	p2 =	seq.s32 s10, $0x1;
	s10 =	sld [smem:$0x3FA4]  }
0x3d: {  	_ =	shalt  }
0x3e: {  	_ =	shalt  }
0x3f: {  	_ =	shalt  }
0x40: {  	_ =	shalt  }
0x41: {  	_ =	shalt  }
0x42: {  	_ =	shalt  }
0x43: {  	_ =	shalt  }
0x44: {  	_ =	shalt  }
0x45: {  	_ =	shalt  }
0x46: {  	_ =	shalt  }
0x47: {  	_ =	shalt  }
0x48: {  	_ =	shalt  }
0x49: {  	_ =	shalt  }
0x4a: {  	_ =	shalt  }
0x4b: {  	_ =	shalt  }
0x4c: {  	_ =	shalt  }
0x4d: {  	_ =	shalt  }
0x4e: {  	_ =	shalt  }
0x4f: {  	_ =	shalt  }
0x50: {  	_ =	shalt  }
0x51: {  	_ =	shalt  }
0x52: {  	_ =	shalt  }
0x53: {  	_ =	shalt  }
0x54: {  	_ =	shalt  }
0x55: {  	_ =	shalt  }
0x56: {  	_ =	shalt  }
0x57: {  	_ =	shalt  }
0x58: {  	_ =	shalt  }
0x59: {  	_ =	shalt  }
0x5a: {  	_ =	shalt  }
0x5b: {  	_ =	shalt  }
0x5c: {  	_ =	shalt  }
0x5d: {  	_ =	shalt  }
0x5e: {  	_ =	shalt  }
0x5f: {  	_ =	shalt  }
0x60: {  	_ =	shalt  }
0x61: {  	_ =	shalt  }
0x62: {  	_ =	shalt  }
0x63: {  	_ =	shalt  }
0x64: {  	_ =	shalt  }
0x65: {  	_ =	shalt  }
0x66: {  	_ =	shalt  }
0x67: {  	_ =	shalt  }
0x68: {  	_ =	shalt  }
0x69: {  	_ =	shalt  }
0x6a: {  	_ =	shalt  }
0x6b: {  	_ =	shalt  }
0x6c: {  	_ =	shalt  }
0x6d: {  	_ =	shalt  }
0x6e: {  	_ =	shalt  }
0x6f: {  	_ =	shalt  }
0x70: {  	_ =	shalt  }
0x71: {  	_ =	shalt  }
0x72: {  	_ =	shalt  }
0x73: {  	_ =	shalt  }
0x74: {  	_ =	shalt  }
0x75: {  	_ =	shalt  }
0x76: {  	_ =	shalt  }
0x77: {  	_ =	shalt  }
0x78: {  	_ =	shalt  }
0x79: {  	_ =	shalt  }
0x7a: {  	_ =	shalt  }
0x7b: {  	_ =	shalt  }
0x7c: {  	_ =	shalt  }
0x7d: {  	_ =	shalt  }
0x7e: {  	_ =	shalt  }
0x7f: {  	_ =	shalt  }
0x80: {  	_ =	shalt  }
0x81: {  	_ =	shalt  }
0x82: {  	_ =	shalt  }
0x83: {  	_ =	shalt  }
0x84: {  	_ =	shalt  }
0x85: {  	_ =	shalt  }
0x86: {  	_ =	shalt  }
0x87: {  	_ =	shalt  }
.Lfunc_end0:
.L_simem_size_0:
called_computation.2_lowered:
.L_overlay_start_0:
0x88: {  	s2 =	sld [smem:$0x3FD9]  }
0x89: {  	s3 =	sld [smem:$0x3FFE];
	_ =	sdelay $0x1  }
0x8a: {  	s1 =	srdreg.scid  }
0x8b: {  	s0 =	sand.u32 $0x1, s1  }
0x8c: {  	s16 =	sshll.u32 s0, $0xA;
	s2 =	sadd.s32 s3, s2  }
0x8d: {  	s2 =	sadd.s32 s2, s16  }
0x8e: {  	[smem:$0x3FB0] =	sst s2  }
0x8f: {  	_ = 	snop  }
0x90: {  	(tm) =	ssettm $0x1  }
0x91: {  	s17 =	sld [smem:$0x3FFB];
	_ =	sdelay $0x3  }
0x92: {  	_ =	strace s17  }
0x93: {  	s2 =	sld [smem:$0x3FFC];
	_ =	sdelay $0x3  }
0x94: {  	_ =	strace s2  }
0x95: {  	s2 =	sld [smem:$0x3FFD];
	_ =	sdelay $0x3  }
0x96: {  	_ =	strace s2  }
0x97: {  	_ =	strace $0x8FFFFFFF  }
0x98: {  	s18 =	sld [smem:$0x3FDB];
	_ =	sdelay $0x1  }
0x99: {  	s19 =	simm.s32 $_scs_section_size  }
0x9a: {  	s4 =	simm.s32 $_size__tile_overlayer_lowered;
	s5 =	simm.s32 $_tile_overlayer_lowered  }
0x9b: {  	s22 =	simm.s32 $0x1BFF;
	s21 =	sshll.u32 s5, $0x1;
	s2 =	sadd.s32 s19, s18  }
0x9c: {  	s6 =	simm.s32 $0x0;
	s20 =	sshll.u32 s4, $0x1;
	s4 =	sadd.s32 s21, s2  }
0x9d: {  	[timem:s6], [sflag:s22] =	dma.local [hbm:s4], s20  }
0x9e: {  	_ =	swait.ge [sflag:s22], s20  }
0x9f: {  	s3 =	ssub.s32 $0x0, s20;
	[sflag:s22] =	ssyncset.done $0x0  }
0xa0: {  	[sflag:s22] =	ssyncadd.s32 s3;
	_ =	sdelay $0x1  }
0xa1: {  	s23 =	simm.s32 $0x1B8B  }
0xa2: {  	_ =	swait.ge [sflag:s23], $0x1  }
0xa3: {  	[sflag:s23] =	ssyncset.done $0x0  }
0xa4: {  	s25 =	simm.s32 $0x1B8E;
	s24 =	sld [smem:$0x3FFE];
	[sflag:s23] =	ssyncadd.s32 $0xFFFFFFFF  }
0xa5: {  	s26 =	simm.s32 $execute0_lowered;
	[smem:$0x3FD2] =	sst s25  }
0xa6: {  	s4 =	sshll.u32 s26, $0x1;
	_ =	strace $0x80000049;
	[dreg:$0x1] =	wrdreg $0xFFFFFFFF  }
0xa7: {  	s28 =	simm.s32 $_size_execute0_lowered;
	s2 =	sadd.s32 s2, s4;
	[dreg:$0x0] =	wrdreg $0x0  }
0xa8: {  	s4 =	sshll.u32 s28, $0x1;
	[dreg:$0x2] =	wrdreg s2  }
0xa9: {  	[dreg:$0x3] =	wrdreg s4  }
0xaa: {  	[dreg:$0x4] =	wrdreg $0xC0  }
0xab: {  	_ =	task [dreg:s6], $0x5FFFF  }
0xac: {  	[dreg:$0x1] =	wrdreg $0xFFFFFFFF  }
0xad: {  	[dreg:$0x0] =	wrdreg $0x60  }
0xae: {  	[dreg:$0x2] =	wrdreg s24  }
0xaf: {  	[dreg:$0x3] =	wrdreg $0x40800  }
0xb0: {  	[dreg:$0x4] =	wrdreg $0xA  }
0xb1: {  	_ =	task.clear_ibuf [dreg:s6], $0x5FFFF;
	_ =	strace $0x90000049  }
0xb2: {  	s29 =	simm.s32 $0xA;
	_ =	strace $0x8000004B  }
0xb3: {  	_ =	swait.ge [sflag:s29], $0x1  }
0xb4: {  	[sflag:s29] =	ssyncadd.s32 $0xFFFFFFFF  }
0xb5: {  	_ =	strace $0x9000004B  }
0xb6: {  	_ =	sfence  }
0xb7: {  	s30 =	sld [smem:$0x0];
	_ =	sdelay $0x2  }
0xb8: {  	s31 =	sshll.u32 s1, $0xD;
	s1 =	sshrl.u32 s1, $0x2  }
0xb9: {  	s3 =	sand.u32 $0x4000, s31;
	s1 =	sadd.s32 s1, s30  }
0xba: {  	s0 =	sor.u32 s3, s0;
	s1 =	sshll.u32 s1, $0x11  }
0xbb: {  	s0 =	sor.u32 s1, s0  }
0xbc: {  	s0 =	sadd.s32 $0x8F2B, s0  }
0xbd: {  	[sflag:s0] =	ssyncadd.remote.s32 $0x1  }
0xbe: {  	_ =	sfence.sel $0xFFFF  }
0xbf: {  	[dreg:$0x0] =	wrdreg $0xFFFFFFFF;
	(pc) =	sbr.abs _section_cstart, $3  }
0xc0: {  	[dreg:$0x1] =	wrdreg $0xFFFFFFFF  }
0xc1: {  	_ =	task.clear_ibuf [dreg:s6], $0x2FFFF;
	_ =	strace $0x9FFFFFFF  }
0xc2: {  	(tm) =	ssettm $0x7FFFFFFF  }
0xc3: {  	_ =	shalt  }
tec
execute0_lowered:
.L_overlay_start_1:
0x0: {  	(tag) =	ssettag $0x1  }
0x1: {  	s0 =	stileid.u32  }
0x2: {  	s6 =	smul.u32 $0x2800, s0  }
0x3: {  	s1 =	srdreg.scid;
	s8 =	smul.u32 $0x13C00, s0  }
0x4: {  	s4 =	rddreg [dreg:$0x0];
	s23 =	smul.u32 $0x28000, s0  }
0x5: {  	s2 =	rddreg [dreg:$0x1];
	s5 =	sand.u32 $0x1, s1;
	s12 =	smul.u32 $0x4F000, s0  }
0x6: {  	s3 =	simm.s32 $0x0;
	s1 =	rddreg [dreg:$0x2];
	s7 =	smul.u32 $0x1400, s5  }
0x7: {  	[smem:$0x7FF] =	sst s3;
	s29 =	sshll.u32 s0, $0x6;
	s9 =	smul.u32 $0x13C000, s5  }
0x8: {  	_ =	strace $0x8000004A;
	s24 =	ssub.s32 $0x2, s5;
	s30 =	smul.u32 $0x14000, s5  }
0x9: {  	s5 =	sor.u32 $0x1C01, s29;
	s22 =	sshrl.u32 s8, $0x3;
	s11 =	sshrl.u32 s24, $0x1  }
0xa: {  	s13 =	sadd.s32 s23, s4;
	s28 =	sshrl.u32 s12, $0x2;
	s6 =	sadd.s32 s7, s6  }
0xb: {  	s7 =	sadd.s32 s22, s4;
	s8 =	sadd.s32 s8, s9;
	s26 =	ssub.s32 s24, s11  }
0xc: {  	s12 =	sadd.s32 s28, s2;
	s31 =	sadd.s32 s30, s13;
	s11 =	simm.s32 $0x1  }
0xd: {  	s13 =	simm.s32 $0x0;
	s6 =	sshrl.u32 s6, $0x3;
	s8 =	sshrl.u32 s8, $0x3  }
0xe: {  	s10 =	sadd.s32 s6, s4;
	s25 =	sadd.s32 s8, s4;
	s4 =	sadd.s32 $0x18200, s7  }
0xf: {  	s7 =	smax.u32 s26, $0x1;
	s8 =	sadd.s32 $0xA3FA00, s31;
	s6 =	sadd.s32 $0x3FA00, s25  }
0x10: {  	s9 =	sadd.s32 $0x9200, s10;
	s10 =	sshrl.u32 s12, $0x3;
	s12 =	simm.s32 $0x80  }
.LBB2_1:
0x11: {  	[spmem:s10], [sflag:s5] =	dma.local [hbm:s4], $0x2780  }
0x12: {  	_ =	swait.ge [sflag:s11], $0x2780  }
0x13: {  	[sflag:s11] =	ssyncset.done $0x0  }
0x14: {  	[sflag:s11] =	ssyncadd.s32 $0xFFFFD880  }
0x15: {  	s14 =	sadd.s32 $0x0, s9;
	[bflag:$0x0] =	sbarrier.arrive $0xFFFF  }
0x16: {  	[tilespmem:s3], [sflag:$0x1] =	stream.linear.gather [hbm4b:s14+s3], $0x80, $0x38;
	[tilespmem:$0x17C80] =	vst v63  }
0x17: {  	_ =	swait.ge [sflag:s11], $0x80  }
0x18: {  	[sflag:s11] =	ssyncset.done $0x0  }
0x19: {  	[sflag:s11] =	ssyncadd.s32 $0xFFFFFF80  }
0x1a: {  	[tilespmem:s12], [sflag:$0x1] =	stream.linear.gather [hbm4b:s8+s3], $0x4000, $0x38;
	[tilespmem:$0x17C80] =	vst v63  }
0x1b: {  	_ =	swait.ge [sflag:s11], $0x4000  }
0x1c: {  	[sflag:s11] =	ssyncset.done $0x0  }
0x1d: {  	[sflag:s11] =	ssyncadd.s32 $0xFFFFC000  }
0x1e: {  	[spmem:s2] =	stream.indirect.scatter.add.f32 [tilespmem:s12], [sflag:$0x1], $0x80, s3, s12, $0xb8;
	[tilespmem:$0x17C80] =	vst v63  }
0x1f: {  	s15 =	simm.s32 $0x10;
	_ =	swait.ge [sflag:s11], $0x4000  }
0x20: {  	s16 =	simm.s32 $0x20;
	s14 =	sadd.s32 $0x800, s8;
	[sflag:s11] =	ssyncset.done $0x0  }
.LBB2_2:
0x21: {  	s17 =	sadd.s32 s15, s9  }
0x22: {  	[sflag:s11] =	ssyncadd.s32 $0xFFFFC000;
	s15 =	smov.u32 s16;
	s18 =	sadd.s32 $0x10, s16  }
0x23: {  	[tilespmem:s3], [sflag:$0x1] =	stream.linear.gather [hbm4b:s17+s3], $0x80, $0x38;
	[tilespmem:$0x17C80] =	vst v63  }
0x24: {  	p0 =	sne.s32 s16, $0x270;
	_ =	swait.ge [sflag:s11], $0x80  }
0x25: {  	[sflag:s11] =	ssyncset.done $0x0  }
0x26: {  	[sflag:s11] =	ssyncadd.s32 $0xFFFFFF80  }
0x27: {  	[tilespmem:s12], [sflag:$0x1] =	stream.linear.gather [hbm4b:s14+s3], $0x4000, $0x38;
	[tilespmem:$0x17C80] =	vst v63  }
0x28: {  	_ =	swait.ge [sflag:s11], $0x4000  }
.Ltmp0:
0x29: {  	[sflag:s11] =	ssyncset.done $0x0;
	(pc) =	sbr.rel @p0 .LBB2_2-.Ltmp0, $4  }
0x2a: {  	[sflag:s11] =	ssyncadd.s32 $0xFFFFC000  }
0x2b: {  	[spmem:s2] =	stream.indirect.scatter.add.f32 [tilespmem:s12], [sflag:$0x1], $0x80, s3, s12, $0xb8;
	[tilespmem:$0x17C80] =	vst v63  }
0x2c: {  	_ =	swait.ge [sflag:s11], $0x4000  }
0x2d: {  	s16 =	smov.u32 s18;
	s14 =	sadd.s32 $0x800, s14;
	[sflag:s11] =	ssyncset.done $0x0  }
0x2e: {  	s15 =	sadd.s32 s15, s9;
	[sflag:s11] =	ssyncadd.s32 $0xFFFFC000  }
0x2f: {  	[tilespmem:s3], [sflag:$0x1] =	stream.linear.gather [hbm4b:s15+s3], $0x80, $0x38;
	[tilespmem:$0x17C80] =	vst v63  }
0x30: {  	_ =	swait.ge [sflag:s11], $0x80  }
0x31: {  	[sflag:s11] =	ssyncset.done $0x0  }
0x32: {  	[sflag:s11] =	ssyncadd.s32 $0xFFFFFF80  }
0x33: {  	[tilespmem:s12], [sflag:$0x1] =	stream.linear.gather [hbm4b:s14+s3], $0x4000, $0x38;
	[tilespmem:$0x17C80] =	vst v63  }
0x34: {  	_ =	swait.ge [sflag:s11], $0x4000  }
0x35: {  	[sflag:s11] =	ssyncset.done $0x0  }
0x36: {  	[sflag:s11] =	ssyncadd.s32 $0xFFFFC000  }
0x37: {  	[spmem:s2] =	stream.indirect.scatter.add.f32 [tilespmem:s12], [sflag:$0x1], $0x80, s3, s12, $0xb8;
	[tilespmem:$0x17C80] =	vst v63  }
0x38: {  	_ =	swait.ge [sflag:s11], $0x4000  }
0x39: {  	s13 =	sadd.s32 $0x1, s13;
	[sflag:s11] =	ssyncset.done $0x0  }
0x3a: {  	p0 =	sne.s32 s13, s7;
	[sflag:s11] =	ssyncadd.s32 $0xFFFFC000  }
.Ltmp1:
0x3b: {  	[bflag:$0x0] =	sbarrier.arrive $0xFFFF;
	(pc) =	sbr.rel @p0 .LBB2_1-.Ltmp1, $4  }
0x3c: {  	[hbm:s6], [sflag:s5] =	dma.local [spmem:s10], $0x2780  }
0x3d: {  	_ =	swait.ge [sflag:s11], $0x2780  }
0x3e: {  	[sflag:s11] =	ssyncset.done $0x0  }
0x3f: {  	[sflag:s11] =	ssyncadd.s32 $0xFFFFD880  }
0x40: {  	_ =	sfence.sel $0x180000  }
0x41: {  	[bflag:$0x0] =	sbarrier.arrive $0xFFFF  }
0x42: {  	p0 =	sne.s32 s0, $0x0;
	_ =	strace $0x9000004A  }
0x43: {  	s0 =	sadd.s32 @!p0 $0x100000, s1;
	[bflag:$0x2] =	sbarrier.arrive $0xFFFF  }
0x44: {  	[sflag:s0] =	ssyncadd.tile.s32 @!p0 $0x1;
	_ =	shalt  }
.Lfunc_end2:
_tile_overlayer_lowered:
.L_overlay_start_2:
0x45: {  	(tag) =	ssettag $0x2  }
0x46: {  	s0 =	rddreg [dreg:$0x0];
	s2 =	stileid.u32  }
0x47: {  	s1 =	rddreg [dreg:$0x1];
	p0 =	sne.s32 s2, $0x0  }
0x48: {  	s3 =	rddreg [dreg:$0x2];
	[bflag:$0x3] =	sbarrier.arrive $0xFFFF;
	s2 =	simm.s32 @!p0 $0x1C01  }
0x49: {  	[timem:s3], [sflag:s2] =	dma.local @!p0 [hbm:s0], s1  }
0x4a: {  	s0 =	simm.s32 @!p0 $0x1  }
0x4b: {  	_ =	swait.ge @!p0 [sflag:s0], s1  }
0x4c: {  	s1 =	ssub.s32 @!p0 $0x0, s1;
	[sflag:s0] =	ssyncset.done @!p0 $0x0  }
0x4d: {  	[sflag:s0] =	ssyncadd.s32 @!p0 s1  }
0x4e: {  	[bflag:$0x3] =	sbarrier.arrive $0xFFFF  }
0x4f: {  	_ =	shalt  }

// kernel: kernel.30.cloned.1.call-start
scs
__scs_entry_jumppad:
0x0: {  	(pc) =	sbr.rel $0x88, $3  }
0x1: {  	(tag) =	ssettag $0x0;
	lr =	simm.s32 $0x1  }
0x2: {  	[smem:$0x3F89] =	sst lr;
	_ =	strace $0xD0000000  }
0x3: {  	_ = 	snop  }
0x4: {  	_ = 	snop  }
0x5: {  	_ = 	snop  }
0x6: {  	_ = 	snop  }
0x7: {  	_ = 	snop  }
__scs_overlays_trampoline_lowered:
0x8: {  	[smem:$0x3F98] =	sst s0  }
0x9: {  	[smem:$0x3F99] =	sst s1  }
0xa: {  	[smem:$0x3F9A] =	sst s2  }
0xb: {  	[smem:$0x3F9B] =	sst s3  }
0xc: {  	[smem:$0x3F9C] =	sst s4  }
0xd: {  	[smem:$0x3F9D] =	sst s5  }
0xe: {  	[smem:$0x3F9E] =	sst s6  }
0xf: {  	[smem:$0x3F9F] =	sst s7  }
0x10: {  	[smem:$0x3FA0] =	sst s8  }
0x11: {  	[smem:$0x3FA1] =	sst s9;
	s0 =	simm.s32 @!p0 $0x0  }
0x12: {  	s1 =	sld [smem:$0x3F87];
	s0 =	simm.s32 @p0 $0x1  }
0x13: {  	[smem:$0x3FA2] =	sst s0;
	s0 =	simm.s32 @!p1 $0x0  }
0x14: {  	s2 =	sld [smem:$0x3F86];
	s0 =	simm.s32 @p1 $0x1  }
0x15: {  	[smem:$0x3FA3] =	sst s0;
	s0 =	simm.s32 @!p2 $0x0  }
0x16: {  	s3 =	sld [smem:$0x3FDB];
	s0 =	simm.s32 @p2 $0x1  }
0x17: {  	s4 =	simm.s32 $0x1BF5;
	[smem:$0x3FA5] =	sst s0  }
0x18: {  	s0 =	sld [smem:$0x3F88];
	_ =	swait.ge [sflag:s4], $0x0  }
0x19: {  	s7 =	sld [smem:$0x3F89]  }
0x1a: {  	s8 =	sadd.s32 $0xFFFFE003, lr  }
0x1b: {  	s9 =	sadd.s32 $0xFFFFFEF7, lr;
	s5 =	simm.s32 $0xFFFFFFFF;
	p2 =	slt.u32 s8, $0xFFFFF086  }
0x1c: {  	p1 =	slt.u32 s9, $0xF7A;
	s5 =	simm.s32 @!p2 $0x0  }
0x1d: {  	s5 =	simm.s32 @p1 $0x1;
	p0 =	seq.s32 s7, s2  }
0x1e: {  	s7 =	smul.u32 @!p0 $0xF7A, s2;
	p2 =	seq.s32 @!p0 s5, $0x0  }
0x1f: {  	s9 =	smul.u32 $0xF7A, s1;
	s8 =	simm.s32 @!p0 $0x1BF5;
	p2 =	por !p2, p0  }
0x20: {  	[sflag:s8] =	ssyncset.s32 @!p0 $0xFFFFF086;
	s6 =	sadd.s32 @!p0 s3, s7;
	s7 =	simm.s32 @!p0 $0x108  }
0x21: {  	s3 =	sadd.s32 s3, s9;
	s6 =	sadd.s32 @!p0 $0x88, s6;
	s7 =	simm.s32 @p2 $0x1082  }
0x22: {  	[simem:s7], [sflag:s8] =	dma.local @!p0 [hbm:s6], $0xF7A  }
0x23: {  	s9 =	sor.u32 $0xD0000000, s2;
	s6 =	simm.s32 $0x108;
	_ =	swait.ge @!p0 [sflag:s8], $0x0  }
0x24: {  	s3 =	sadd.s32 $0x88, s3;
	s6 =	simm.s32 @!p1 $0x1082;
	[sflag:s4] =	ssyncset.s32 $0xFFFFF086  }
0x25: {  	[simem:s6], [sflag:s4] =	dma.local [hbm:s3], $0xF7A  }
0x26: {  	[smem:$0x3F89] =	sst s1;
	(tag) =	ssettag s2;
	_ =	strace s9  }
0x27: {  	s1 =	sld [smem:$0x3F99]  }
0x28: {  	s2 =	sld [smem:$0x3F9A]  }
0x29: {  	s4 =	sld [smem:$0x3F9C]  }
0x2a: {  	p0 =	seq.s32 s5, $0x0;
	s5 =	sld [smem:$0x3F9D]  }
0x2b: {  	s6 =	sld [smem:$0x3F9E]  }
0x2c: {  	s7 =	sld [smem:$0x3F9F]  }
0x2d: {  	s3 =	simm.s32 $0x108;
	s8 =	sld [smem:$0x3FA0]  }
0x2e: {  	s3 =	simm.s32 @!p0 $0x1082;
	s9 =	sld [smem:$0x3FA1]  }
0x2f: {  	lr =	sadd.s32 s0, s3;
	s0 =	sld [smem:$0x3F98]  }
0x30: {  	s3 =	sld [smem:$0x3F9B]  }
0x31: {  	[smem:$0x3FA4] =	sst s10  }
0x32: {  	s10 =	sld [smem:$0x3FA2];
	_ =	sdelay $0x3  }
0x33: {  	p0 =	seq.s32 s10, $0x1;
	s10 =	sld [smem:$0x3FA4];
	_ =	sdelay $0x3  }
0x34: {  	[smem:$0x3FA4] =	sst s10  }
0x35: {  	s10 =	sld [smem:$0x3FA3];
	_ =	sdelay $0x3  }
0x36: {  	p1 =	seq.s32 s10, $0x1;
	s10 =	sld [smem:$0x3FA4];
	_ =	sdelay $0x3  }
0x37: {  	[smem:$0x3FA4] =	sst s10  }
0x38: {  	s10 =	sld [smem:$0x3FA5]  }
0x39: {  	_ = 	snop;
	(pc) =	sbr.ind lr, $3  }
0x3a: {  	_ = 	snop  }
0x3b: {  	_ = 	snop  }
0x3c: {  	p2 =	seq.s32 s10, $0x1;
	s10 =	sld [smem:$0x3FA4]  }
0x3d: {  	_ =	shalt  }
0x3e: {  	_ =	shalt  }
0x3f: {  	_ =	shalt  }
0x40: {  	_ =	shalt  }
0x41: {  	_ =	shalt  }
0x42: {  	_ =	shalt  }
0x43: {  	_ =	shalt  }
0x44: {  	_ =	shalt  }
0x45: {  	_ =	shalt  }
0x46: {  	_ =	shalt  }
0x47: {  	_ =	shalt  }
0x48: {  	_ =	shalt  }
0x49: {  	_ =	shalt  }
0x4a: {  	_ =	shalt  }
0x4b: {  	_ =	shalt  }
0x4c: {  	_ =	shalt  }
0x4d: {  	_ =	shalt  }
0x4e: {  	_ =	shalt  }
0x4f: {  	_ =	shalt  }
0x50: {  	_ =	shalt  }
0x51: {  	_ =	shalt  }
0x52: {  	_ =	shalt  }
0x53: {  	_ =	shalt  }
0x54: {  	_ =	shalt  }
0x55: {  	_ =	shalt  }
0x56: {  	_ =	shalt  }
0x57: {  	_ =	shalt  }
0x58: {  	_ =	shalt  }
0x59: {  	_ =	shalt  }
0x5a: {  	_ =	shalt  }
0x5b: {  	_ =	shalt  }
0x5c: {  	_ =	shalt  }
0x5d: {  	_ =	shalt  }
0x5e: {  	_ =	shalt  }
0x5f: {  	_ =	shalt  }
0x60: {  	_ =	shalt  }
0x61: {  	_ =	shalt  }
0x62: {  	_ =	shalt  }
0x63: {  	_ =	shalt  }
0x64: {  	_ =	shalt  }
0x65: {  	_ =	shalt  }
0x66: {  	_ =	shalt  }
0x67: {  	_ =	shalt  }
0x68: {  	_ =	shalt  }
0x69: {  	_ =	shalt  }
0x6a: {  	_ =	shalt  }
0x6b: {  	_ =	shalt  }
0x6c: {  	_ =	shalt  }
0x6d: {  	_ =	shalt  }
0x6e: {  	_ =	shalt  }
0x6f: {  	_ =	shalt  }
0x70: {  	_ =	shalt  }
0x71: {  	_ =	shalt  }
0x72: {  	_ =	shalt  }
0x73: {  	_ =	shalt  }
0x74: {  	_ =	shalt  }
0x75: {  	_ =	shalt  }
0x76: {  	_ =	shalt  }
0x77: {  	_ =	shalt  }
0x78: {  	_ =	shalt  }
0x79: {  	_ =	shalt  }
0x7a: {  	_ =	shalt  }
0x7b: {  	_ =	shalt  }
0x7c: {  	_ =	shalt  }
0x7d: {  	_ =	shalt  }
0x7e: {  	_ =	shalt  }
0x7f: {  	_ =	shalt  }
0x80: {  	_ =	shalt  }
0x81: {  	_ =	shalt  }
0x82: {  	_ =	shalt  }
0x83: {  	_ =	shalt  }
0x84: {  	_ =	shalt  }
0x85: {  	_ =	shalt  }
0x86: {  	_ =	shalt  }
0x87: {  	_ =	shalt  }
.Lfunc_end0:
.L_simem_size_0:
called_computation.3_lowered:
.L_overlay_start_0:
0x88: {  	s2 =	sld [smem:$0x3FD9]  }
0x89: {  	s3 =	sld [smem:$0x3FFE];
	_ =	sdelay $0x1  }
0x8a: {  	s1 =	srdreg.scid  }
0x8b: {  	s0 =	sand.u32 $0x1, s1  }
0x8c: {  	s16 =	sshll.u32 s0, $0xA;
	s2 =	sadd.s32 s3, s2  }
0x8d: {  	s2 =	sadd.s32 s2, s16  }
0x8e: {  	[smem:$0x3FB0] =	sst s2  }
0x8f: {  	_ = 	snop  }
0x90: {  	(tm) =	ssettm $0x1  }
0x91: {  	s17 =	sld [smem:$0x3FFB];
	_ =	sdelay $0x3  }
0x92: {  	_ =	strace s17  }
0x93: {  	s2 =	sld [smem:$0x3FFC];
	_ =	sdelay $0x3  }
0x94: {  	_ =	strace s2  }
0x95: {  	s2 =	sld [smem:$0x3FFD];
	_ =	sdelay $0x3  }
0x96: {  	_ =	strace s2  }
0x97: {  	_ =	strace $0x8FFFFFFF  }
0x98: {  	s18 =	sld [smem:$0x3FDB];
	_ =	sdelay $0x1  }
0x99: {  	s19 =	simm.s32 $_scs_section_size  }
0x9a: {  	s4 =	simm.s32 $_size__tile_overlayer_lowered;
	s5 =	simm.s32 $_tile_overlayer_lowered  }
0x9b: {  	s22 =	simm.s32 $0x1BFF;
	s21 =	sshll.u32 s5, $0x1;
	s2 =	sadd.s32 s19, s18  }
0x9c: {  	s6 =	simm.s32 $0x0;
	s20 =	sshll.u32 s4, $0x1;
	s4 =	sadd.s32 s21, s2  }
0x9d: {  	[timem:s6], [sflag:s22] =	dma.local [hbm:s4], s20  }
0x9e: {  	_ =	swait.ge [sflag:s22], s20  }
0x9f: {  	s3 =	ssub.s32 $0x0, s20;
	[sflag:s22] =	ssyncset.done $0x0  }
0xa0: {  	[sflag:s22] =	ssyncadd.s32 s3;
	_ =	sdelay $0x1  }
0xa1: {  	s23 =	simm.s32 $0x1B8B  }
0xa2: {  	_ =	swait.ge [sflag:s23], $0x1  }
0xa3: {  	[sflag:s23] =	ssyncset.done $0x0  }
0xa4: {  	s25 =	simm.s32 $0x1B8E;
	s24 =	sld [smem:$0x3FFE];
	[sflag:s23] =	ssyncadd.s32 $0xFFFFFFFF  }
0xa5: {  	s26 =	simm.s32 $execute0_lowered;
	[smem:$0x3FD2] =	sst s25  }
0xa6: {  	s4 =	sshll.u32 s26, $0x1;
	_ =	strace $0x8000004F;
	[dreg:$0x1] =	wrdreg $0xFFFFFFFF  }
0xa7: {  	s28 =	simm.s32 $_size_execute0_lowered;
	s2 =	sadd.s32 s2, s4;
	[dreg:$0x0] =	wrdreg $0x0  }
0xa8: {  	s4 =	sshll.u32 s28, $0x1;
	[dreg:$0x2] =	wrdreg s2  }
0xa9: {  	[dreg:$0x3] =	wrdreg s4  }
0xaa: {  	[dreg:$0x4] =	wrdreg $0xC0  }
0xab: {  	_ =	task [dreg:s6], $0x5FFFF  }
0xac: {  	[dreg:$0x1] =	wrdreg $0xFFFFFFFF  }
0xad: {  	[dreg:$0x0] =	wrdreg $0x60  }
0xae: {  	[dreg:$0x2] =	wrdreg s24  }
0xaf: {  	[dreg:$0x3] =	wrdreg $0x9  }
0xb0: {  	_ =	task.clear_ibuf [dreg:s6], $0x4FFFF;
	_ =	strace $0x9000004F  }
0xb1: {  	s29 =	simm.s32 $0x9;
	_ =	strace $0x80000051  }
0xb2: {  	_ =	swait.ge [sflag:s29], $0x1  }
0xb3: {  	[sflag:s29] =	ssyncadd.s32 $0xFFFFFFFF  }
0xb4: {  	_ =	strace $0x90000051  }
0xb5: {  	_ =	sfence  }
0xb6: {  	s30 =	sld [smem:$0x0];
	_ =	sdelay $0x2  }
0xb7: {  	s31 =	sshll.u32 s1, $0xD;
	s1 =	sshrl.u32 s1, $0x2  }
0xb8: {  	s3 =	sand.u32 $0x4000, s31;
	s1 =	sadd.s32 s1, s30  }
0xb9: {  	s0 =	sor.u32 s3, s0;
	s1 =	sshll.u32 s1, $0x11  }
0xba: {  	s0 =	sor.u32 s1, s0  }
0xbb: {  	s0 =	sadd.s32 $0x8F2B, s0  }
0xbc: {  	[sflag:s0] =	ssyncadd.remote.s32 $0x1  }
0xbd: {  	_ =	sfence.sel $0xFFFF  }
0xbe: {  	[dreg:$0x0] =	wrdreg $0xFFFFFFFF;
	(pc) =	sbr.abs _section_cstart, $3  }
0xbf: {  	[dreg:$0x1] =	wrdreg $0xFFFFFFFF  }
0xc0: {  	_ =	task.clear_ibuf [dreg:s6], $0x2FFFF;
	_ =	strace $0x9FFFFFFF  }
0xc1: {  	(tm) =	ssettm $0x7FFFFFFF  }
tec
execute0_lowered:
.L_overlay_start_1:
0x0: {  	(tag) =	ssettag $0x1  }
0x1: {  	s1 =	srdreg.scid  }
0x2: {  	s0 =	stileid.u32;
	s4 =	rddreg [dreg:$0x0];
	s2 =	simm.s32 $0x0  }
0x3: {  	s13 =	simm.s32 $0x2;
	s14 =	simm.s32 $0x80;
	s6 =	smul.u32 $0x2800, s0  }
0x4: {  	s15 =	simm.s32 $0x1;
	s5 =	sand.u32 $0x1, s1;
	s8 =	smul.u32 $0x28000, s0  }
0x5: {  	s16 =	simm.s32 $0x0;
	s1 =	rddreg [dreg:$0x1];
	s7 =	smul.u32 $0x1400, s5  }
0x6: {  	[smem:$0x7FF] =	sst s2;
	s9 =	smul.u32 $0x14000, s5;
	s5 =	ssub.s32 $0x2, s5  }
0x7: {  	s3 =	sadd.s32 $0x3FA00, s4;
	_ =	strace $0x80000050;
	s31 =	sshrl.u32 s5, $0x1  }
0x8: {  	s30 =	sadd.s32 s8, s4;
	s6 =	sadd.s32 s7, s6;
	s5 =	ssub.s32 s5, s31  }
0x9: {  	s9 =	sadd.s32 s9, s30;
	s6 =	sshrl.u32 s6, $0x3;
	s5 =	smax.u32 s5, $0x1  }
0xa: {  	s8 =	sadd.s32 $0x2E7200, s9;
	s12 =	sadd.s32 s6, s4;
	s4 =	sadd.s32 $0x567200, s9  }
0xb: {  	s7 =	sadd.s32 $0x67200, s9;
	s6 =	sadd.s32 $0x7E7200, s9;
	s9 =	sadd.s32 $0x9200, s12  }
0xc: {  	s10 =	sadd.s32 $0x13200, s12;
	s11 =	sadd.s32 $0x4200, s12;
	s12 =	sadd.s32 $0xE200, s12  }
.LBB2_1:
0xd: {  	[tilespmem:s2], [sflag:$0x2] =	stream.linear.gather [hbm4b:s12+s2], $0x80, $0x38;
	[tilespmem:$0x4080] =	vst v63  }
0xe: {  	_ =	swait.ge [sflag:s13], $0x80  }
0xf: {  	[sflag:s13] =	ssyncset.done $0x0  }
0x10: {  	[sflag:s13] =	ssyncadd.s32 $0xFFFFFF80  }
0x11: {  	[tilespmem:s14], [sflag:$0x1] =	stream.indirect.gather [hbm4b:s3+s14], $0x80, s2, s14, $0xb8;
	[tilespmem:$0x4080] =	vst v63  }
0x12: {  	_ =	swait.ge [sflag:s15], $0x4000  }
0x13: {  	[sflag:s15] =	ssyncset.done $0x0  }
0x14: {  	s17 =	sadd.s32 $0x0, s4;
	[sflag:s15] =	ssyncadd.s32 $0xFFFFC000  }
0x15: {  	[hbm4b:s17+s2] =	stream.linear.scatter [tilespmem:s14], [sflag:$0x2], $0x4000, $0x38;
	[tilespmem:$0x4080] =	vst v63  }
0x16: {  	_ =	swait.ge [sflag:s13], $0x4000  }
0x17: {  	[sflag:s13] =	ssyncset.done $0x0  }
0x18: {  	[sflag:s13] =	ssyncadd.s32 $0xFFFFC000  }
0x19: {  	[tilespmem:s2], [sflag:$0x2] =	stream.linear.gather [hbm4b:s11+s2], $0x80, $0x38;
	[tilespmem:$0x4080] =	vst v63  }
0x1a: {  	_ =	swait.ge [sflag:s13], $0x80  }
0x1b: {  	[sflag:s13] =	ssyncset.done $0x0  }
0x1c: {  	[sflag:s13] =	ssyncadd.s32 $0xFFFFFF80  }
0x1d: {  	[tilespmem:s14], [sflag:$0x1] =	stream.indirect.gather [hbm4b:s3+s14], $0x80, s2, s14, $0xb8;
	[tilespmem:$0x4080] =	vst v63  }
0x1e: {  	_ =	swait.ge [sflag:s15], $0x4000  }
0x1f: {  	[sflag:s15] =	ssyncset.done $0x0  }
0x20: {  	s29 =	sadd.s32 $0x0, s6;
	[sflag:s15] =	ssyncadd.s32 $0xFFFFC000  }
0x21: {  	[hbm4b:s29+s2] =	stream.linear.scatter [tilespmem:s14], [sflag:$0x2], $0x4000, $0x38;
	[tilespmem:$0x4080] =	vst v63  }
0x22: {  	_ =	swait.ge [sflag:s13], $0x4000  }
0x23: {  	[sflag:s13] =	ssyncset.done $0x0  }
0x24: {  	[sflag:s13] =	ssyncadd.s32 $0xFFFFC000  }
0x25: {  	[tilespmem:s2], [sflag:$0x2] =	stream.linear.gather [hbm4b:s10+s2], $0x80, $0x38;
	[tilespmem:$0x4080] =	vst v63  }
0x26: {  	_ =	swait.ge [sflag:s13], $0x80  }
0x27: {  	[sflag:s13] =	ssyncset.done $0x0  }
0x28: {  	[sflag:s13] =	ssyncadd.s32 $0xFFFFFF80  }
0x29: {  	[tilespmem:s14], [sflag:$0x1] =	stream.indirect.gather [hbm4b:s3+s14], $0x80, s2, s14, $0xb8;
	[tilespmem:$0x4080] =	vst v63  }
0x2a: {  	_ =	swait.ge [sflag:s15], $0x4000  }
0x2b: {  	[sflag:s15] =	ssyncset.done $0x0  }
0x2c: {  	s30 =	sadd.s32 $0x0, s7;
	[sflag:s15] =	ssyncadd.s32 $0xFFFFC000  }
0x2d: {  	[hbm4b:s30+s2] =	stream.linear.scatter [tilespmem:s14], [sflag:$0x2], $0x4000, $0x38;
	[tilespmem:$0x4080] =	vst v63  }
0x2e: {  	_ =	swait.ge [sflag:s13], $0x4000  }
0x2f: {  	[sflag:s13] =	ssyncset.done $0x0  }
0x30: {  	[sflag:s13] =	ssyncadd.s32 $0xFFFFC000  }
0x31: {  	[tilespmem:s2], [sflag:$0x2] =	stream.linear.gather [hbm4b:s9+s2], $0x80, $0x38;
	[tilespmem:$0x4080] =	vst v63  }
0x32: {  	_ =	swait.ge [sflag:s13], $0x80  }
0x33: {  	[sflag:s13] =	ssyncset.done $0x0  }
0x34: {  	[sflag:s13] =	ssyncadd.s32 $0xFFFFFF80  }
0x35: {  	[tilespmem:s14], [sflag:$0x1] =	stream.indirect.gather [hbm4b:s3+s14], $0x80, s2, s14, $0xb8;
	[tilespmem:$0x4080] =	vst v63  }
0x36: {  	_ =	swait.ge [sflag:s15], $0x4000  }
0x37: {  	[sflag:s15] =	ssyncset.done $0x0  }
0x38: {  	s31 =	sadd.s32 $0x0, s8;
	s18 =	sadd.s32 $0x10, s11;
	[sflag:s15] =	ssyncadd.s32 $0xFFFFC000  }
0x39: {  	[hbm4b:s31+s2] =	stream.linear.scatter [tilespmem:s14], [sflag:$0x2], $0x4000, $0x38;
	[tilespmem:$0x4080] =	vst v63  }
0x3a: {  	s19 =	sadd.s32 $0x10, s12;
	s20 =	smov.u32 s9;
	_ =	swait.ge [sflag:s13], $0x4000  }
0x3b: {  	s21 =	smov.u32 s10;
	s17 =	simm.s32 $0x800;
	[sflag:s13] =	ssyncset.done $0x0  }
.LBB2_2:
0x3c: {  	[sflag:s13] =	ssyncadd.s32 $0xFFFFC000  }
0x3d: {  	s20 =	sadd.s32 $0x10, s20;
	s21 =	sadd.s32 $0x10, s21;
	s22 =	smov.u32 s17  }
0x3e: {  	[tilespmem:s2], [sflag:$0x2] =	stream.linear.gather [hbm4b:s19+s2], $0x80, $0x38;
	[tilespmem:$0x4080] =	vst v63  }
0x3f: {  	p0 =	sne.s32 s17, $0x13800;
	s17 =	sadd.s32 $0x800, s17;
	_ =	swait.ge [sflag:s13], $0x80  }
0x40: {  	[sflag:s13] =	ssyncset.done $0x0  }
0x41: {  	[sflag:s13] =	ssyncadd.s32 $0xFFFFFF80  }
0x42: {  	[tilespmem:s14], [sflag:$0x1] =	stream.indirect.gather [hbm4b:s3+s14], $0x80, s2, s14, $0xb8;
	[tilespmem:$0x4080] =	vst v63  }
0x43: {  	_ =	swait.ge [sflag:s15], $0x4000  }
0x44: {  	[sflag:s15] =	ssyncset.done $0x0  }
0x45: {  	s23 =	sadd.s32 s22, s4;
	[sflag:s15] =	ssyncadd.s32 $0xFFFFC000  }
0x46: {  	[hbm4b:s23+s2] =	stream.linear.scatter [tilespmem:s14], [sflag:$0x2], $0x4000, $0x38;
	[tilespmem:$0x4080] =	vst v63  }
0x47: {  	_ =	swait.ge [sflag:s13], $0x4000  }
0x48: {  	[sflag:s13] =	ssyncset.done $0x0  }
0x49: {  	[sflag:s13] =	ssyncadd.s32 $0xFFFFC000  }
0x4a: {  	[tilespmem:s2], [sflag:$0x2] =	stream.linear.gather [hbm4b:s18+s2], $0x80, $0x38;
	[tilespmem:$0x4080] =	vst v63  }
0x4b: {  	_ =	swait.ge [sflag:s13], $0x80  }
0x4c: {  	[sflag:s13] =	ssyncset.done $0x0  }
0x4d: {  	[sflag:s13] =	ssyncadd.s32 $0xFFFFFF80  }
0x4e: {  	[tilespmem:s14], [sflag:$0x1] =	stream.indirect.gather [hbm4b:s3+s14], $0x80, s2, s14, $0xb8;
	[tilespmem:$0x4080] =	vst v63  }
0x4f: {  	_ =	swait.ge [sflag:s15], $0x4000  }
0x50: {  	[sflag:s15] =	ssyncset.done $0x0  }
0x51: {  	s23 =	sadd.s32 s22, s6;
	[sflag:s15] =	ssyncadd.s32 $0xFFFFC000  }
0x52: {  	[hbm4b:s23+s2] =	stream.linear.scatter [tilespmem:s14], [sflag:$0x2], $0x4000, $0x38;
	[tilespmem:$0x4080] =	vst v63  }
0x53: {  	_ =	swait.ge [sflag:s13], $0x4000  }
0x54: {  	[sflag:s13] =	ssyncset.done $0x0  }
0x55: {  	[sflag:s13] =	ssyncadd.s32 $0xFFFFC000  }
0x56: {  	[tilespmem:s2], [sflag:$0x2] =	stream.linear.gather [hbm4b:s21+s2], $0x80, $0x38;
	[tilespmem:$0x4080] =	vst v63  }
0x57: {  	_ =	swait.ge [sflag:s13], $0x80  }
0x58: {  	[sflag:s13] =	ssyncset.done $0x0  }
0x59: {  	[sflag:s13] =	ssyncadd.s32 $0xFFFFFF80  }
0x5a: {  	[tilespmem:s14], [sflag:$0x1] =	stream.indirect.gather [hbm4b:s3+s14], $0x80, s2, s14, $0xb8;
	[tilespmem:$0x4080] =	vst v63  }
0x5b: {  	_ =	swait.ge [sflag:s15], $0x4000  }
0x5c: {  	[sflag:s15] =	ssyncset.done $0x0  }
0x5d: {  	s23 =	sadd.s32 s22, s7;
	[sflag:s15] =	ssyncadd.s32 $0xFFFFC000  }
0x5e: {  	[hbm4b:s23+s2] =	stream.linear.scatter [tilespmem:s14], [sflag:$0x2], $0x4000, $0x38;
	[tilespmem:$0x4080] =	vst v63  }
0x5f: {  	_ =	swait.ge [sflag:s13], $0x4000  }
0x60: {  	[sflag:s13] =	ssyncset.done $0x0  }
0x61: {  	[sflag:s13] =	ssyncadd.s32 $0xFFFFC000  }
0x62: {  	[tilespmem:s2], [sflag:$0x2] =	stream.linear.gather [hbm4b:s20+s2], $0x80, $0x38;
	[tilespmem:$0x4080] =	vst v63  }
0x63: {  	_ =	swait.ge [sflag:s13], $0x80  }
0x64: {  	[sflag:s13] =	ssyncset.done $0x0  }
0x65: {  	[sflag:s13] =	ssyncadd.s32 $0xFFFFFF80  }
0x66: {  	[tilespmem:s14], [sflag:$0x1] =	stream.indirect.gather [hbm4b:s3+s14], $0x80, s2, s14, $0xb8;
	[tilespmem:$0x4080] =	vst v63  }
0x67: {  	_ =	swait.ge [sflag:s15], $0x4000  }
.Ltmp0:
0x68: {  	[sflag:s15] =	ssyncset.done $0x0;
	(pc) =	sbr.rel @p0 .LBB2_2-.Ltmp0, $4  }
0x69: {  	s22 =	sadd.s32 s22, s8;
	[sflag:s15] =	ssyncadd.s32 $0xFFFFC000  }
0x6a: {  	[hbm4b:s22+s2] =	stream.linear.scatter [tilespmem:s14], [sflag:$0x2], $0x4000, $0x38;
	[tilespmem:$0x4080] =	vst v63  }
0x6b: {  	_ =	swait.ge [sflag:s13], $0x4000  }
0x6c: {  	s19 =	sadd.s32 $0x10, s19;
	s18 =	sadd.s32 $0x10, s18;
	[sflag:s13] =	ssyncset.done $0x0  }
0x6d: {  	s16 =	sadd.s32 $0x1, s16  }
0x6e: {  	p0 =	sne.s32 s16, s5  }
.Ltmp1:
0x6f: {  	_ = 	snop;
	(pc) =	sbr.rel @p0 .LBB2_1-.Ltmp1, $2  }
0x70: {  	_ =	sdelay $0x2  }
0x71: {  	[sflag:s13] =	ssyncadd.s32 $0xFFFFC000  }
0x72: {  	_ =	sfence.sel $0x180000  }
0x73: {  	[bflag:$0x0] =	sbarrier.arrive $0xFFFF  }
0x74: {  	p0 =	sne.s32 s0, $0x0;
	_ =	strace $0x90000050  }
0x75: {  	s0 =	sadd.s32 @!p0 $0x100000, s1;
	[bflag:$0x2] =	sbarrier.arrive $0xFFFF  }
0x76: {  	[sflag:s0] =	ssyncadd.tile.s32 @!p0 $0x1;
	_ =	shalt  }
.Lfunc_end2:
_tile_overlayer_lowered:
.L_overlay_start_2:
0x77: {  	(tag) =	ssettag $0x2  }
0x78: {  	s0 =	rddreg [dreg:$0x0];
	s2 =	stileid.u32  }
0x79: {  	s1 =	rddreg [dreg:$0x1];
	p0 =	sne.s32 s2, $0x0  }
0x7a: {  	s3 =	rddreg [dreg:$0x2];
	[bflag:$0x3] =	sbarrier.arrive $0xFFFF;
	s2 =	simm.s32 @!p0 $0x1C02  }
0x7b: {  	[timem:s3], [sflag:s2] =	dma.local @!p0 [hbm:s0], s1  }
0x7c: {  	s0 =	simm.s32 @!p0 $0x2  }
0x7d: {  	_ =	swait.ge @!p0 [sflag:s0], s1  }
0x7e: {  	s1 =	ssub.s32 @!p0 $0x0, s1;
	[sflag:s0] =	ssyncset.done @!p0 $0x0  }
0x7f: {  	[sflag:s0] =	ssyncadd.s32 @!p0 s1  }
0x80: {  	[bflag:$0x3] =	sbarrier.arrive $0xFFFF  }
0x81: {  	_ =	shalt  }

// kernel: kernel.33.cloned.1.call-start
scs
__scs_entry_jumppad:
0x0: {  	(pc) =	sbr.rel $0x88, $3  }
0x1: {  	(tag) =	ssettag $0x0;
	lr =	simm.s32 $0x1  }
0x2: {  	[smem:$0x3F89] =	sst lr;
	_ =	strace $0xD0000000  }
0x3: {  	_ = 	snop  }
0x4: {  	_ = 	snop  }
0x5: {  	_ = 	snop  }
0x6: {  	_ = 	snop  }
0x7: {  	_ = 	snop  }
__scs_overlays_trampoline_lowered:
0x8: {  	[smem:$0x3F98] =	sst s0  }
0x9: {  	[smem:$0x3F99] =	sst s1  }
0xa: {  	[smem:$0x3F9A] =	sst s2  }
0xb: {  	[smem:$0x3F9B] =	sst s3  }
0xc: {  	[smem:$0x3F9C] =	sst s4  }
0xd: {  	[smem:$0x3F9D] =	sst s5  }
0xe: {  	[smem:$0x3F9E] =	sst s6  }
0xf: {  	[smem:$0x3F9F] =	sst s7  }
0x10: {  	[smem:$0x3FA0] =	sst s8  }
0x11: {  	[smem:$0x3FA1] =	sst s9;
	s0 =	simm.s32 @!p0 $0x0  }
0x12: {  	s1 =	sld [smem:$0x3F87];
	s0 =	simm.s32 @p0 $0x1  }
0x13: {  	[smem:$0x3FA2] =	sst s0;
	s0 =	simm.s32 @!p1 $0x0  }
0x14: {  	s2 =	sld [smem:$0x3F86];
	s0 =	simm.s32 @p1 $0x1  }
0x15: {  	[smem:$0x3FA3] =	sst s0;
	s0 =	simm.s32 @!p2 $0x0  }
0x16: {  	s3 =	sld [smem:$0x3FDB];
	s0 =	simm.s32 @p2 $0x1  }
0x17: {  	s4 =	simm.s32 $0x1BF5;
	[smem:$0x3FA5] =	sst s0  }
0x18: {  	s0 =	sld [smem:$0x3F88];
	_ =	swait.ge [sflag:s4], $0x0  }
0x19: {  	s7 =	sld [smem:$0x3F89]  }
0x1a: {  	s8 =	sadd.s32 $0xFFFFE003, lr  }
0x1b: {  	s9 =	sadd.s32 $0xFFFFFEF7, lr;
	s5 =	simm.s32 $0xFFFFFFFF;
	p2 =	slt.u32 s8, $0xFFFFF086  }
0x1c: {  	p1 =	slt.u32 s9, $0xF7A;
	s5 =	simm.s32 @!p2 $0x0  }
0x1d: {  	s5 =	simm.s32 @p1 $0x1;
	p0 =	seq.s32 s7, s2  }
0x1e: {  	s7 =	smul.u32 @!p0 $0xF7A, s2;
	p2 =	seq.s32 @!p0 s5, $0x0  }
0x1f: {  	s9 =	smul.u32 $0xF7A, s1;
	s8 =	simm.s32 @!p0 $0x1BF5;
	p2 =	por !p2, p0  }
0x20: {  	[sflag:s8] =	ssyncset.s32 @!p0 $0xFFFFF086;
	s6 =	sadd.s32 @!p0 s3, s7;
	s7 =	simm.s32 @!p0 $0x108  }
0x21: {  	s3 =	sadd.s32 s3, s9;
	s6 =	sadd.s32 @!p0 $0x88, s6;
	s7 =	simm.s32 @p2 $0x1082  }
0x22: {  	[simem:s7], [sflag:s8] =	dma.local @!p0 [hbm:s6], $0xF7A  }
0x23: {  	s9 =	sor.u32 $0xD0000000, s2;
	s6 =	simm.s32 $0x108;
	_ =	swait.ge @!p0 [sflag:s8], $0x0  }
0x24: {  	s3 =	sadd.s32 $0x88, s3;
	s6 =	simm.s32 @!p1 $0x1082;
	[sflag:s4] =	ssyncset.s32 $0xFFFFF086  }
0x25: {  	[simem:s6], [sflag:s4] =	dma.local [hbm:s3], $0xF7A  }
0x26: {  	[smem:$0x3F89] =	sst s1;
	(tag) =	ssettag s2;
	_ =	strace s9  }
0x27: {  	s1 =	sld [smem:$0x3F99]  }
0x28: {  	s2 =	sld [smem:$0x3F9A]  }
0x29: {  	s4 =	sld [smem:$0x3F9C]  }
0x2a: {  	p0 =	seq.s32 s5, $0x0;
	s5 =	sld [smem:$0x3F9D]  }
0x2b: {  	s6 =	sld [smem:$0x3F9E]  }
0x2c: {  	s7 =	sld [smem:$0x3F9F]  }
0x2d: {  	s3 =	simm.s32 $0x108;
	s8 =	sld [smem:$0x3FA0]  }
0x2e: {  	s3 =	simm.s32 @!p0 $0x1082;
	s9 =	sld [smem:$0x3FA1]  }
0x2f: {  	lr =	sadd.s32 s0, s3;
	s0 =	sld [smem:$0x3F98]  }
0x30: {  	s3 =	sld [smem:$0x3F9B]  }
0x31: {  	[smem:$0x3FA4] =	sst s10  }
0x32: {  	s10 =	sld [smem:$0x3FA2];
	_ =	sdelay $0x3  }
0x33: {  	p0 =	seq.s32 s10, $0x1;
	s10 =	sld [smem:$0x3FA4];
	_ =	sdelay $0x3  }
0x34: {  	[smem:$0x3FA4] =	sst s10  }
0x35: {  	s10 =	sld [smem:$0x3FA3];
	_ =	sdelay $0x3  }
0x36: {  	p1 =	seq.s32 s10, $0x1;
	s10 =	sld [smem:$0x3FA4];
	_ =	sdelay $0x3  }
0x37: {  	[smem:$0x3FA4] =	sst s10  }
0x38: {  	s10 =	sld [smem:$0x3FA5]  }
0x39: {  	_ = 	snop;
	(pc) =	sbr.ind lr, $3  }
0x3a: {  	_ = 	snop  }
0x3b: {  	_ = 	snop  }
0x3c: {  	p2 =	seq.s32 s10, $0x1;
	s10 =	sld [smem:$0x3FA4]  }
0x3d: {  	_ =	shalt  }
0x3e: {  	_ =	shalt  }
0x3f: {  	_ =	shalt  }
0x40: {  	_ =	shalt  }
0x41: {  	_ =	shalt  }
0x42: {  	_ =	shalt  }
0x43: {  	_ =	shalt  }
0x44: {  	_ =	shalt  }
0x45: {  	_ =	shalt  }
0x46: {  	_ =	shalt  }
0x47: {  	_ =	shalt  }
0x48: {  	_ =	shalt  }
0x49: {  	_ =	shalt  }
0x4a: {  	_ =	shalt  }
0x4b: {  	_ =	shalt  }
0x4c: {  	_ =	shalt  }
0x4d: {  	_ =	shalt  }
0x4e: {  	_ =	shalt  }
0x4f: {  	_ =	shalt  }
0x50: {  	_ =	shalt  }
0x51: {  	_ =	shalt  }
0x52: {  	_ =	shalt  }
0x53: {  	_ =	shalt  }
0x54: {  	_ =	shalt  }
0x55: {  	_ =	shalt  }
0x56: {  	_ =	shalt  }
0x57: {  	_ =	shalt  }
0x58: {  	_ =	shalt  }
0x59: {  	_ =	shalt  }
0x5a: {  	_ =	shalt  }
0x5b: {  	_ =	shalt  }
0x5c: {  	_ =	shalt  }
0x5d: {  	_ =	shalt  }
0x5e: {  	_ =	shalt  }
0x5f: {  	_ =	shalt  }
0x60: {  	_ =	shalt  }
0x61: {  	_ =	shalt  }
0x62: {  	_ =	shalt  }
0x63: {  	_ =	shalt  }
0x64: {  	_ =	shalt  }
0x65: {  	_ =	shalt  }
0x66: {  	_ =	shalt  }
0x67: {  	_ =	shalt  }
0x68: {  	_ =	shalt  }
0x69: {  	_ =	shalt  }
0x6a: {  	_ =	shalt  }
0x6b: {  	_ =	shalt  }
0x6c: {  	_ =	shalt  }
0x6d: {  	_ =	shalt  }
0x6e: {  	_ =	shalt  }
0x6f: {  	_ =	shalt  }
0x70: {  	_ =	shalt  }
0x71: {  	_ =	shalt  }
0x72: {  	_ =	shalt  }
0x73: {  	_ =	shalt  }
0x74: {  	_ =	shalt  }
0x75: {  	_ =	shalt  }
0x76: {  	_ =	shalt  }
0x77: {  	_ =	shalt  }
0x78: {  	_ =	shalt  }
0x79: {  	_ =	shalt  }
0x7a: {  	_ =	shalt  }
0x7b: {  	_ =	shalt  }
0x7c: {  	_ =	shalt  }
0x7d: {  	_ =	shalt  }
0x7e: {  	_ =	shalt  }
0x7f: {  	_ =	shalt  }
0x80: {  	_ =	shalt  }
0x81: {  	_ =	shalt  }
0x82: {  	_ =	shalt  }
0x83: {  	_ =	shalt  }
0x84: {  	_ =	shalt  }
0x85: {  	_ =	shalt  }
0x86: {  	_ =	shalt  }
0x87: {  	_ =	shalt  }
.Lfunc_end0:
.L_simem_size_0:
called_computation.4_lowered:
.L_overlay_start_0:
0x88: {  	s2 =	sld [smem:$0x3FD9]  }
0x89: {  	s3 =	sld [smem:$0x3FFE];
	_ =	sdelay $0x1  }
0x8a: {  	s1 =	srdreg.scid  }
0x8b: {  	s0 =	sand.u32 $0x1, s1  }
0x8c: {  	s17 =	sshll.u32 s0, $0xA;
	s2 =	sadd.s32 s3, s2  }
0x8d: {  	s2 =	sadd.s32 s2, s17  }
0x8e: {  	[smem:$0x3FB0] =	sst s2  }
0x8f: {  	_ = 	snop  }
0x90: {  	(tm) =	ssettm $0x1  }
0x91: {  	s18 =	sld [smem:$0x3FFB];
	_ =	sdelay $0x3  }
0x92: {  	_ =	strace s18  }
0x93: {  	s2 =	sld [smem:$0x3FFC];
	_ =	sdelay $0x3  }
0x94: {  	_ =	strace s2  }
0x95: {  	s2 =	sld [smem:$0x3FFD];
	_ =	sdelay $0x3  }
0x96: {  	_ =	strace s2  }
0x97: {  	_ =	strace $0x8FFFFFFF  }
0x98: {  	s19 =	sld [smem:$0x3FDB];
	_ =	sdelay $0x1  }
0x99: {  	s20 =	simm.s32 $_scs_section_size  }
0x9a: {  	s4 =	simm.s32 $_size__tile_overlayer_lowered;
	s5 =	simm.s32 $_tile_overlayer_lowered  }
0x9b: {  	s6 =	simm.s32 $0x1BFF;
	s21 =	sshll.u32 s5, $0x1;
	s3 =	sadd.s32 s20, s19  }
0x9c: {  	s22 =	simm.s32 $0x0;
	s4 =	sshll.u32 s4, $0x1;
	s5 =	sadd.s32 s21, s3  }
0x9d: {  	[timem:s22], [sflag:s6] =	dma.local [hbm:s5], s4  }
0x9e: {  	_ =	swait.ge [sflag:s6], s4  }
0x9f: {  	s4 =	ssub.s32 $0x0, s4;
	[sflag:s6] =	ssyncset.done $0x0  }
0xa0: {  	[sflag:s6] =	ssyncadd.s32 s4;
	_ =	sdelay $0x1  }
0xa1: {  	s23 =	simm.s32 $0x1B8B  }
0xa2: {  	_ =	swait.ge [sflag:s23], $0x1  }
0xa3: {  	[sflag:s23] =	ssyncset.done $0x0  }
0xa4: {  	[sflag:s23] =	ssyncadd.s32 $0xFFFFFFFF  }
0xa5: {  	s4 =	sld [smem:$0x0]  }
0xa6: {  	s5 =	sand.u32 $0xFFFFFFFE, s1  }
0xa7: {  	p0 =	sne.s32 s1, s5  }
0xa8: {  	s5 =	sshll.u32 @p0 s5, $0xE  }
0xa9: {  	s5 =	sadd.s32 @p0 $0x11B8D, s5;
	s6 =	sshll.u32 @p0 s4, $0x11  }
0xaa: {  	s5 =	sor.u32 @p0 s6, s5  }
0xab: {  	[sflag:s5] =	ssyncadd.remote.s32 @p0 $0x1;
	_ =	sdelay $0x1  }
0xac: {  	s5 =	simm.s32 @p0 $0x1B8D  }
0xad: {  	_ =	swait.eq @p0 [sflag:s5], $0x1  }
0xae: {  	[sflag:s5] =	ssyncadd.s32 @p0 $0xFFFFFFFF  }
0xaf: {  	s6 =	sshll.u32 @!p0 s1, $0xE  }
0xb0: {  	s6 =	sor.u32 @!p0 $0x4000, s6;
	s5 =	simm.s32 @!p0 $0x1B8D  }
0xb1: {  	s4 =	sshll.u32 @!p0 s4, $0x11;
	s6 =	sadd.s32 @!p0 $0x11B8D, s6;
	_ =	swait.eq @!p0 [sflag:s5], $0x1  }
0xb2: {  	s4 =	sor.u32 @!p0 s4, s6;
	[sflag:s5] =	ssyncadd.s32 @!p0 $0xFFFFFFFF  }
0xb3: {  	s25 =	simm.s32 $0x1B8E;
	s24 =	sld [smem:$0x3FFE];
	[sflag:s4] =	ssyncadd.remote.s32 @!p0 $0x1  }
0xb4: {  	s26 =	simm.s32 $execute0_lowered;
	[smem:$0x3FD2] =	sst s25  }
0xb5: {  	s5 =	sshll.u32 s26, $0x1;
	_ =	strace $0x80000055;
	[dreg:$0x1] =	wrdreg $0xFFFFFFFF  }
0xb6: {  	s28 =	simm.s32 $_size_execute0_lowered;
	s3 =	sadd.s32 s3, s5;
	[dreg:$0x0] =	wrdreg $0x0  }
0xb7: {  	s5 =	sshll.u32 s28, $0x1;
	[dreg:$0x2] =	wrdreg s3  }
0xb8: {  	[dreg:$0x3] =	wrdreg s5  }
0xb9: {  	[dreg:$0x4] =	wrdreg $0xC0  }
0xba: {  	_ =	task [dreg:s22], $0x5FFFF  }
0xbb: {  	[dreg:$0x1] =	wrdreg $0xFFFFFFFF  }
0xbc: {  	[dreg:$0x0] =	wrdreg $0x60  }
0xbd: {  	[dreg:$0x2] =	wrdreg s24  }
0xbe: {  	[dreg:$0x3] =	wrdreg $0x40800  }
0xbf: {  	[dreg:$0x4] =	wrdreg $0x9  }
0xc0: {  	_ =	task.clear_ibuf [dreg:s22], $0x5FFFF;
	_ =	strace $0x90000055  }
0xc1: {  	s29 =	simm.s32 $0x9;
	_ =	strace $0x80000057  }
0xc2: {  	_ =	swait.ge [sflag:s29], $0x1  }
0xc3: {  	[sflag:s29] =	ssyncadd.s32 $0xFFFFFFFF  }
0xc4: {  	_ =	strace $0x90000057  }
0xc5: {  	_ =	sfence  }
0xc6: {  	s30 =	sld [smem:$0x0];
	_ =	sdelay $0x2  }
0xc7: {  	s31 =	sshll.u32 s1, $0xD;
	s1 =	sshrl.u32 s1, $0x2  }
0xc8: {  	s4 =	sand.u32 $0x4000, s31;
	s1 =	sadd.s32 s1, s30  }
0xc9: {  	s0 =	sor.u32 s4, s0;
	s1 =	sshll.u32 s1, $0x11  }
0xca: {  	s0 =	sor.u32 s1, s0  }
0xcb: {  	s0 =	sadd.s32 $0x8F2B, s0  }
0xcc: {  	[sflag:s0] =	ssyncadd.remote.s32 $0x1  }
0xcd: {  	_ =	sfence.sel $0xFFFF  }
0xce: {  	[dreg:$0x0] =	wrdreg $0xFFFFFFFF;
	(pc) =	sbr.abs _section_cstart, $3  }
0xcf: {  	[dreg:$0x1] =	wrdreg $0xFFFFFFFF  }
0xd0: {  	_ =	task.clear_ibuf [dreg:s22], $0x2FFFF;
	_ =	strace $0x9FFFFFFF  }
0xd1: {  	(tm) =	ssettm $0x7FFFFFFF  }
tec
execute0_lowered:
.L_overlay_start_1:
0x0: {  	(tag) =	ssettag $0x1  }
0x1: {  	s0 =	stileid.u32  }
0x2: {  	s6 =	smul.u32 $0x2800, s0  }
0x3: {  	s1 =	srdreg.scid;
	s8 =	smul.u32 $0x13C00, s0  }
0x4: {  	s4 =	rddreg [dreg:$0x0];
	s23 =	smul.u32 $0x28000, s0  }
0x5: {  	s2 =	rddreg [dreg:$0x1];
	s5 =	sand.u32 $0x1, s1;
	s12 =	smul.u32 $0x4F000, s0  }
0x6: {  	s3 =	simm.s32 $0x0;
	s1 =	rddreg [dreg:$0x2];
	s7 =	smul.u32 $0x1400, s5  }
0x7: {  	[smem:$0x7FF] =	sst s3;
	s29 =	sshll.u32 s0, $0x6;
	s9 =	smul.u32 $0x13C000, s5  }
0x8: {  	_ =	strace $0x80000056;
	s24 =	ssub.s32 $0x2, s5;
	s30 =	smul.u32 $0x14000, s5  }
0x9: {  	s5 =	sor.u32 $0x1C01, s29;
	s22 =	sshrl.u32 s8, $0x3;
	s11 =	sshrl.u32 s24, $0x1  }
0xa: {  	s13 =	sadd.s32 s23, s4;
	s28 =	sshrl.u32 s12, $0x2;
	s6 =	sadd.s32 s7, s6  }
0xb: {  	s7 =	sadd.s32 s22, s4;
	s8 =	sadd.s32 s8, s9;
	s26 =	ssub.s32 s24, s11  }
0xc: {  	s12 =	sadd.s32 s28, s2;
	s31 =	sadd.s32 s30, s13;
	s11 =	simm.s32 $0x1  }
0xd: {  	s13 =	simm.s32 $0x0;
	s6 =	sshrl.u32 s6, $0x3;
	s8 =	sshrl.u32 s8, $0x3  }
0xe: {  	s10 =	sadd.s32 s6, s4;
	s25 =	sadd.s32 s8, s4;
	s4 =	sadd.s32 $0x18200, s7  }
0xf: {  	s7 =	smax.u32 s26, $0x1;
	s8 =	sadd.s32 $0x8EA00, s31;
	s6 =	sadd.s32 $0x30EA00, s25  }
0x10: {  	s9 =	sadd.s32 $0x4200, s10;
	s10 =	sshrl.u32 s12, $0x3;
	s12 =	simm.s32 $0x80  }
.LBB2_1:
0x11: {  	[spmem:s10], [sflag:s5] =	dma.local [hbm:s4], $0x2780  }
0x12: {  	_ =	swait.ge [sflag:s11], $0x2780  }
0x13: {  	[sflag:s11] =	ssyncset.done $0x0  }
0x14: {  	[sflag:s11] =	ssyncadd.s32 $0xFFFFD880  }
0x15: {  	s14 =	sadd.s32 $0x0, s9;
	[bflag:$0x0] =	sbarrier.arrive $0xFFFF  }
0x16: {  	[tilespmem:s3], [sflag:$0x1] =	stream.linear.gather [hbm4b:s14+s3], $0x80, $0x38;
	[tilespmem:$0x17C80] =	vst v63  }
0x17: {  	_ =	swait.ge [sflag:s11], $0x80  }
0x18: {  	[sflag:s11] =	ssyncset.done $0x0  }
0x19: {  	[sflag:s11] =	ssyncadd.s32 $0xFFFFFF80  }
0x1a: {  	[tilespmem:s12], [sflag:$0x1] =	stream.linear.gather [hbm4b:s8+s3], $0x4000, $0x38;
	[tilespmem:$0x17C80] =	vst v63  }
0x1b: {  	_ =	swait.ge [sflag:s11], $0x4000  }
0x1c: {  	[sflag:s11] =	ssyncset.done $0x0  }
0x1d: {  	[sflag:s11] =	ssyncadd.s32 $0xFFFFC000  }
0x1e: {  	[spmem:s2] =	stream.indirect.scatter.add.f32 [tilespmem:s12], [sflag:$0x1], $0x80, s3, s12, $0xb8;
	[tilespmem:$0x17C80] =	vst v63  }
0x1f: {  	s15 =	simm.s32 $0x10;
	_ =	swait.ge [sflag:s11], $0x4000  }
0x20: {  	s16 =	simm.s32 $0x20;
	s14 =	sadd.s32 $0x800, s8;
	[sflag:s11] =	ssyncset.done $0x0  }
.LBB2_2:
0x21: {  	s17 =	sadd.s32 s15, s9  }
0x22: {  	[sflag:s11] =	ssyncadd.s32 $0xFFFFC000;
	s15 =	smov.u32 s16;
	s18 =	sadd.s32 $0x10, s16  }
0x23: {  	[tilespmem:s3], [sflag:$0x1] =	stream.linear.gather [hbm4b:s17+s3], $0x80, $0x38;
	[tilespmem:$0x17C80] =	vst v63  }
0x24: {  	p0 =	sne.s32 s16, $0x270;
	_ =	swait.ge [sflag:s11], $0x80  }
0x25: {  	[sflag:s11] =	ssyncset.done $0x0  }
0x26: {  	[sflag:s11] =	ssyncadd.s32 $0xFFFFFF80  }
0x27: {  	[tilespmem:s12], [sflag:$0x1] =	stream.linear.gather [hbm4b:s14+s3], $0x4000, $0x38;
	[tilespmem:$0x17C80] =	vst v63  }
0x28: {  	_ =	swait.ge [sflag:s11], $0x4000  }
.Ltmp0:
0x29: {  	[sflag:s11] =	ssyncset.done $0x0;
	(pc) =	sbr.rel @p0 .LBB2_2-.Ltmp0, $4  }
0x2a: {  	[sflag:s11] =	ssyncadd.s32 $0xFFFFC000  }
0x2b: {  	[spmem:s2] =	stream.indirect.scatter.add.f32 [tilespmem:s12], [sflag:$0x1], $0x80, s3, s12, $0xb8;
	[tilespmem:$0x17C80] =	vst v63  }
0x2c: {  	_ =	swait.ge [sflag:s11], $0x4000  }
0x2d: {  	s16 =	smov.u32 s18;
	s14 =	sadd.s32 $0x800, s14;
	[sflag:s11] =	ssyncset.done $0x0  }
0x2e: {  	s15 =	sadd.s32 s15, s9;
	[sflag:s11] =	ssyncadd.s32 $0xFFFFC000  }
0x2f: {  	[tilespmem:s3], [sflag:$0x1] =	stream.linear.gather [hbm4b:s15+s3], $0x80, $0x38;
	[tilespmem:$0x17C80] =	vst v63  }
0x30: {  	_ =	swait.ge [sflag:s11], $0x80  }
0x31: {  	[sflag:s11] =	ssyncset.done $0x0  }
0x32: {  	[sflag:s11] =	ssyncadd.s32 $0xFFFFFF80  }
0x33: {  	[tilespmem:s12], [sflag:$0x1] =	stream.linear.gather [hbm4b:s14+s3], $0x4000, $0x38;
	[tilespmem:$0x17C80] =	vst v63  }
0x34: {  	_ =	swait.ge [sflag:s11], $0x4000  }
0x35: {  	[sflag:s11] =	ssyncset.done $0x0  }
0x36: {  	[sflag:s11] =	ssyncadd.s32 $0xFFFFC000  }
0x37: {  	[spmem:s2] =	stream.indirect.scatter.add.f32 [tilespmem:s12], [sflag:$0x1], $0x80, s3, s12, $0xb8;
	[tilespmem:$0x17C80] =	vst v63  }
0x38: {  	_ =	swait.ge [sflag:s11], $0x4000  }
0x39: {  	s13 =	sadd.s32 $0x1, s13;
	[sflag:s11] =	ssyncset.done $0x0  }
0x3a: {  	p0 =	sne.s32 s13, s7;
	[sflag:s11] =	ssyncadd.s32 $0xFFFFC000  }
.Ltmp1:
0x3b: {  	[bflag:$0x0] =	sbarrier.arrive $0xFFFF;
	(pc) =	sbr.rel @p0 .LBB2_1-.Ltmp1, $4  }
0x3c: {  	[hbm:s6], [sflag:s5] =	dma.local [spmem:s10], $0x2780  }
0x3d: {  	_ =	swait.ge [sflag:s11], $0x2780  }
0x3e: {  	[sflag:s11] =	ssyncset.done $0x0  }
0x3f: {  	[sflag:s11] =	ssyncadd.s32 $0xFFFFD880  }
0x40: {  	_ =	sfence.sel $0x180000  }
0x41: {  	[bflag:$0x0] =	sbarrier.arrive $0xFFFF  }
0x42: {  	p0 =	sne.s32 s0, $0x0;
	_ =	strace $0x90000056  }
0x43: {  	s0 =	sadd.s32 @!p0 $0x100000, s1;
	[bflag:$0x2] =	sbarrier.arrive $0xFFFF  }
0x44: {  	[sflag:s0] =	ssyncadd.tile.s32 @!p0 $0x1;
	_ =	shalt  }
.Lfunc_end2:
_tile_overlayer_lowered:
.L_overlay_start_2:
0x45: {  	(tag) =	ssettag $0x2  }
0x46: {  	s0 =	rddreg [dreg:$0x0];
	s2 =	stileid.u32  }
0x47: {  	s1 =	rddreg [dreg:$0x1];
	p0 =	sne.s32 s2, $0x0  }
0x48: {  	s3 =	rddreg [dreg:$0x2];
	[bflag:$0x3] =	sbarrier.arrive $0xFFFF;
	s2 =	simm.s32 @!p0 $0x1C01  }
0x49: {  	[timem:s3], [sflag:s2] =	dma.local @!p0 [hbm:s0], s1  }
0x4a: {  	s0 =	simm.s32 @!p0 $0x1  }
0x4b: {  	_ =	swait.ge @!p0 [sflag:s0], s1  }
0x4c: {  	s1 =	ssub.s32 @!p0 $0x0, s1;
	[sflag:s0] =	ssyncset.done @!p0 $0x0  }
0x4d: {  	[sflag:s0] =	ssyncadd.s32 @!p0 s1  }
0x4e: {  	[bflag:$0x3] =	sbarrier.arrive $0xFFFF  }
0x4f: {  	_ =	shalt  }

// kernel: kernel.36.cloned.1.call-start
scs
__scs_entry_jumppad:
0x0: {  	(pc) =	sbr.rel $0x88, $3  }
0x1: {  	(tag) =	ssettag $0x0;
	lr =	simm.s32 $0x1  }
0x2: {  	[smem:$0x3F89] =	sst lr;
	_ =	strace $0xD0000000  }
0x3: {  	_ = 	snop  }
0x4: {  	_ = 	snop  }
0x5: {  	_ = 	snop  }
0x6: {  	_ = 	snop  }
0x7: {  	_ = 	snop  }
__scs_overlays_trampoline_lowered:
0x8: {  	[smem:$0x3F98] =	sst s0  }
0x9: {  	[smem:$0x3F99] =	sst s1  }
0xa: {  	[smem:$0x3F9A] =	sst s2  }
0xb: {  	[smem:$0x3F9B] =	sst s3  }
0xc: {  	[smem:$0x3F9C] =	sst s4  }
0xd: {  	[smem:$0x3F9D] =	sst s5  }
0xe: {  	[smem:$0x3F9E] =	sst s6  }
0xf: {  	[smem:$0x3F9F] =	sst s7  }
0x10: {  	[smem:$0x3FA0] =	sst s8  }
0x11: {  	[smem:$0x3FA1] =	sst s9;
	s0 =	simm.s32 @!p0 $0x0  }
0x12: {  	s1 =	sld [smem:$0x3F87];
	s0 =	simm.s32 @p0 $0x1  }
0x13: {  	[smem:$0x3FA2] =	sst s0;
	s0 =	simm.s32 @!p1 $0x0  }
0x14: {  	s2 =	sld [smem:$0x3F86];
	s0 =	simm.s32 @p1 $0x1  }
0x15: {  	[smem:$0x3FA3] =	sst s0;
	s0 =	simm.s32 @!p2 $0x0  }
0x16: {  	s3 =	sld [smem:$0x3FDB];
	s0 =	simm.s32 @p2 $0x1  }
0x17: {  	s4 =	simm.s32 $0x1BF5;
	[smem:$0x3FA5] =	sst s0  }
0x18: {  	s0 =	sld [smem:$0x3F88];
	_ =	swait.ge [sflag:s4], $0x0  }
0x19: {  	s7 =	sld [smem:$0x3F89]  }
0x1a: {  	s8 =	sadd.s32 $0xFFFFE003, lr  }
0x1b: {  	s9 =	sadd.s32 $0xFFFFFEF7, lr;
	s5 =	simm.s32 $0xFFFFFFFF;
	p2 =	slt.u32 s8, $0xFFFFF086  }
0x1c: {  	p1 =	slt.u32 s9, $0xF7A;
	s5 =	simm.s32 @!p2 $0x0  }
0x1d: {  	s5 =	simm.s32 @p1 $0x1;
	p0 =	seq.s32 s7, s2  }
0x1e: {  	s7 =	smul.u32 @!p0 $0xF7A, s2;
	p2 =	seq.s32 @!p0 s5, $0x0  }
0x1f: {  	s9 =	smul.u32 $0xF7A, s1;
	s8 =	simm.s32 @!p0 $0x1BF5;
	p2 =	por !p2, p0  }
0x20: {  	[sflag:s8] =	ssyncset.s32 @!p0 $0xFFFFF086;
	s6 =	sadd.s32 @!p0 s3, s7;
	s7 =	simm.s32 @!p0 $0x108  }
0x21: {  	s3 =	sadd.s32 s3, s9;
	s6 =	sadd.s32 @!p0 $0x88, s6;
	s7 =	simm.s32 @p2 $0x1082  }
0x22: {  	[simem:s7], [sflag:s8] =	dma.local @!p0 [hbm:s6], $0xF7A  }
0x23: {  	s9 =	sor.u32 $0xD0000000, s2;
	s6 =	simm.s32 $0x108;
	_ =	swait.ge @!p0 [sflag:s8], $0x0  }
0x24: {  	s3 =	sadd.s32 $0x88, s3;
	s6 =	simm.s32 @!p1 $0x1082;
	[sflag:s4] =	ssyncset.s32 $0xFFFFF086  }
0x25: {  	[simem:s6], [sflag:s4] =	dma.local [hbm:s3], $0xF7A  }
0x26: {  	[smem:$0x3F89] =	sst s1;
	(tag) =	ssettag s2;
	_ =	strace s9  }
0x27: {  	s1 =	sld [smem:$0x3F99]  }
0x28: {  	s2 =	sld [smem:$0x3F9A]  }
0x29: {  	s4 =	sld [smem:$0x3F9C]  }
0x2a: {  	p0 =	seq.s32 s5, $0x0;
	s5 =	sld [smem:$0x3F9D]  }
0x2b: {  	s6 =	sld [smem:$0x3F9E]  }
0x2c: {  	s7 =	sld [smem:$0x3F9F]  }
0x2d: {  	s3 =	simm.s32 $0x108;
	s8 =	sld [smem:$0x3FA0]  }
0x2e: {  	s3 =	simm.s32 @!p0 $0x1082;
	s9 =	sld [smem:$0x3FA1]  }
0x2f: {  	lr =	sadd.s32 s0, s3;
	s0 =	sld [smem:$0x3F98]  }
0x30: {  	s3 =	sld [smem:$0x3F9B]  }
0x31: {  	[smem:$0x3FA4] =	sst s10  }
0x32: {  	s10 =	sld [smem:$0x3FA2];
	_ =	sdelay $0x3  }
0x33: {  	p0 =	seq.s32 s10, $0x1;
	s10 =	sld [smem:$0x3FA4];
	_ =	sdelay $0x3  }
0x34: {  	[smem:$0x3FA4] =	sst s10  }
0x35: {  	s10 =	sld [smem:$0x3FA3];
	_ =	sdelay $0x3  }
0x36: {  	p1 =	seq.s32 s10, $0x1;
	s10 =	sld [smem:$0x3FA4];
	_ =	sdelay $0x3  }
0x37: {  	[smem:$0x3FA4] =	sst s10  }
0x38: {  	s10 =	sld [smem:$0x3FA5]  }
0x39: {  	_ = 	snop;
	(pc) =	sbr.ind lr, $3  }
0x3a: {  	_ = 	snop  }
0x3b: {  	_ = 	snop  }
0x3c: {  	p2 =	seq.s32 s10, $0x1;
	s10 =	sld [smem:$0x3FA4]  }
0x3d: {  	_ =	shalt  }
0x3e: {  	_ =	shalt  }
0x3f: {  	_ =	shalt  }
0x40: {  	_ =	shalt  }
0x41: {  	_ =	shalt  }
0x42: {  	_ =	shalt  }
0x43: {  	_ =	shalt  }
0x44: {  	_ =	shalt  }
0x45: {  	_ =	shalt  }
0x46: {  	_ =	shalt  }
0x47: {  	_ =	shalt  }
0x48: {  	_ =	shalt  }
0x49: {  	_ =	shalt  }
0x4a: {  	_ =	shalt  }
0x4b: {  	_ =	shalt  }
0x4c: {  	_ =	shalt  }
0x4d: {  	_ =	shalt  }
0x4e: {  	_ =	shalt  }
0x4f: {  	_ =	shalt  }
0x50: {  	_ =	shalt  }
0x51: {  	_ =	shalt  }
0x52: {  	_ =	shalt  }
0x53: {  	_ =	shalt  }
0x54: {  	_ =	shalt  }
0x55: {  	_ =	shalt  }
0x56: {  	_ =	shalt  }
0x57: {  	_ =	shalt  }
0x58: {  	_ =	shalt  }
0x59: {  	_ =	shalt  }
0x5a: {  	_ =	shalt  }
0x5b: {  	_ =	shalt  }
0x5c: {  	_ =	shalt  }
0x5d: {  	_ =	shalt  }
0x5e: {  	_ =	shalt  }
0x5f: {  	_ =	shalt  }
0x60: {  	_ =	shalt  }
0x61: {  	_ =	shalt  }
0x62: {  	_ =	shalt  }
0x63: {  	_ =	shalt  }
0x64: {  	_ =	shalt  }
0x65: {  	_ =	shalt  }
0x66: {  	_ =	shalt  }
0x67: {  	_ =	shalt  }
0x68: {  	_ =	shalt  }
0x69: {  	_ =	shalt  }
0x6a: {  	_ =	shalt  }
0x6b: {  	_ =	shalt  }
0x6c: {  	_ =	shalt  }
0x6d: {  	_ =	shalt  }
0x6e: {  	_ =	shalt  }
0x6f: {  	_ =	shalt  }
0x70: {  	_ =	shalt  }
0x71: {  	_ =	shalt  }
0x72: {  	_ =	shalt  }
0x73: {  	_ =	shalt  }
0x74: {  	_ =	shalt  }
0x75: {  	_ =	shalt  }
0x76: {  	_ =	shalt  }
0x77: {  	_ =	shalt  }
0x78: {  	_ =	shalt  }
0x79: {  	_ =	shalt  }
0x7a: {  	_ =	shalt  }
0x7b: {  	_ =	shalt  }
0x7c: {  	_ =	shalt  }
0x7d: {  	_ =	shalt  }
0x7e: {  	_ =	shalt  }
0x7f: {  	_ =	shalt  }
0x80: {  	_ =	shalt  }
0x81: {  	_ =	shalt  }
0x82: {  	_ =	shalt  }
0x83: {  	_ =	shalt  }
0x84: {  	_ =	shalt  }
0x85: {  	_ =	shalt  }
0x86: {  	_ =	shalt  }
0x87: {  	_ =	shalt  }
.Lfunc_end0:
.L_simem_size_0:
called_computation.5_lowered:
.L_overlay_start_0:
0x88: {  	s2 =	sld [smem:$0x3FD9]  }
0x89: {  	s3 =	sld [smem:$0x3FFE];
	_ =	sdelay $0x1  }
0x8a: {  	s1 =	srdreg.scid  }
0x8b: {  	s0 =	sand.u32 $0x1, s1  }
0x8c: {  	s16 =	sshll.u32 s0, $0xA;
	s2 =	sadd.s32 s3, s2  }
0x8d: {  	s2 =	sadd.s32 s2, s16  }
0x8e: {  	[smem:$0x3FB0] =	sst s2  }
0x8f: {  	_ = 	snop  }
0x90: {  	(tm) =	ssettm $0x1  }
0x91: {  	s17 =	sld [smem:$0x3FFB];
	_ =	sdelay $0x3  }
0x92: {  	_ =	strace s17  }
0x93: {  	s2 =	sld [smem:$0x3FFC];
	_ =	sdelay $0x3  }
0x94: {  	_ =	strace s2  }
0x95: {  	s2 =	sld [smem:$0x3FFD];
	_ =	sdelay $0x3  }
0x96: {  	_ =	strace s2  }
0x97: {  	_ =	strace $0x8FFFFFFF  }
0x98: {  	s18 =	sld [smem:$0x3FDB];
	_ =	sdelay $0x1  }
0x99: {  	s19 =	simm.s32 $_scs_section_size  }
0x9a: {  	s4 =	simm.s32 $_size__tile_overlayer_lowered;
	s5 =	simm.s32 $_tile_overlayer_lowered  }
0x9b: {  	s22 =	simm.s32 $0x1BFF;
	s21 =	sshll.u32 s5, $0x1;
	s2 =	sadd.s32 s19, s18  }
0x9c: {  	s6 =	simm.s32 $0x0;
	s20 =	sshll.u32 s4, $0x1;
	s4 =	sadd.s32 s21, s2  }
0x9d: {  	[timem:s6], [sflag:s22] =	dma.local [hbm:s4], s20  }
0x9e: {  	_ =	swait.ge [sflag:s22], s20  }
0x9f: {  	s3 =	ssub.s32 $0x0, s20;
	[sflag:s22] =	ssyncset.done $0x0  }
0xa0: {  	[sflag:s22] =	ssyncadd.s32 s3;
	_ =	sdelay $0x1  }
0xa1: {  	s23 =	simm.s32 $0x1B8B  }
0xa2: {  	_ =	swait.ge [sflag:s23], $0x1  }
0xa3: {  	[sflag:s23] =	ssyncset.done $0x0  }
0xa4: {  	s25 =	simm.s32 $0x1B8E;
	s24 =	sld [smem:$0x3FFE];
	[sflag:s23] =	ssyncadd.s32 $0xFFFFFFFF  }
0xa5: {  	s26 =	simm.s32 $execute0_lowered;
	[smem:$0x3FD2] =	sst s25  }
0xa6: {  	s4 =	sshll.u32 s26, $0x1;
	_ =	strace $0x80000052;
	[dreg:$0x1] =	wrdreg $0xFFFFFFFF  }
0xa7: {  	s28 =	simm.s32 $_size_execute0_lowered;
	s2 =	sadd.s32 s2, s4;
	[dreg:$0x0] =	wrdreg $0x0  }
0xa8: {  	s4 =	sshll.u32 s28, $0x1;
	[dreg:$0x2] =	wrdreg s2  }
0xa9: {  	[dreg:$0x3] =	wrdreg s4  }
0xaa: {  	[dreg:$0x4] =	wrdreg $0xC0  }
0xab: {  	_ =	task [dreg:s6], $0x5FFFF  }
0xac: {  	[dreg:$0x1] =	wrdreg $0xFFFFFFFF  }
0xad: {  	[dreg:$0x0] =	wrdreg $0x60  }
0xae: {  	[dreg:$0x2] =	wrdreg s24  }
0xaf: {  	[dreg:$0x3] =	wrdreg $0x40800  }
0xb0: {  	[dreg:$0x4] =	wrdreg $0xA  }
0xb1: {  	_ =	task.clear_ibuf [dreg:s6], $0x5FFFF;
	_ =	strace $0x90000052  }
0xb2: {  	s29 =	simm.s32 $0xA;
	_ =	strace $0x80000054  }
0xb3: {  	_ =	swait.ge [sflag:s29], $0x1  }
0xb4: {  	[sflag:s29] =	ssyncadd.s32 $0xFFFFFFFF  }
0xb5: {  	_ =	strace $0x90000054  }
0xb6: {  	_ =	sfence  }
0xb7: {  	s30 =	sld [smem:$0x0];
	_ =	sdelay $0x2  }
0xb8: {  	s31 =	sshll.u32 s1, $0xD;
	s1 =	sshrl.u32 s1, $0x2  }
0xb9: {  	s3 =	sand.u32 $0x4000, s31;
	s1 =	sadd.s32 s1, s30  }
0xba: {  	s0 =	sor.u32 s3, s0;
	s1 =	sshll.u32 s1, $0x11  }
0xbb: {  	s0 =	sor.u32 s1, s0  }
0xbc: {  	s0 =	sadd.s32 $0x8F2B, s0  }
0xbd: {  	[sflag:s0] =	ssyncadd.remote.s32 $0x1  }
0xbe: {  	_ =	sfence.sel $0xFFFF  }
0xbf: {  	[dreg:$0x0] =	wrdreg $0xFFFFFFFF;
	(pc) =	sbr.abs _section_cstart, $3  }
0xc0: {  	[dreg:$0x1] =	wrdreg $0xFFFFFFFF  }
0xc1: {  	_ =	task.clear_ibuf [dreg:s6], $0x2FFFF;
	_ =	strace $0x9FFFFFFF  }
0xc2: {  	(tm) =	ssettm $0x7FFFFFFF  }
0xc3: {  	_ =	shalt  }
tec
execute0_lowered:
.L_overlay_start_1:
0x0: {  	(tag) =	ssettag $0x1  }
0x1: {  	s0 =	stileid.u32  }
0x2: {  	s6 =	smul.u32 $0x2800, s0  }
0x3: {  	s1 =	srdreg.scid;
	s8 =	smul.u32 $0x13C00, s0  }
0x4: {  	s4 =	rddreg [dreg:$0x0];
	s23 =	smul.u32 $0x28000, s0  }
0x5: {  	s2 =	rddreg [dreg:$0x1];
	s5 =	sand.u32 $0x1, s1;
	s12 =	smul.u32 $0x4F000, s0  }
0x6: {  	s3 =	simm.s32 $0x0;
	s1 =	rddreg [dreg:$0x2];
	s7 =	smul.u32 $0x1400, s5  }
0x7: {  	[smem:$0x7FF] =	sst s3;
	s29 =	sshll.u32 s0, $0x6;
	s9 =	smul.u32 $0x13C000, s5  }
0x8: {  	_ =	strace $0x80000053;
	s24 =	ssub.s32 $0x2, s5;
	s30 =	smul.u32 $0x14000, s5  }
0x9: {  	s5 =	sor.u32 $0x1C01, s29;
	s22 =	sshrl.u32 s8, $0x3;
	s11 =	sshrl.u32 s24, $0x1  }
0xa: {  	s13 =	sadd.s32 s23, s4;
	s28 =	sshrl.u32 s12, $0x2;
	s6 =	sadd.s32 s7, s6  }
0xb: {  	s7 =	sadd.s32 s22, s4;
	s8 =	sadd.s32 s8, s9;
	s26 =	ssub.s32 s24, s11  }
0xc: {  	s12 =	sadd.s32 s28, s2;
	s31 =	sadd.s32 s30, s13;
	s11 =	simm.s32 $0x1  }
0xd: {  	s13 =	simm.s32 $0x0;
	s6 =	sshrl.u32 s6, $0x3;
	s8 =	sshrl.u32 s8, $0x3  }
0xe: {  	s10 =	sadd.s32 s6, s4;
	s25 =	sadd.s32 s8, s4;
	s4 =	sadd.s32 $0x18200, s7  }
0xf: {  	s7 =	smax.u32 s26, $0x1;
	s8 =	sadd.s32 $0xA67200, s31;
	s6 =	sadd.s32 $0x3FA00, s25  }
0x10: {  	s9 =	sadd.s32 $0x9200, s10;
	s10 =	sshrl.u32 s12, $0x3;
	s12 =	simm.s32 $0x80  }
.LBB2_1:
0x11: {  	[spmem:s10], [sflag:s5] =	dma.local [hbm:s4], $0x2780  }
0x12: {  	_ =	swait.ge [sflag:s11], $0x2780  }
0x13: {  	[sflag:s11] =	ssyncset.done $0x0  }
0x14: {  	[sflag:s11] =	ssyncadd.s32 $0xFFFFD880  }
0x15: {  	s14 =	sadd.s32 $0x0, s9;
	[bflag:$0x0] =	sbarrier.arrive $0xFFFF  }
0x16: {  	[tilespmem:s3], [sflag:$0x1] =	stream.linear.gather [hbm4b:s14+s3], $0x80, $0x38;
	[tilespmem:$0x17C80] =	vst v63  }
0x17: {  	_ =	swait.ge [sflag:s11], $0x80  }
0x18: {  	[sflag:s11] =	ssyncset.done $0x0  }
0x19: {  	[sflag:s11] =	ssyncadd.s32 $0xFFFFFF80  }
0x1a: {  	[tilespmem:s12], [sflag:$0x1] =	stream.linear.gather [hbm4b:s8+s3], $0x4000, $0x38;
	[tilespmem:$0x17C80] =	vst v63  }
0x1b: {  	_ =	swait.ge [sflag:s11], $0x4000  }
0x1c: {  	[sflag:s11] =	ssyncset.done $0x0  }
0x1d: {  	[sflag:s11] =	ssyncadd.s32 $0xFFFFC000  }
0x1e: {  	[spmem:s2] =	stream.indirect.scatter.add.f32 [tilespmem:s12], [sflag:$0x1], $0x80, s3, s12, $0xb8;
	[tilespmem:$0x17C80] =	vst v63  }
0x1f: {  	s15 =	simm.s32 $0x10;
	_ =	swait.ge [sflag:s11], $0x4000  }
0x20: {  	s16 =	simm.s32 $0x20;
	s14 =	sadd.s32 $0x800, s8;
	[sflag:s11] =	ssyncset.done $0x0  }
.LBB2_2:
0x21: {  	s17 =	sadd.s32 s15, s9  }
0x22: {  	[sflag:s11] =	ssyncadd.s32 $0xFFFFC000;
	s15 =	smov.u32 s16;
	s18 =	sadd.s32 $0x10, s16  }
0x23: {  	[tilespmem:s3], [sflag:$0x1] =	stream.linear.gather [hbm4b:s17+s3], $0x80, $0x38;
	[tilespmem:$0x17C80] =	vst v63  }
0x24: {  	p0 =	sne.s32 s16, $0x270;
	_ =	swait.ge [sflag:s11], $0x80  }
0x25: {  	[sflag:s11] =	ssyncset.done $0x0  }
0x26: {  	[sflag:s11] =	ssyncadd.s32 $0xFFFFFF80  }
0x27: {  	[tilespmem:s12], [sflag:$0x1] =	stream.linear.gather [hbm4b:s14+s3], $0x4000, $0x38;
	[tilespmem:$0x17C80] =	vst v63  }
0x28: {  	_ =	swait.ge [sflag:s11], $0x4000  }
.Ltmp0:
0x29: {  	[sflag:s11] =	ssyncset.done $0x0;
	(pc) =	sbr.rel @p0 .LBB2_2-.Ltmp0, $4  }
0x2a: {  	[sflag:s11] =	ssyncadd.s32 $0xFFFFC000  }
0x2b: {  	[spmem:s2] =	stream.indirect.scatter.add.f32 [tilespmem:s12], [sflag:$0x1], $0x80, s3, s12, $0xb8;
	[tilespmem:$0x17C80] =	vst v63  }
0x2c: {  	_ =	swait.ge [sflag:s11], $0x4000  }
0x2d: {  	s16 =	smov.u32 s18;
	s14 =	sadd.s32 $0x800, s14;
	[sflag:s11] =	ssyncset.done $0x0  }
0x2e: {  	s15 =	sadd.s32 s15, s9;
	[sflag:s11] =	ssyncadd.s32 $0xFFFFC000  }
0x2f: {  	[tilespmem:s3], [sflag:$0x1] =	stream.linear.gather [hbm4b:s15+s3], $0x80, $0x38;
	[tilespmem:$0x17C80] =	vst v63  }
0x30: {  	_ =	swait.ge [sflag:s11], $0x80  }
0x31: {  	[sflag:s11] =	ssyncset.done $0x0  }
0x32: {  	[sflag:s11] =	ssyncadd.s32 $0xFFFFFF80  }
0x33: {  	[tilespmem:s12], [sflag:$0x1] =	stream.linear.gather [hbm4b:s14+s3], $0x4000, $0x38;
	[tilespmem:$0x17C80] =	vst v63  }
0x34: {  	_ =	swait.ge [sflag:s11], $0x4000  }
0x35: {  	[sflag:s11] =	ssyncset.done $0x0  }
0x36: {  	[sflag:s11] =	ssyncadd.s32 $0xFFFFC000  }
0x37: {  	[spmem:s2] =	stream.indirect.scatter.add.f32 [tilespmem:s12], [sflag:$0x1], $0x80, s3, s12, $0xb8;
	[tilespmem:$0x17C80] =	vst v63  }
0x38: {  	_ =	swait.ge [sflag:s11], $0x4000  }
0x39: {  	s13 =	sadd.s32 $0x1, s13;
	[sflag:s11] =	ssyncset.done $0x0  }
0x3a: {  	p0 =	sne.s32 s13, s7;
	[sflag:s11] =	ssyncadd.s32 $0xFFFFC000  }
.Ltmp1:
0x3b: {  	[bflag:$0x0] =	sbarrier.arrive $0xFFFF;
	(pc) =	sbr.rel @p0 .LBB2_1-.Ltmp1, $4  }
0x3c: {  	[hbm:s6], [sflag:s5] =	dma.local [spmem:s10], $0x2780  }
0x3d: {  	_ =	swait.ge [sflag:s11], $0x2780  }
0x3e: {  	[sflag:s11] =	ssyncset.done $0x0  }
0x3f: {  	[sflag:s11] =	ssyncadd.s32 $0xFFFFD880  }
0x40: {  	_ =	sfence.sel $0x180000  }
0x41: {  	[bflag:$0x0] =	sbarrier.arrive $0xFFFF  }
0x42: {  	p0 =	sne.s32 s0, $0x0;
	_ =	strace $0x90000053  }
0x43: {  	s0 =	sadd.s32 @!p0 $0x100000, s1;
	[bflag:$0x2] =	sbarrier.arrive $0xFFFF  }
0x44: {  	[sflag:s0] =	ssyncadd.tile.s32 @!p0 $0x1;
	_ =	shalt  }
.Lfunc_end2:
_tile_overlayer_lowered:
.L_overlay_start_2:
0x45: {  	(tag) =	ssettag $0x2  }
0x46: {  	s0 =	rddreg [dreg:$0x0];
	s2 =	stileid.u32  }
0x47: {  	s1 =	rddreg [dreg:$0x1];
	p0 =	sne.s32 s2, $0x0  }
0x48: {  	s3 =	rddreg [dreg:$0x2];
	[bflag:$0x3] =	sbarrier.arrive $0xFFFF;
	s2 =	simm.s32 @!p0 $0x1C01  }
0x49: {  	[timem:s3], [sflag:s2] =	dma.local @!p0 [hbm:s0], s1  }
0x4a: {  	s0 =	simm.s32 @!p0 $0x1  }
0x4b: {  	_ =	swait.ge @!p0 [sflag:s0], s1  }
0x4c: {  	s1 =	ssub.s32 @!p0 $0x0, s1;
	[sflag:s0] =	ssyncset.done @!p0 $0x0  }
0x4d: {  	[sflag:s0] =	ssyncadd.s32 @!p0 s1  }
0x4e: {  	[bflag:$0x3] =	sbarrier.arrive $0xFFFF  }
0x4f: {  	_ =	shalt  }

// kernel: kernel.39.cloned.1.call-start
scs
__scs_entry_jumppad:
0x0: {  	(pc) =	sbr.rel $0x88, $3  }
0x1: {  	(tag) =	ssettag $0x0;
	lr =	simm.s32 $0x1  }
0x2: {  	[smem:$0x3F89] =	sst lr;
	_ =	strace $0xD0000000  }
0x3: {  	_ = 	snop  }
0x4: {  	_ = 	snop  }
0x5: {  	_ = 	snop  }
0x6: {  	_ = 	snop  }
0x7: {  	_ = 	snop  }
__scs_overlays_trampoline_lowered:
0x8: {  	[smem:$0x3F98] =	sst s0  }
0x9: {  	[smem:$0x3F99] =	sst s1  }
0xa: {  	[smem:$0x3F9A] =	sst s2  }
0xb: {  	[smem:$0x3F9B] =	sst s3  }
0xc: {  	[smem:$0x3F9C] =	sst s4  }
0xd: {  	[smem:$0x3F9D] =	sst s5  }
0xe: {  	[smem:$0x3F9E] =	sst s6  }
0xf: {  	[smem:$0x3F9F] =	sst s7  }
0x10: {  	[smem:$0x3FA0] =	sst s8  }
0x11: {  	[smem:$0x3FA1] =	sst s9;
	s0 =	simm.s32 @!p0 $0x0  }
0x12: {  	s1 =	sld [smem:$0x3F87];
	s0 =	simm.s32 @p0 $0x1  }
0x13: {  	[smem:$0x3FA2] =	sst s0;
	s0 =	simm.s32 @!p1 $0x0  }
0x14: {  	s2 =	sld [smem:$0x3F86];
	s0 =	simm.s32 @p1 $0x1  }
0x15: {  	[smem:$0x3FA3] =	sst s0;
	s0 =	simm.s32 @!p2 $0x0  }
0x16: {  	s3 =	sld [smem:$0x3FDB];
	s0 =	simm.s32 @p2 $0x1  }
0x17: {  	s4 =	simm.s32 $0x1BF5;
	[smem:$0x3FA5] =	sst s0  }
0x18: {  	s0 =	sld [smem:$0x3F88];
	_ =	swait.ge [sflag:s4], $0x0  }
0x19: {  	s7 =	sld [smem:$0x3F89]  }
0x1a: {  	s8 =	sadd.s32 $0xFFFFE003, lr  }
0x1b: {  	s9 =	sadd.s32 $0xFFFFFEF7, lr;
	s5 =	simm.s32 $0xFFFFFFFF;
	p2 =	slt.u32 s8, $0xFFFFF086  }
0x1c: {  	p1 =	slt.u32 s9, $0xF7A;
	s5 =	simm.s32 @!p2 $0x0  }
0x1d: {  	s5 =	simm.s32 @p1 $0x1;
	p0 =	seq.s32 s7, s2  }
0x1e: {  	s7 =	smul.u32 @!p0 $0xF7A, s2;
	p2 =	seq.s32 @!p0 s5, $0x0  }
0x1f: {  	s9 =	smul.u32 $0xF7A, s1;
	s8 =	simm.s32 @!p0 $0x1BF5;
	p2 =	por !p2, p0  }
0x20: {  	[sflag:s8] =	ssyncset.s32 @!p0 $0xFFFFF086;
	s6 =	sadd.s32 @!p0 s3, s7;
	s7 =	simm.s32 @!p0 $0x108  }
0x21: {  	s3 =	sadd.s32 s3, s9;
	s6 =	sadd.s32 @!p0 $0x88, s6;
	s7 =	simm.s32 @p2 $0x1082  }
0x22: {  	[simem:s7], [sflag:s8] =	dma.local @!p0 [hbm:s6], $0xF7A  }
0x23: {  	s9 =	sor.u32 $0xD0000000, s2;
	s6 =	simm.s32 $0x108;
	_ =	swait.ge @!p0 [sflag:s8], $0x0  }
0x24: {  	s3 =	sadd.s32 $0x88, s3;
	s6 =	simm.s32 @!p1 $0x1082;
	[sflag:s4] =	ssyncset.s32 $0xFFFFF086  }
0x25: {  	[simem:s6], [sflag:s4] =	dma.local [hbm:s3], $0xF7A  }
0x26: {  	[smem:$0x3F89] =	sst s1;
	(tag) =	ssettag s2;
	_ =	strace s9  }
0x27: {  	s1 =	sld [smem:$0x3F99]  }
0x28: {  	s2 =	sld [smem:$0x3F9A]  }
0x29: {  	s4 =	sld [smem:$0x3F9C]  }
0x2a: {  	p0 =	seq.s32 s5, $0x0;
	s5 =	sld [smem:$0x3F9D]  }
0x2b: {  	s6 =	sld [smem:$0x3F9E]  }
0x2c: {  	s7 =	sld [smem:$0x3F9F]  }
0x2d: {  	s3 =	simm.s32 $0x108;
	s8 =	sld [smem:$0x3FA0]  }
0x2e: {  	s3 =	simm.s32 @!p0 $0x1082;
	s9 =	sld [smem:$0x3FA1]  }
0x2f: {  	lr =	sadd.s32 s0, s3;
	s0 =	sld [smem:$0x3F98]  }
0x30: {  	s3 =	sld [smem:$0x3F9B]  }
0x31: {  	[smem:$0x3FA4] =	sst s10  }
0x32: {  	s10 =	sld [smem:$0x3FA2];
	_ =	sdelay $0x3  }
0x33: {  	p0 =	seq.s32 s10, $0x1;
	s10 =	sld [smem:$0x3FA4];
	_ =	sdelay $0x3  }
0x34: {  	[smem:$0x3FA4] =	sst s10  }
0x35: {  	s10 =	sld [smem:$0x3FA3];
	_ =	sdelay $0x3  }
0x36: {  	p1 =	seq.s32 s10, $0x1;
	s10 =	sld [smem:$0x3FA4];
	_ =	sdelay $0x3  }
0x37: {  	[smem:$0x3FA4] =	sst s10  }
0x38: {  	s10 =	sld [smem:$0x3FA5]  }
0x39: {  	_ = 	snop;
	(pc) =	sbr.ind lr, $3  }
0x3a: {  	_ = 	snop  }
0x3b: {  	_ = 	snop  }
0x3c: {  	p2 =	seq.s32 s10, $0x1;
	s10 =	sld [smem:$0x3FA4]  }
0x3d: {  	_ =	shalt  }
0x3e: {  	_ =	shalt  }
0x3f: {  	_ =	shalt  }
0x40: {  	_ =	shalt  }
0x41: {  	_ =	shalt  }
0x42: {  	_ =	shalt  }
0x43: {  	_ =	shalt  }
0x44: {  	_ =	shalt  }
0x45: {  	_ =	shalt  }
0x46: {  	_ =	shalt  }
0x47: {  	_ =	shalt  }
0x48: {  	_ =	shalt  }
0x49: {  	_ =	shalt  }
0x4a: {  	_ =	shalt  }
0x4b: {  	_ =	shalt  }
0x4c: {  	_ =	shalt  }
0x4d: {  	_ =	shalt  }
0x4e: {  	_ =	shalt  }
0x4f: {  	_ =	shalt  }
0x50: {  	_ =	shalt  }
0x51: {  	_ =	shalt  }
0x52: {  	_ =	shalt  }
0x53: {  	_ =	shalt  }
0x54: {  	_ =	shalt  }
0x55: {  	_ =	shalt  }
0x56: {  	_ =	shalt  }
0x57: {  	_ =	shalt  }
0x58: {  	_ =	shalt  }
0x59: {  	_ =	shalt  }
0x5a: {  	_ =	shalt  }
0x5b: {  	_ =	shalt  }
0x5c: {  	_ =	shalt  }
0x5d: {  	_ =	shalt  }
0x5e: {  	_ =	shalt  }
0x5f: {  	_ =	shalt  }
0x60: {  	_ =	shalt  }
0x61: {  	_ =	shalt  }
0x62: {  	_ =	shalt  }
0x63: {  	_ =	shalt  }
0x64: {  	_ =	shalt  }
0x65: {  	_ =	shalt  }
0x66: {  	_ =	shalt  }
0x67: {  	_ =	shalt  }
0x68: {  	_ =	shalt  }
0x69: {  	_ =	shalt  }
0x6a: {  	_ =	shalt  }
0x6b: {  	_ =	shalt  }
0x6c: {  	_ =	shalt  }
0x6d: {  	_ =	shalt  }
0x6e: {  	_ =	shalt  }
0x6f: {  	_ =	shalt  }
0x70: {  	_ =	shalt  }
0x71: {  	_ =	shalt  }
0x72: {  	_ =	shalt  }
0x73: {  	_ =	shalt  }
0x74: {  	_ =	shalt  }
0x75: {  	_ =	shalt  }
0x76: {  	_ =	shalt  }
0x77: {  	_ =	shalt  }
0x78: {  	_ =	shalt  }
0x79: {  	_ =	shalt  }
0x7a: {  	_ =	shalt  }
0x7b: {  	_ =	shalt  }
0x7c: {  	_ =	shalt  }
0x7d: {  	_ =	shalt  }
0x7e: {  	_ =	shalt  }
0x7f: {  	_ =	shalt  }
0x80: {  	_ =	shalt  }
0x81: {  	_ =	shalt  }
0x82: {  	_ =	shalt  }
0x83: {  	_ =	shalt  }
0x84: {  	_ =	shalt  }
0x85: {  	_ =	shalt  }
0x86: {  	_ =	shalt  }
0x87: {  	_ =	shalt  }
.Lfunc_end0:
.L_simem_size_0:
called_computation.6_lowered:
.L_overlay_start_0:
0x88: {  	s2 =	sld [smem:$0x3FD9]  }
0x89: {  	s3 =	sld [smem:$0x3FFE];
	_ =	sdelay $0x1  }
0x8a: {  	s1 =	srdreg.scid  }
0x8b: {  	s0 =	sand.u32 $0x1, s1  }
0x8c: {  	s17 =	sshll.u32 s0, $0xA;
	s2 =	sadd.s32 s3, s2  }
0x8d: {  	s2 =	sadd.s32 s2, s17  }
0x8e: {  	[smem:$0x3FB0] =	sst s2  }
0x8f: {  	_ = 	snop  }
0x90: {  	s2 =	sld [smem:$0x3FD0];
	(tm) =	ssettm $0x1  }
0x91: {  	s18 =	sld [smem:$0x3FFB];
	_ =	sdelay $0x3  }
0x92: {  	_ =	strace s18  }
0x93: {  	s3 =	sld [smem:$0x3FFC];
	_ =	sdelay $0x3  }
0x94: {  	_ =	strace s3  }
0x95: {  	s3 =	sld [smem:$0x3FFD];
	_ =	sdelay $0x3  }
0x96: {  	_ =	strace s3  }
0x97: {  	_ =	strace $0x8FFFFFFF  }
0x98: {  	s19 =	sld [smem:$0x3FDB];
	_ =	sdelay $0x1  }
0x99: {  	s4 =	simm.s32 $_scs_section_size  }
0x9a: {  	s5 =	simm.s32 $_size__tile_overlayer_lowered;
	s6 =	simm.s32 $_tile_overlayer_lowered  }
0x9b: {  	s22 =	simm.s32 $0x1BFF;
	s21 =	sshll.u32 s6, $0x1;
	s3 =	sadd.s32 s4, s19  }
0x9c: {  	s7 =	simm.s32 $0x0;
	s20 =	sshll.u32 s5, $0x1;
	s5 =	sadd.s32 s21, s3  }
0x9d: {  	[timem:s7], [sflag:s22] =	dma.local [hbm:s5], s20  }
0x9e: {  	_ =	swait.ge [sflag:s22], s20  }
0x9f: {  	s4 =	ssub.s32 $0x0, s20;
	[sflag:s22] =	ssyncset.done $0x0  }
0xa0: {  	[sflag:s22] =	ssyncadd.s32 s4;
	_ =	sdelay $0x1  }
0xa1: {  	s23 =	simm.s32 $0x1B8B  }
0xa2: {  	_ =	swait.ge [sflag:s23], $0x1  }
0xa3: {  	[sflag:s23] =	ssyncset.done $0x0  }
0xa4: {  	s25 =	simm.s32 $0x1B8E;
	s24 =	sld [smem:$0x3FFE];
	[sflag:s23] =	ssyncadd.s32 $0xFFFFFFFF  }
0xa5: {  	s26 =	simm.s32 $execute0_lowered;
	[smem:$0x3FD2] =	sst s25  }
0xa6: {  	s5 =	sshll.u32 s26, $0x1;
	_ =	strace $0x80000058;
	[dreg:$0x1] =	wrdreg $0xFFFFFFFF  }
0xa7: {  	s28 =	simm.s32 $_size_execute0_lowered;
	s3 =	sadd.s32 s3, s5;
	[dreg:$0x0] =	wrdreg $0x0  }
0xa8: {  	s5 =	sshll.u32 s28, $0x1;
	[dreg:$0x2] =	wrdreg s3  }
0xa9: {  	[dreg:$0x3] =	wrdreg s5  }
0xaa: {  	[dreg:$0x4] =	wrdreg $0xC0  }
0xab: {  	_ =	task [dreg:s7], $0x5FFFF  }
0xac: {  	[dreg:$0x1] =	wrdreg $0xFFFFFFFF  }
0xad: {  	[dreg:$0x0] =	wrdreg $0x60  }
0xae: {  	[dreg:$0x2] =	wrdreg s24  }
0xaf: {  	[dreg:$0x3] =	wrdreg s2  }
0xb0: {  	[dreg:$0x4] =	wrdreg $0x9  }
0xb1: {  	_ =	task.clear_ibuf [dreg:s7], $0x5FFFF;
	_ =	strace $0x90000058  }
0xb2: {  	s29 =	simm.s32 $0x9;
	_ =	strace $0x8000005A  }
0xb3: {  	_ =	swait.ge [sflag:s29], $0x1  }
0xb4: {  	[sflag:s29] =	ssyncadd.s32 $0xFFFFFFFF  }
0xb5: {  	_ =	strace $0x9000005A  }
0xb6: {  	_ =	sfence  }
0xb7: {  	s30 =	sld [smem:$0x0];
	_ =	sdelay $0x2  }
0xb8: {  	s31 =	sshll.u32 s1, $0xD;
	s1 =	sshrl.u32 s1, $0x2  }
0xb9: {  	s3 =	sand.u32 $0x4000, s31;
	s1 =	sadd.s32 s1, s30  }
0xba: {  	s0 =	sor.u32 s3, s0;
	s1 =	sshll.u32 s1, $0x11  }
0xbb: {  	s0 =	sor.u32 s1, s0  }
0xbc: {  	s0 =	sadd.s32 $0x8F2B, s0  }
0xbd: {  	[sflag:s0] =	ssyncadd.remote.s32 $0x1  }
0xbe: {  	_ =	sfence.sel $0xFFFF  }
0xbf: {  	[dreg:$0x0] =	wrdreg $0xFFFFFFFF;
	(pc) =	sbr.abs _section_cstart, $3  }
0xc0: {  	[dreg:$0x1] =	wrdreg $0xFFFFFFFF  }
0xc1: {  	_ =	task.clear_ibuf [dreg:s7], $0x2FFFF;
	_ =	strace $0x9FFFFFFF  }
0xc2: {  	(tm) =	ssettm $0x7FFFFFFF  }
0xc3: {  	_ =	shalt  }
tec
execute0_lowered:
.L_overlay_start_1:
0x0: {  	(tag) =	ssettag $0x1  }
0x1: {  	s4 =	rddreg [dreg:$0x0]  }
0x2: {  	s8 =	rddreg [dreg:$0x1]  }
0x3: {  	s0 =	rddreg [dreg:$0x2];
	s1 =	stileid.u32  }
0x4: {  	s3 =	srdreg.scid;
	s2 =	simm.s32 $0x0;
	s6 =	smul.u32 $0x500, s1  }
0x5: {  	s12 =	simm.s32 $0x0;
	s5 =	sand.u32 $0x1, s3;
	s9 =	smul.u32 $0x5000, s1  }
0x6: {  	[smem:$0x7FF] =	sst s2;
	s3 =	sadd.s32 $0xEC00, s4;
	s7 =	smul.u32 $0x280, s5  }
0x7: {  	_ =	strace $0x80000059;
	s28 =	ssub.s32 $0x2, s5;
	s5 =	smul.u32 $0x2800, s5  }
0x8: {  	s29 =	sadd.s32 s9, s4;
	s30 =	sshrl.u32 s28, $0x1;
	s6 =	sadd.s32 s7, s6  }
0x9: {  	s9 =	simm.s32 $0x2;
	s31 =	ssub.s32 s28, s30;
	s10 =	sshrl.u32 s6, $0x3  }
0xa: {  	s6 =	sadd.s32 s5, s29;
	s11 =	sadd.s32 s10, s4;
	s4 =	smax.u32 s31, $0x1  }
0xb: {  	s5 =	sadd.s32 $0x36400, s6;
	s6 =	sadd.s32 $0x86400, s6;
	s8 =	sadd.s32 s10, s8  }
0xc: {  	s10 =	simm.s32 $0x80;
	s7 =	sadd.s32 $0xE200, s11;
	s11 =	simm.s32 $0x1  }
.LBB2_1:
0xd: {  	s13 =	sadd.s32 $0x0, s8  }
0xe: {  	[tilespmem:s2], [sflag:$0x2] =	stream.linear.gather [hbm4b:s13+s2], $0x80, $0x38;
	[tilespmem:$0x4080] =	vst v63  }
0xf: {  	_ =	swait.ge [sflag:s9], $0x80  }
0x10: {  	[sflag:s9] =	ssyncset.done $0x0  }
0x11: {  	[sflag:s9] =	ssyncadd.s32 $0xFFFFFF80  }
0x12: {  	[tilespmem:s10], [sflag:$0x1] =	stream.indirect.gather [hbm4b:s3+s10], $0x80, s2, s10, $0xb8;
	[tilespmem:$0x4080] =	vst v63  }
0x13: {  	_ =	swait.ge [sflag:s11], $0x4000  }
0x14: {  	[sflag:s11] =	ssyncset.done $0x0  }
0x15: {  	[sflag:s11] =	ssyncadd.s32 $0xFFFFC000  }
0x16: {  	[hbm4b:s5+s2] =	stream.linear.scatter [tilespmem:s10], [sflag:$0x2], $0x4000, $0x38;
	[tilespmem:$0x4080] =	vst v63  }
0x17: {  	_ =	swait.ge [sflag:s9], $0x4000  }
0x18: {  	[sflag:s9] =	ssyncset.done $0x0  }
0x19: {  	s31 =	sadd.s32 $0x0, s7;
	[sflag:s9] =	ssyncadd.s32 $0xFFFFC000  }
0x1a: {  	[tilespmem:s2], [sflag:$0x2] =	stream.linear.gather [hbm4b:s31+s2], $0x80, $0x38;
	[tilespmem:$0x4080] =	vst v63  }
0x1b: {  	_ =	swait.ge [sflag:s9], $0x80  }
0x1c: {  	[sflag:s9] =	ssyncset.done $0x0  }
0x1d: {  	[sflag:s9] =	ssyncadd.s32 $0xFFFFFF80  }
0x1e: {  	[tilespmem:s10], [sflag:$0x1] =	stream.indirect.gather [hbm4b:s3+s10], $0x80, s2, s10, $0xb8;
	[tilespmem:$0x4080] =	vst v63  }
0x1f: {  	_ =	swait.ge [sflag:s11], $0x4000  }
0x20: {  	[sflag:s11] =	ssyncset.done $0x0  }
0x21: {  	[sflag:s11] =	ssyncadd.s32 $0xFFFFC000  }
0x22: {  	[hbm4b:s6+s2] =	stream.linear.scatter [tilespmem:s10], [sflag:$0x2], $0x4000, $0x38;
	[tilespmem:$0x4080] =	vst v63  }
0x23: {  	s14 =	simm.s32 $0x10;
	s16 =	simm.s32 $0x20;
	_ =	swait.ge [sflag:s9], $0x4000  }
0x24: {  	s15 =	sadd.s32 $0x800, s5;
	s13 =	sadd.s32 $0x800, s6;
	[sflag:s9] =	ssyncset.done $0x0  }
.LBB2_2:
0x25: {  	s17 =	sadd.s32 s14, s8  }
0x26: {  	[sflag:s9] =	ssyncadd.s32 $0xFFFFC000;
	s18 =	smov.u32 s16;
	s19 =	sadd.s32 $0x10, s16  }
0x27: {  	[tilespmem:s2], [sflag:$0x2] =	stream.linear.gather [hbm4b:s17+s2], $0x80, $0x38;
	[tilespmem:$0x4080] =	vst v63  }
0x28: {  	p0 =	sne.s32 s16, $0x40;
	_ =	swait.ge [sflag:s9], $0x80  }
0x29: {  	[sflag:s9] =	ssyncset.done $0x0  }
0x2a: {  	[sflag:s9] =	ssyncadd.s32 $0xFFFFFF80  }
0x2b: {  	[tilespmem:s10], [sflag:$0x1] =	stream.indirect.gather [hbm4b:s3+s10], $0x80, s2, s10, $0xb8;
	[tilespmem:$0x4080] =	vst v63  }
0x2c: {  	_ =	swait.ge [sflag:s11], $0x4000  }
0x2d: {  	[sflag:s11] =	ssyncset.done $0x0  }
0x2e: {  	[sflag:s11] =	ssyncadd.s32 $0xFFFFC000  }
0x2f: {  	[hbm4b:s15+s2] =	stream.linear.scatter [tilespmem:s10], [sflag:$0x2], $0x4000, $0x38;
	[tilespmem:$0x4080] =	vst v63  }
0x30: {  	_ =	swait.ge [sflag:s9], $0x4000  }
0x31: {  	[sflag:s9] =	ssyncset.done $0x0  }
0x32: {  	s16 =	sadd.s32 s14, s7;
	s14 =	smov.u32 s18;
	[sflag:s9] =	ssyncadd.s32 $0xFFFFC000  }
0x33: {  	[tilespmem:s2], [sflag:$0x2] =	stream.linear.gather [hbm4b:s16+s2], $0x80, $0x38;
	[tilespmem:$0x4080] =	vst v63  }
0x34: {  	_ =	swait.ge [sflag:s9], $0x80  }
0x35: {  	[sflag:s9] =	ssyncset.done $0x0  }
0x36: {  	[sflag:s9] =	ssyncadd.s32 $0xFFFFFF80  }
0x37: {  	[tilespmem:s10], [sflag:$0x1] =	stream.indirect.gather [hbm4b:s3+s10], $0x80, s2, s10, $0xb8;
	[tilespmem:$0x4080] =	vst v63  }
0x38: {  	_ =	swait.ge [sflag:s11], $0x4000  }
.Ltmp0:
0x39: {  	[sflag:s11] =	ssyncset.done $0x0;
	(pc) =	sbr.rel @p0 .LBB2_2-.Ltmp0, $4  }
0x3a: {  	[sflag:s11] =	ssyncadd.s32 $0xFFFFC000  }
0x3b: {  	[hbm4b:s13+s2] =	stream.linear.scatter [tilespmem:s10], [sflag:$0x2], $0x4000, $0x38;
	[tilespmem:$0x4080] =	vst v63  }
0x3c: {  	s15 =	sadd.s32 $0x800, s15;
	_ =	swait.ge [sflag:s9], $0x4000  }
0x3d: {  	s16 =	smov.u32 s19;
	s13 =	sadd.s32 $0x800, s13;
	[sflag:s9] =	ssyncset.done $0x0  }
0x3e: {  	s16 =	sadd.s32 s14, s8;
	[sflag:s9] =	ssyncadd.s32 $0xFFFFC000  }
0x3f: {  	[tilespmem:s2], [sflag:$0x2] =	stream.linear.gather [hbm4b:s16+s2], $0x80, $0x38;
	[tilespmem:$0x4080] =	vst v63  }
0x40: {  	_ =	swait.ge [sflag:s9], $0x80  }
0x41: {  	[sflag:s9] =	ssyncset.done $0x0  }
0x42: {  	[sflag:s9] =	ssyncadd.s32 $0xFFFFFF80  }
0x43: {  	[tilespmem:s10], [sflag:$0x1] =	stream.indirect.gather [hbm4b:s3+s10], $0x80, s2, s10, $0xb8;
	[tilespmem:$0x4080] =	vst v63  }
0x44: {  	_ =	swait.ge [sflag:s11], $0x4000  }
0x45: {  	[sflag:s11] =	ssyncset.done $0x0  }
0x46: {  	[sflag:s11] =	ssyncadd.s32 $0xFFFFC000  }
0x47: {  	[hbm4b:s15+s2] =	stream.linear.scatter [tilespmem:s10], [sflag:$0x2], $0x4000, $0x38;
	[tilespmem:$0x4080] =	vst v63  }
0x48: {  	_ =	swait.ge [sflag:s9], $0x4000  }
0x49: {  	[sflag:s9] =	ssyncset.done $0x0  }
0x4a: {  	s31 =	sadd.s32 s14, s7;
	[sflag:s9] =	ssyncadd.s32 $0xFFFFC000  }
0x4b: {  	[tilespmem:s2], [sflag:$0x2] =	stream.linear.gather [hbm4b:s31+s2], $0x80, $0x38;
	[tilespmem:$0x4080] =	vst v63  }
0x4c: {  	_ =	swait.ge [sflag:s9], $0x80  }
0x4d: {  	[sflag:s9] =	ssyncset.done $0x0  }
0x4e: {  	[sflag:s9] =	ssyncadd.s32 $0xFFFFFF80  }
0x4f: {  	[tilespmem:s10], [sflag:$0x1] =	stream.indirect.gather [hbm4b:s3+s10], $0x80, s2, s10, $0xb8;
	[tilespmem:$0x4080] =	vst v63  }
0x50: {  	s12 =	sadd.s32 $0x1, s12;
	_ =	swait.ge [sflag:s11], $0x4000  }
0x51: {  	p0 =	sne.s32 s12, s4;
	[sflag:s11] =	ssyncset.done $0x0  }
.Ltmp1:
0x52: {  	[sflag:s11] =	ssyncadd.s32 $0xFFFFC000;
	(pc) =	sbr.rel @p0 .LBB2_1-.Ltmp1, $4  }
0x53: {  	[hbm4b:s13+s2] =	stream.linear.scatter [tilespmem:s10], [sflag:$0x2], $0x4000, $0x38;
	[tilespmem:$0x4080] =	vst v63  }
0x54: {  	_ =	swait.ge [sflag:s9], $0x4000  }
0x55: {  	[sflag:s9] =	ssyncset.done $0x0  }
0x56: {  	[sflag:s9] =	ssyncadd.s32 $0xFFFFC000  }
0x57: {  	_ =	sfence.sel $0x180000  }
0x58: {  	[bflag:$0x0] =	sbarrier.arrive $0xFFFF  }
0x59: {  	p0 =	sne.s32 s1, $0x0;
	_ =	strace $0x90000059  }
0x5a: {  	s0 =	sadd.s32 @!p0 $0x100000, s0;
	[bflag:$0x2] =	sbarrier.arrive $0xFFFF  }
0x5b: {  	[sflag:s0] =	ssyncadd.tile.s32 @!p0 $0x1;
	_ =	shalt  }
.Lfunc_end2:
_tile_overlayer_lowered:
.L_overlay_start_2:
0x5c: {  	(tag) =	ssettag $0x2  }
0x5d: {  	s0 =	rddreg [dreg:$0x0];
	s2 =	stileid.u32  }
0x5e: {  	s1 =	rddreg [dreg:$0x1];
	p0 =	sne.s32 s2, $0x0  }
0x5f: {  	s3 =	rddreg [dreg:$0x2];
	[bflag:$0x3] =	sbarrier.arrive $0xFFFF;
	s2 =	simm.s32 @!p0 $0x1C02  }
0x60: {  	[timem:s3], [sflag:s2] =	dma.local @!p0 [hbm:s0], s1  }
0x61: {  	s0 =	simm.s32 @!p0 $0x2  }
0x62: {  	_ =	swait.ge @!p0 [sflag:s0], s1  }
0x63: {  	s1 =	ssub.s32 @!p0 $0x0, s1;
	[sflag:s0] =	ssyncset.done @!p0 $0x0  }
0x64: {  	[sflag:s0] =	ssyncadd.s32 @!p0 s1  }
0x65: {  	[bflag:$0x3] =	sbarrier.arrive $0xFFFF  }
0x66: {  	_ =	shalt  }

</sc_bundles>
